<compile_context>
chip_gen: v7x
topology: tpu7x:2x2x1
jax: 0.10.2.dev20260603
libtpu: 0.0.44.dev20260713+nightly
codegen_flags: <defaults>
</compile_context>

<pallas_src>
import functools

import jax
import jax.numpy as jnp
from jax import lax
from jax.experimental import pallas as pl
from jax.experimental.pallas import tpu as pltpu
from jax.experimental.pallas import tpu_sc as plsc

NC = 2
NS = 16
LANES = 16

S0 = 104
C = 65536


def _pack_body(tt_ref, out_ref):
  n = C // 4
  stacked = jnp.concatenate(
      [tt_ref[:, n * k:n * (k + 1)] for k in range(4)], axis=0)
  out_ref[...] = stacked.T


def _pool_body(B, H, b_per_w,
               x_hbm, table_hbm, out_hbm,
               idx_v, rows_a, rows_b, rows_c, rows_d,
               rows_e, rows_f, rows_g, rows_h, out_v,
               sem_a, sem_b, sem_c, sem_d,
               sem_e, sem_f, sem_g, sem_h):
  s1 = H - S0
  wid = lax.axis_index("s") * NC + lax.axis_index("c")
  base = wid * b_per_w

  pltpu.sync_copy(x_hbm.at[pl.ds(base * H, b_per_w * H)], idx_v)

  n = C // 4
  sh = n.bit_length() - 1

  def tbody(i, carry):
    for u in range(4):
      o = (i * 4 + u) * LANES
      v = idx_v[pl.ds(o, LANES)]
      w = v & (C - 1)
      idx_v[pl.ds(o, LANES)] = (v - w) + ((w & (n - 1)) << 2) + (w >> sh)
    return carry

  lax.fori_loop(0, (b_per_w * H) // (4 * LANES), tbody, 0)

  def start(e, rows, sem):
    off = e * H
    pltpu.async_copy(table_hbm.at[idx_v.at[pl.ds(off, S0)]],
                     rows.at[pl.ds(0, S0)], sem)
    pltpu.async_copy(table_hbm.at[idx_v.at[pl.ds(off + S0, s1)]],
                     rows.at[pl.ds(S0, s1)], sem)

  def wait(rows, sem):
    pltpu.make_async_copy(table_hbm.at[idx_v.at[pl.ds(0, S0)]],
                          rows.at[pl.ds(0, S0)], sem).wait()
    pltpu.make_async_copy(table_hbm.at[idx_v.at[pl.ds(0, s1)]],
                          rows.at[pl.ds(S0, s1)], sem).wait()

  def reduce_into(rows, e):
    zero = jnp.zeros((LANES,), jnp.float32)

    def red(i, accs):
      a0, a1, a2, a3 = accs
      for u in range(8):
        j = i * 8 + u
        if u % 2 == 0:
          a0 = a0 + rows[j, 0:16]
          a1 = a1 + rows[j, 16:32]
        else:
          a2 = a2 + rows[j, 0:16]
          a3 = a3 + rows[j, 16:32]
      return a0, a1, a2, a3

    a0, a1, a2, a3 = lax.fori_loop(0, H // 8, red, (zero, zero, zero, zero))
    out_v[e, 0:16] = a0 + a2
    out_v[e, 16:32] = a1 + a3

  bufs = (rows_a, rows_b, rows_c, rows_d, rows_e, rows_f, rows_g, rows_h)
  sems = (sem_a, sem_b, sem_c, sem_d, sem_e, sem_f, sem_g, sem_h)
  nbuf = len(bufs)
  for u in range(nbuf):
    start(u, bufs[u], sems[u])

  def body(i, carry):
    e0 = nbuf * i
    for u in range(nbuf):
      wait(bufs[u], sems[u])
      reduce_into(bufs[u], e0 + u)

      @pl.when(e0 + u + nbuf < b_per_w)
      def _():
        start(e0 + u + nbuf, bufs[u], sems[u])

    return carry

  lax.fori_loop(0, b_per_w // nbuf, body, 0)

  pltpu.sync_copy(out_v, out_hbm.at[pl.ds(base, b_per_w)])


def _head_body(scale, agg_ref, wt_ref, b_ref, out_ref):
  out_ref[...] = (
      jnp.dot(agg_ref[...], wt_ref[...], preferred_element_type=jnp.float32)
      * scale + b_ref[...])


def kernel(x, table, W, b):
  B, H = x.shape
  V, D = table.shape
  OUT = W.shape[0]
  nw = NC * NS
  b_per_w = B // nw

  x_flat = x.astype(jnp.int32).reshape(-1)

  grid = (V + C - 1) // C
  packed = pl.pallas_call(
      _pack_body,
      grid=(grid,),
      in_specs=[pl.BlockSpec((D, C), lambda j: (0, j))],
      out_specs=pl.BlockSpec((C // 4, 128), lambda j: (j, 0)),
      out_shape=jax.ShapeDtypeStruct((grid * (C // 4), 128), jnp.float32),
  )(table.T)
  v_pad = grid * C
  table_lin = packed.reshape(v_pad, D)

  mesh = plsc.VectorSubcoreMesh(core_axis_name="c", subcore_axis_name="s",
                                num_cores=NC, num_subcores=NS)
  sums = pl.kernel(
      functools.partial(_pool_body, B, H, b_per_w),
      out_type=jax.ShapeDtypeStruct((B, D), jnp.float32),
      mesh=mesh,
      compiler_params=pltpu.CompilerParams(use_tc_tiling_on_sc=False),
      scratch_types=[
          pltpu.VMEM((b_per_w * H,), jnp.int32),
          pltpu.VMEM((H, D), jnp.float32),
          pltpu.VMEM((H, D), jnp.float32),
          pltpu.VMEM((H, D), jnp.float32),
          pltpu.VMEM((H, D), jnp.float32),
          pltpu.VMEM((H, D), jnp.float32),
          pltpu.VMEM((H, D), jnp.float32),
          pltpu.VMEM((H, D), jnp.float32),
          pltpu.VMEM((H, D), jnp.float32),
          pltpu.VMEM((b_per_w, D), jnp.float32),
          pltpu.SemaphoreType.DMA,
          pltpu.SemaphoreType.DMA,
          pltpu.SemaphoreType.DMA,
          pltpu.SemaphoreType.DMA,
          pltpu.SemaphoreType.DMA,
          pltpu.SemaphoreType.DMA,
          pltpu.SemaphoreType.DMA,
          pltpu.SemaphoreType.DMA,
      ],
  )(x_flat, table_lin)

  out = pl.pallas_call(
      functools.partial(_head_body, 1.0 / H),
      out_shape=jax.ShapeDtypeStruct((B, OUT), jnp.float32),
  )(sums, W.T, b.reshape(1, OUT))
  return out

# --- scband reference (transcript-rebuilt; emitter-appended) ---
"""Pipeline reference for scband-embedding-agg-classifier-47828755808677 (READ-ONLY COPY).

The authoritative reference and input builder live on the scoring server;
editing this copy changes nothing except your own understanding.
"""

import jax, jax.numpy as jnp
import numpy as np

VOCAB = 1000000
EMBED_DIM = 32
OUT_DIM = 128
BATCH = 4096
HIST = 200

def setup_inputs(seed: int = 0) -> dict:
    key = jax.random.key(seed)
    k1, k2, k3, k4 = jax.random.split(key, 4)
    x = jax.random.randint(k1, (BATCH, HIST), 0, VOCAB, dtype=jnp.int64 if jax.config.jax_enable_x64 else jnp.int32)
    table = jax.random.normal(k2, (VOCAB, EMBED_DIM), dtype=jnp.float32)
    W = jax.random.normal(k3, (OUT_DIM, EMBED_DIM), dtype=jnp.float32) * (1.0 / np.sqrt(EMBED_DIM))
    b = jax.random.normal(k4, (OUT_DIM,), dtype=jnp.float32) * 0.01
    return {"x": x, "table": table, "W": W, "b": b}

def reference(x, table, W, b):
    # embedding lookup: gather rows of the table
    embeddings = jnp.take(table, x, axis=0)          # [B, L, D]
    aggregated = jnp.mean(embeddings, axis=1)         # [B, D]
    output = aggregated @ W.T + b                     # [B, OUT]
    return output

if __name__ == "__main__":
    import jax
    _d = setup_inputs()
    print(jax.jit(kernel)(*tuple(_d.values())))

</pallas_src>

<mosaic_0001>
#map = affine_map<(d0, d1) -> (0)>
#map1 = affine_map<(d0, d1) -> (0, 0)>
module attributes {stable_mosaic.version = 14 : i64} {
  func.func @_pool_body(%arg0: i32, %arg1: i32, %arg2: memref<819200xi32, #tpu.memory_space<hbm>>, %arg3: memref<1048576x32xf32, #tpu.memory_space<hbm>>, %arg4: memref<4096x32xf32, #tpu.memory_space<hbm>>, %arg5: memref<25600xi32, #tpu.memory_space<vmem>>, %arg6: memref<200x32xf32, #tpu.memory_space<vmem>>, %arg7: memref<200x32xf32, #tpu.memory_space<vmem>>, %arg8: memref<200x32xf32, #tpu.memory_space<vmem>>, %arg9: memref<200x32xf32, #tpu.memory_space<vmem>>, %arg10: memref<200x32xf32, #tpu.memory_space<vmem>>, %arg11: memref<200x32xf32, #tpu.memory_space<vmem>>, %arg12: memref<200x32xf32, #tpu.memory_space<vmem>>, %arg13: memref<200x32xf32, #tpu.memory_space<vmem>>, %arg14: memref<128x32xf32, #tpu.memory_space<vmem>>, %arg15: memref<!tpu.dma_semaphore, #tpu.memory_space<semaphore_mem>>, %arg16: memref<!tpu.dma_semaphore, #tpu.memory_space<semaphore_mem>>, %arg17: memref<!tpu.dma_semaphore, #tpu.memory_space<semaphore_mem>>, %arg18: memref<!tpu.dma_semaphore, #tpu.memory_space<semaphore_mem>>, %arg19: memref<!tpu.dma_semaphore, #tpu.memory_space<semaphore_mem>>, %arg20: memref<!tpu.dma_semaphore, #tpu.memory_space<semaphore_mem>>, %arg21: memref<!tpu.dma_semaphore, #tpu.memory_space<semaphore_mem>>, %arg22: memref<!tpu.dma_semaphore, #tpu.memory_space<semaphore_mem>>) attributes {dimension_semantics = [#tpu.dimension_semantics<core_parallel>, #tpu.dimension_semantics<subcore_parallel>], iteration_bounds = array<i64: 2, 16>, scalar_prefetch = 0 : i64, scratch_operands = 18 : i64, tpu.core_type = #tpu.core_type<sc_vector_subcore>, window_params = [{transform_indices = #map}, {transform_indices = #map1}, {transform_indices = #map1}]} {
    %mul3A = arith.constant 2 : i32
    %mul3A_0 = arith.muli %arg1, %mul3A : i32
    %add3A = arith.addi %mul3A_0, %arg0 : i32
    %mul3A_1 = arith.constant 128 : i32
    %mul3A_2 = arith.muli %add3A, %mul3A_1 : i32
    %mul3A_3 = arith.constant 200 : i32
    %mul3A_4 = arith.muli %mul3A_2, %mul3A_3 : i32
    "tpu.region"() ({
      %run_scoped3A = tpu.sem_alloc : memref<!tpu.dma_semaphore, #tpu.memory_space<semaphore_mem>>
      %dma_start3A_143 = tpu.memref_slice %arg2[%mul3A_4] : memref<819200xi32, #tpu.memory_space<hbm>> -> memref<25600xi32, #tpu.memory_space<hbm>>
      %dma_start3A_144 = tpu.memref_slice %arg2[%mul3A_4] : memref<819200xi32, #tpu.memory_space<hbm>> -> memref<25600xi32, #tpu.memory_space<hbm>>
      tpu.enqueue_dma source(%dma_start3A_144 : memref<25600xi32, #tpu.memory_space<hbm>>) target(%arg5 : memref<25600xi32, #tpu.memory_space<vmem>>) target_semaphore(%run_scoped3A : memref<!tpu.dma_semaphore, #tpu.memory_space<semaphore_mem>>)
      %dma_wait3A = tpu.memref_slice %arg2[%mul3A_4] : memref<819200xi32, #tpu.memory_space<hbm>> -> memref<25600xi32, #tpu.memory_space<hbm>>
      %dma_wait3A_145 = tpu.memref_slice %arg2[%mul3A_4] : memref<819200xi32, #tpu.memory_space<hbm>> -> memref<25600xi32, #tpu.memory_space<hbm>>
      tpu.wait_dma2 semaphore(%run_scoped3A : memref<!tpu.dma_semaphore, #tpu.memory_space<semaphore_mem>>) src(%dma_wait3A_145 : memref<25600xi32, #tpu.memory_space<hbm>>) dst(%arg5 : memref<25600xi32, #tpu.memory_space<vmem>>)
      tpu.yield
    }) : () -> ()
    %scan3A = arith.constant 0 : i32
    %scan3A_5 = arith.constant 0 : i32
    %scan3A_6 = arith.constant 400 : i32
    %scan3A_7 = arith.addi %scan3A_5, %scan3A_6 : i32
    %scan3A_8 = arith.constant 1 : i32
    scf.for %scan3A_143 = %scan3A_5 to %scan3A_7 step %scan3A_8  : i32 {
      %mul3A_144 = arith.constant 4 : i32
      %mul3A_145 = arith.muli %scan3A_143, %mul3A_144 : i32
      %add3A_146 = arith.constant 0 : i32
      %add3A_147 = arith.addi %mul3A_145, %add3A_146 : i32
      %mul3A_148 = arith.constant 16 : i32
      %mul3A_149 = arith.muli %add3A_147, %mul3A_148 : i32
      %get3A = arith.index_cast %mul3A_149 : i32 to index
      %get3A_150 = tpu.vector_load %arg5[%get3A] {strides = array<i32>} : memref<25600xi32, #tpu.memory_space<vmem>>, vector<16xi32>,
      %get3A_151 = vector.shape_cast %get3A_150 : vector<16xi32> to vector<16xi32>
      %and3A = arith.constant 65535 : i32
      %and3A_152 = vector.broadcast %and3A : i32 to vector<16xi32>
      %and3A_153 = arith.andi %get3A_151, %and3A_152 : vector<16xi32>
      %sub3A = arith.subi %get3A_151, %and3A_153 : vector<16xi32>
      %and3A_154 = arith.constant 16383 : i32
      %and3A_155 = vector.broadcast %and3A_154 : i32 to vector<16xi32>
      %and3A_156 = arith.andi %and3A_153, %and3A_155 : vector<16xi32>
      %shift_left3A = arith.constant 2 : i32
      %shift_left3A_157 = vector.broadcast %shift_left3A : i32 to vector<16xi32>
      %shift_left3A_158 = arith.shli %and3A_156, %shift_left3A_157 : vector<16xi32>
      %add3A_159 = arith.addi %sub3A, %shift_left3A_158 : vector<16xi32>
      %shift_right_arithmetic3A = arith.constant 14 : i32
      %shift_right_arithmetic3A_160 = vector.broadcast %shift_right_arithmetic3A : i32 to vector<16xi32>
      %shift_right_arithmetic3A_161 = arith.shrsi %and3A_153, %shift_right_arithmetic3A_160 : vector<16xi32>
      %add3A_162 = arith.addi %add3A_159, %shift_right_arithmetic3A_161 : vector<16xi32>
      %swap3A = arith.index_cast %mul3A_149 : i32 to index
      %swap3A_163 = tpu.vector_load %arg5[%swap3A] {strides = array<i32>} : memref<25600xi32, #tpu.memory_space<vmem>>, vector<16xi32>,
      %swap3A_164 = vector.shape_cast %swap3A_163 : vector<16xi32> to vector<16xi32>
      %swap3A_165 = vector.shape_cast %add3A_162 : vector<16xi32> to vector<16xi32>
      tpu.vector_store %arg5[%swap3A], %swap3A_165 {strides = array<i32>} : memref<25600xi32, #tpu.memory_space<vmem>>, vector<16xi32>,
      %mul3A_166 = arith.constant 4 : i32
      %mul3A_167 = arith.muli %scan3A_143, %mul3A_166 : i32
      %add3A_168 = arith.constant 1 : i32
      %add3A_169 = arith.addi %mul3A_167, %add3A_168 : i32
      %mul3A_170 = arith.constant 16 : i32
      %mul3A_171 = arith.muli %add3A_169, %mul3A_170 : i32
      %get3A_172 = arith.index_cast %mul3A_171 : i32 to index
      %get3A_173 = tpu.vector_load %arg5[%get3A_172] {strides = array<i32>} : memref<25600xi32, #tpu.memory_space<vmem>>, vector<16xi32>,
      %get3A_174 = vector.shape_cast %get3A_173 : vector<16xi32> to vector<16xi32>
      %and3A_175 = arith.constant 65535 : i32
      %and3A_176 = vector.broadcast %and3A_175 : i32 to vector<16xi32>
      %and3A_177 = arith.andi %get3A_174, %and3A_176 : vector<16xi32>
      %sub3A_178 = arith.subi %get3A_174, %and3A_177 : vector<16xi32>
      %and3A_179 = arith.constant 16383 : i32
      %and3A_180 = vector.broadcast %and3A_179 : i32 to vector<16xi32>
      %and3A_181 = arith.andi %and3A_177, %and3A_180 : vector<16xi32>
      %shift_left3A_182 = arith.constant 2 : i32
      %shift_left3A_183 = vector.broadcast %shift_left3A_182 : i32 to vector<16xi32>
      %shift_left3A_184 = arith.shli %and3A_181, %shift_left3A_183 : vector<16xi32>
      %add3A_185 = arith.addi %sub3A_178, %shift_left3A_184 : vector<16xi32>
      %shift_right_arithmetic3A_186 = arith.constant 14 : i32
      %shift_right_arithmetic3A_187 = vector.broadcast %shift_right_arithmetic3A_186 : i32 to vector<16xi32>
      %shift_right_arithmetic3A_188 = arith.shrsi %and3A_177, %shift_right_arithmetic3A_187 : vector<16xi32>
      %add3A_189 = arith.addi %add3A_185, %shift_right_arithmetic3A_188 : vector<16xi32>
      %swap3A_190 = arith.index_cast %mul3A_171 : i32 to index
      %swap3A_191 = tpu.vector_load %arg5[%swap3A_190] {strides = array<i32>} : memref<25600xi32, #tpu.memory_space<vmem>>, vector<16xi32>,
      %swap3A_192 = vector.shape_cast %swap3A_191 : vector<16xi32> to vector<16xi32>
      %swap3A_193 = vector.shape_cast %add3A_189 : vector<16xi32> to vector<16xi32>
      tpu.vector_store %arg5[%swap3A_190], %swap3A_193 {strides = array<i32>} : memref<25600xi32, #tpu.memory_space<vmem>>, vector<16xi32>,
      %mul3A_194 = arith.constant 4 : i32
      %mul3A_195 = arith.muli %scan3A_143, %mul3A_194 : i32
      %add3A_196 = arith.constant 2 : i32
      %add3A_197 = arith.addi %mul3A_195, %add3A_196 : i32
      %mul3A_198 = arith.constant 16 : i32
      %mul3A_199 = arith.muli %add3A_197, %mul3A_198 : i32
      %get3A_200 = arith.index_cast %mul3A_199 : i32 to index
      %get3A_201 = tpu.vector_load %arg5[%get3A_200] {strides = array<i32>} : memref<25600xi32, #tpu.memory_space<vmem>>, vector<16xi32>,
      %get3A_202 = vector.shape_cast %get3A_201 : vector<16xi32> to vector<16xi32>
      %and3A_203 = arith.constant 65535 : i32
      %and3A_204 = vector.broadcast %and3A_203 : i32 to vector<16xi32>
      %and3A_205 = arith.andi %get3A_202, %and3A_204 : vector<16xi32>
      %sub3A_206 = arith.subi %get3A_202, %and3A_205 : vector<16xi32>
      %and3A_207 = arith.constant 16383 : i32
      %and3A_208 = vector.broadcast %and3A_207 : i32 to vector<16xi32>
      %and3A_209 = arith.andi %and3A_205, %and3A_208 : vector<16xi32>
      %shift_left3A_210 = arith.constant 2 : i32
      %shift_left3A_211 = vector.broadcast %shift_left3A_210 : i32 to vector<16xi32>
      %shift_left3A_212 = arith.shli %and3A_209, %shift_left3A_211 : vector<16xi32>
      %add3A_213 = arith.addi %sub3A_206, %shift_left3A_212 : vector<16xi32>
      %shift_right_arithmetic3A_214 = arith.constant 14 : i32
      %shift_right_arithmetic3A_215 = vector.broadcast %shift_right_arithmetic3A_214 : i32 to vector<16xi32>
      %shift_right_arithmetic3A_216 = arith.shrsi %and3A_205, %shift_right_arithmetic3A_215 : vector<16xi32>
      %add3A_217 = arith.addi %add3A_213, %shift_right_arithmetic3A_216 : vector<16xi32>
      %swap3A_218 = arith.index_cast %mul3A_199 : i32 to index
      %swap3A_219 = tpu.vector_load %arg5[%swap3A_218] {strides = array<i32>} : memref<25600xi32, #tpu.memory_space<vmem>>, vector<16xi32>,
      %swap3A_220 = vector.shape_cast %swap3A_219 : vector<16xi32> to vector<16xi32>
      %swap3A_221 = vector.shape_cast %add3A_217 : vector<16xi32> to vector<16xi32>
      tpu.vector_store %arg5[%swap3A_218], %swap3A_221 {strides = array<i32>} : memref<25600xi32, #tpu.memory_space<vmem>>, vector<16xi32>,
      %mul3A_222 = arith.constant 4 : i32
      %mul3A_223 = arith.muli %scan3A_143, %mul3A_222 : i32
      %add3A_224 = arith.constant 3 : i32
      %add3A_225 = arith.addi %mul3A_223, %add3A_224 : i32
      %mul3A_226 = arith.constant 16 : i32
      %mul3A_227 = arith.muli %add3A_225, %mul3A_226 : i32
      %get3A_228 = arith.index_cast %mul3A_227 : i32 to index
      %get3A_229 = tpu.vector_load %arg5[%get3A_228] {strides = array<i32>} : memref<25600xi32, #tpu.memory_space<vmem>>, vector<16xi32>,
      %get3A_230 = vector.shape_cast %get3A_229 : vector<16xi32> to vector<16xi32>
      %and3A_231 = arith.constant 65535 : i32
      %and3A_232 = vector.broadcast %and3A_231 : i32 to vector<16xi32>
      %and3A_233 = arith.andi %get3A_230, %and3A_232 : vector<16xi32>
      %sub3A_234 = arith.subi %get3A_230, %and3A_233 : vector<16xi32>
      %and3A_235 = arith.constant 16383 : i32
      %and3A_236 = vector.broadcast %and3A_235 : i32 to vector<16xi32>
      %and3A_237 = arith.andi %and3A_233, %and3A_236 : vector<16xi32>
      %shift_left3A_238 = arith.constant 2 : i32
      %shift_left3A_239 = vector.broadcast %shift_left3A_238 : i32 to vector<16xi32>
      %shift_left3A_240 = arith.shli %and3A_237, %shift_left3A_239 : vector<16xi32>
      %add3A_241 = arith.addi %sub3A_234, %shift_left3A_240 : vector<16xi32>
      %shift_right_arithmetic3A_242 = arith.constant 14 : i32
      %shift_right_arithmetic3A_243 = vector.broadcast %shift_right_arithmetic3A_242 : i32 to vector<16xi32>
      %shift_right_arithmetic3A_244 = arith.shrsi %and3A_233, %shift_right_arithmetic3A_243 : vector<16xi32>
      %add3A_245 = arith.addi %add3A_241, %shift_right_arithmetic3A_244 : vector<16xi32>
      %swap3A_246 = arith.index_cast %mul3A_227 : i32 to index
      %swap3A_247 = tpu.vector_load %arg5[%swap3A_246] {strides = array<i32>} : memref<25600xi32, #tpu.memory_space<vmem>>, vector<16xi32>,
      %swap3A_248 = vector.shape_cast %swap3A_247 : vector<16xi32> to vector<16xi32>
      %swap3A_249 = vector.shape_cast %add3A_245 : vector<16xi32> to vector<16xi32>
      tpu.vector_store %arg5[%swap3A_246], %swap3A_249 {strides = array<i32>} : memref<25600xi32, #tpu.memory_space<vmem>>, vector<16xi32>,
    }
    %scan3A_9 = arith.constant 400 : i32
    %dma_start3A = arith.constant 0 : i32
    %dma_start3A_10 = arith.constant 0 : i32
    %dma_start3A_11 = tpu.memref_slice %arg6[%dma_start3A, %dma_start3A_10] : memref<200x32xf32, #tpu.memory_space<vmem>> -> memref<104x32xf32, #tpu.memory_space<vmem>>
    %dma_start3A_12 = arith.constant 0 : i32
    %dma_start3A_13 = tpu.memref_slice %arg5[%dma_start3A_12] : memref<25600xi32, #tpu.memory_space<vmem>> -> memref<104xi32, #tpu.memory_space<vmem>>
    %dma_start3A_14 = arith.constant 0 : i32
    %dma_start3A_15 = arith.constant 0 : i32
    %dma_start3A_16 = tpu.memref_slice %arg3[%dma_start3A_14, %dma_start3A_15] : memref<1048576x32xf32, #tpu.memory_space<hbm>> -> memref<1048576x32xf32, #tpu.memory_space<hbm>>
    tpu.enqueue_indirect_dma source(%dma_start3A_16 : memref<1048576x32xf32, #tpu.memory_space<hbm>>) target(%dma_start3A_11 : memref<104x32xf32, #tpu.memory_space<vmem>>) offsets(%dma_start3A_13 : memref<104xi32, #tpu.memory_space<vmem>>) semaphore(%arg15 : memref<!tpu.dma_semaphore, #tpu.memory_space<semaphore_mem>>)
    %dma_start3A_17 = arith.constant 104 : i32
    %dma_start3A_18 = arith.constant 0 : i32
    %dma_start3A_19 = tpu.memref_slice %arg6[%dma_start3A_17, %dma_start3A_18] : memref<200x32xf32, #tpu.memory_space<vmem>> -> memref<96x32xf32, #tpu.memory_space<vmem>>
    %dma_start3A_20 = arith.constant 104 : i32
    %dma_start3A_21 = tpu.memref_slice %arg5[%dma_start3A_20] : memref<25600xi32, #tpu.memory_space<vmem>> -> memref<96xi32, #tpu.memory_space<vmem>>
    %dma_start3A_22 = arith.constant 0 : i32
    %dma_start3A_23 = arith.constant 0 : i32
    %dma_start3A_24 = tpu.memref_slice %arg3[%dma_start3A_22, %dma_start3A_23] : memref<1048576x32xf32, #tpu.memory_space<hbm>> -> memref<1048576x32xf32, #tpu.memory_space<hbm>>
    tpu.enqueue_indirect_dma source(%dma_start3A_24 : memref<1048576x32xf32, #tpu.memory_space<hbm>>) target(%dma_start3A_19 : memref<96x32xf32, #tpu.memory_space<vmem>>) offsets(%dma_start3A_21 : memref<96xi32, #tpu.memory_space<vmem>>) semaphore(%arg15 : memref<!tpu.dma_semaphore, #tpu.memory_space<semaphore_mem>>)
    %dma_start3A_25 = arith.constant 0 : i32
    %dma_start3A_26 = arith.constant 0 : i32
    %dma_start3A_27 = tpu.memref_slice %arg7[%dma_start3A_25, %dma_start3A_26] : memref<200x32xf32, #tpu.memory_space<vmem>> -> memref<104x32xf32, #tpu.memory_space<vmem>>
    %dma_start3A_28 = arith.constant 200 : i32
    %dma_start3A_29 = tpu.memref_slice %arg5[%dma_start3A_28] : memref<25600xi32, #tpu.memory_space<vmem>> -> memref<104xi32, #tpu.memory_space<vmem>>
    %dma_start3A_30 = arith.constant 0 : i32
    %dma_start3A_31 = arith.constant 0 : i32
    %dma_start3A_32 = tpu.memref_slice %arg3[%dma_start3A_30, %dma_start3A_31] : memref<1048576x32xf32, #tpu.memory_space<hbm>> -> memref<1048576x32xf32, #tpu.memory_space<hbm>>
    tpu.enqueue_indirect_dma source(%dma_start3A_32 : memref<1048576x32xf32, #tpu.memory_space<hbm>>) target(%dma_start3A_27 : memref<104x32xf32, #tpu.memory_space<vmem>>) offsets(%dma_start3A_29 : memref<104xi32, #tpu.memory_space<vmem>>) semaphore(%arg16 : memref<!tpu.dma_semaphore, #tpu.memory_space<semaphore_mem>>)
    %dma_start3A_33 = arith.constant 104 : i32
    %dma_start3A_34 = arith.constant 0 : i32
    %dma_start3A_35 = tpu.memref_slice %arg7[%dma_start3A_33, %dma_start3A_34] : memref<200x32xf32, #tpu.memory_space<vmem>> -> memref<96x32xf32, #tpu.memory_space<vmem>>
    %dma_start3A_36 = arith.constant 304 : i32
    %dma_start3A_37 = tpu.memref_slice %arg5[%dma_start3A_36] : memref<25600xi32, #tpu.memory_space<vmem>> -> memref<96xi32, #tpu.memory_space<vmem>>
    %dma_start3A_38 = arith.constant 0 : i32
    %dma_start3A_39 = arith.constant 0 : i32
    %dma_start3A_40 = tpu.memref_slice %arg3[%dma_start3A_38, %dma_start3A_39] : memref<1048576x32xf32, #tpu.memory_space<hbm>> -> memref<1048576x32xf32, #tpu.memory_space<hbm>>
    tpu.enqueue_indirect_dma source(%dma_start3A_40 : memref<1048576x32xf32, #tpu.memory_space<hbm>>) target(%dma_start3A_35 : memref<96x32xf32, #tpu.memory_space<vmem>>) offsets(%dma_start3A_37 : memref<96xi32, #tpu.memory_space<vmem>>) semaphore(%arg16 : memref<!tpu.dma_semaphore, #tpu.memory_space<semaphore_mem>>)
    %dma_start3A_41 = arith.constant 0 : i32
    %dma_start3A_42 = arith.constant 0 : i32
    %dma_start3A_43 = tpu.memref_slice %arg8[%dma_start3A_41, %dma_start3A_42] : memref<200x32xf32, #tpu.memory_space<vmem>> -> memref<104x32xf32, #tpu.memory_space<vmem>>
    %dma_start3A_44 = arith.constant 400 : i32
    %dma_start3A_45 = tpu.memref_slice %arg5[%dma_start3A_44] : memref<25600xi32, #tpu.memory_space<vmem>> -> memref<104xi32, #tpu.memory_space<vmem>>
    %dma_start3A_46 = arith.constant 0 : i32
    %dma_start3A_47 = arith.constant 0 : i32
    %dma_start3A_48 = tpu.memref_slice %arg3[%dma_start3A_46, %dma_start3A_47] : memref<1048576x32xf32, #tpu.memory_space<hbm>> -> memref<1048576x32xf32, #tpu.memory_space<hbm>>
    tpu.enqueue_indirect_dma source(%dma_start3A_48 : memref<1048576x32xf32, #tpu.memory_space<hbm>>) target(%dma_start3A_43 : memref<104x32xf32, #tpu.memory_space<vmem>>) offsets(%dma_start3A_45 : memref<104xi32, #tpu.memory_space<vmem>>) semaphore(%arg17 : memref<!tpu.dma_semaphore, #tpu.memory_space<semaphore_mem>>)
    %dma_start3A_49 = arith.constant 104 : i32
    %dma_start3A_50 = arith.constant 0 : i32
    %dma_start3A_51 = tpu.memref_slice %arg8[%dma_start3A_49, %dma_start3A_50] : memref<200x32xf32, #tpu.memory_space<vmem>> -> memref<96x32xf32, #tpu.memory_space<vmem>>
    %dma_start3A_52 = arith.constant 504 : i32
    %dma_start3A_53 = tpu.memref_slice %arg5[%dma_start3A_52] : memref<25600xi32, #tpu.memory_space<vmem>> -> memref<96xi32, #tpu.memory_space<vmem>>
    %dma_start3A_54 = arith.constant 0 : i32
    %dma_start3A_55 = arith.constant 0 : i32
    %dma_start3A_56 = tpu.memref_slice %arg3[%dma_start3A_54, %dma_start3A_55] : memref<1048576x32xf32, #tpu.memory_space<hbm>> -> memref<1048576x32xf32, #tpu.memory_space<hbm>>
    tpu.enqueue_indirect_dma source(%dma_start3A_56 : memref<1048576x32xf32, #tpu.memory_space<hbm>>) target(%dma_start3A_51 : memref<96x32xf32, #tpu.memory_space<vmem>>) offsets(%dma_start3A_53 : memref<96xi32, #tpu.memory_space<vmem>>) semaphore(%arg17 : memref<!tpu.dma_semaphore, #tpu.memory_space<semaphore_mem>>)
    %dma_start3A_57 = arith.constant 0 : i32
    %dma_start3A_58 = arith.constant 0 : i32
    %dma_start3A_59 = tpu.memref_slice %arg9[%dma_start3A_57, %dma_start3A_58] : memref<200x32xf32, #tpu.memory_space<vmem>> -> memref<104x32xf32, #tpu.memory_space<vmem>>
    %dma_start3A_60 = arith.constant 600 : i32
    %dma_start3A_61 = tpu.memref_slice %arg5[%dma_start3A_60] : memref<25600xi32, #tpu.memory_space<vmem>> -> memref<104xi32, #tpu.memory_space<vmem>>
    %dma_start3A_62 = arith.constant 0 : i32
    %dma_start3A_63 = arith.constant 0 : i32
    %dma_start3A_64 = tpu.memref_slice %arg3[%dma_start3A_62, %dma_start3A_63] : memref<1048576x32xf32, #tpu.memory_space<hbm>> -> memref<1048576x32xf32, #tpu.memory_space<hbm>>
    tpu.enqueue_indirect_dma source(%dma_start3A_64 : memref<1048576x32xf32, #tpu.memory_space<hbm>>) target(%dma_start3A_59 : memref<104x32xf32, #tpu.memory_space<vmem>>) offsets(%dma_start3A_61 : memref<104xi32, #tpu.memory_space<vmem>>) semaphore(%arg18 : memref<!tpu.dma_semaphore, #tpu.memory_space<semaphore_mem>>)
    %dma_start3A_65 = arith.constant 104 : i32
    %dma_start3A_66 = arith.constant 0 : i32
    %dma_start3A_67 = tpu.memref_slice %arg9[%dma_start3A_65, %dma_start3A_66] : memref<200x32xf32, #tpu.memory_space<vmem>> -> memref<96x32xf32, #tpu.memory_space<vmem>>
    %dma_start3A_68 = arith.constant 704 : i32
    %dma_start3A_69 = tpu.memref_slice %arg5[%dma_start3A_68] : memref<25600xi32, #tpu.memory_space<vmem>> -> memref<96xi32, #tpu.memory_space<vmem>>
    %dma_start3A_70 = arith.constant 0 : i32
    %dma_start3A_71 = arith.constant 0 : i32
    %dma_start3A_72 = tpu.memref_slice %arg3[%dma_start3A_70, %dma_start3A_71] : memref<1048576x32xf32, #tpu.memory_space<hbm>> -> memref<1048576x32xf32, #tpu.memory_space<hbm>>
    tpu.enqueue_indirect_dma source(%dma_start3A_72 : memref<1048576x32xf32, #tpu.memory_space<hbm>>) target(%dma_start3A_67 : memref<96x32xf32, #tpu.memory_space<vmem>>) offsets(%dma_start3A_69 : memref<96xi32, #tpu.memory_space<vmem>>) semaphore(%arg18 : memref<!tpu.dma_semaphore, #tpu.memory_space<semaphore_mem>>)
    %dma_start3A_73 = arith.constant 0 : i32
    %dma_start3A_74 = arith.constant 0 : i32
    %dma_start3A_75 = tpu.memref_slice %arg10[%dma_start3A_73, %dma_start3A_74] : memref<200x32xf32, #tpu.memory_space<vmem>> -> memref<104x32xf32, #tpu.memory_space<vmem>>
    %dma_start3A_76 = arith.constant 800 : i32
    %dma_start3A_77 = tpu.memref_slice %arg5[%dma_start3A_76] : memref<25600xi32, #tpu.memory_space<vmem>> -> memref<104xi32, #tpu.memory_space<vmem>>
    %dma_start3A_78 = arith.constant 0 : i32
    %dma_start3A_79 = arith.constant 0 : i32
    %dma_start3A_80 = tpu.memref_slice %arg3[%dma_start3A_78, %dma_start3A_79] : memref<1048576x32xf32, #tpu.memory_space<hbm>> -> memref<1048576x32xf32, #tpu.memory_space<hbm>>
    tpu.enqueue_indirect_dma source(%dma_start3A_80 : memref<1048576x32xf32, #tpu.memory_space<hbm>>) target(%dma_start3A_75 : memref<104x32xf32, #tpu.memory_space<vmem>>) offsets(%dma_start3A_77 : memref<104xi32, #tpu.memory_space<vmem>>) semaphore(%arg19 : memref<!tpu.dma_semaphore, #tpu.memory_space<semaphore_mem>>)
    %dma_start3A_81 = arith.constant 104 : i32
    %dma_start3A_82 = arith.constant 0 : i32
    %dma_start3A_83 = tpu.memref_slice %arg10[%dma_start3A_81, %dma_start3A_82] : memref<200x32xf32, #tpu.memory_space<vmem>> -> memref<96x32xf32, #tpu.memory_space<vmem>>
    %dma_start3A_84 = arith.constant 904 : i32
    %dma_start3A_85 = tpu.memref_slice %arg5[%dma_start3A_84] : memref<25600xi32, #tpu.memory_space<vmem>> -> memref<96xi32, #tpu.memory_space<vmem>>
    %dma_start3A_86 = arith.constant 0 : i32
    %dma_start3A_87 = arith.constant 0 : i32
    %dma_start3A_88 = tpu.memref_slice %arg3[%dma_start3A_86, %dma_start3A_87] : memref<1048576x32xf32, #tpu.memory_space<hbm>> -> memref<1048576x32xf32, #tpu.memory_space<hbm>>
    tpu.enqueue_indirect_dma source(%dma_start3A_88 : memref<1048576x32xf32, #tpu.memory_space<hbm>>) target(%dma_start3A_83 : memref<96x32xf32, #tpu.memory_space<vmem>>) offsets(%dma_start3A_85 : memref<96xi32, #tpu.memory_space<vmem>>) semaphore(%arg19 : memref<!tpu.dma_semaphore, #tpu.memory_space<semaphore_mem>>)
    %dma_start3A_89 = arith.constant 0 : i32
    %dma_start3A_90 = arith.constant 0 : i32
    %dma_start3A_91 = tpu.memref_slice %arg11[%dma_start3A_89, %dma_start3A_90] : memref<200x32xf32, #tpu.memory_space<vmem>> -> memref<104x32xf32, #tpu.memory_space<vmem>>
    %dma_start3A_92 = arith.constant 1000 : i32
    %dma_start3A_93 = tpu.memref_slice %arg5[%dma_start3A_92] : memref<25600xi32, #tpu.memory_space<vmem>> -> memref<104xi32, #tpu.memory_space<vmem>>
    %dma_start3A_94 = arith.constant 0 : i32
    %dma_start3A_95 = arith.constant 0 : i32
    %dma_start3A_96 = tpu.memref_slice %arg3[%dma_start3A_94, %dma_start3A_95] : memref<1048576x32xf32, #tpu.memory_space<hbm>> -> memref<1048576x32xf32, #tpu.memory_space<hbm>>
    tpu.enqueue_indirect_dma source(%dma_start3A_96 : memref<1048576x32xf32, #tpu.memory_space<hbm>>) target(%dma_start3A_91 : memref<104x32xf32, #tpu.memory_space<vmem>>) offsets(%dma_start3A_93 : memref<104xi32, #tpu.memory_space<vmem>>) semaphore(%arg20 : memref<!tpu.dma_semaphore, #tpu.memory_space<semaphore_mem>>)
    %dma_start3A_97 = arith.constant 104 : i32
    %dma_start3A_98 = arith.constant 0 : i32
    %dma_start3A_99 = tpu.memref_slice %arg11[%dma_start3A_97, %dma_start3A_98] : memref<200x32xf32, #tpu.memory_space<vmem>> -> memref<96x32xf32, #tpu.memory_space<vmem>>
    %dma_start3A_100 = arith.constant 1104 : i32
    %dma_start3A_101 = tpu.memref_slice %arg5[%dma_start3A_100] : memref<25600xi32, #tpu.memory_space<vmem>> -> memref<96xi32, #tpu.memory_space<vmem>>
    %dma_start3A_102 = arith.constant 0 : i32
    %dma_start3A_103 = arith.constant 0 : i32
    %dma_start3A_104 = tpu.memref_slice %arg3[%dma_start3A_102, %dma_start3A_103] : memref<1048576x32xf32, #tpu.memory_space<hbm>> -> memref<1048576x32xf32, #tpu.memory_space<hbm>>
    tpu.enqueue_indirect_dma source(%dma_start3A_104 : memref<1048576x32xf32, #tpu.memory_space<hbm>>) target(%dma_start3A_99 : memref<96x32xf32, #tpu.memory_space<vmem>>) offsets(%dma_start3A_101 : memref<96xi32, #tpu.memory_space<vmem>>) semaphore(%arg20 : memref<!tpu.dma_semaphore, #tpu.memory_space<semaphore_mem>>)
    %dma_start3A_105 = arith.constant 0 : i32
    %dma_start3A_106 = arith.constant 0 : i32
    %dma_start3A_107 = tpu.memref_slice %arg12[%dma_start3A_105, %dma_start3A_106] : memref<200x32xf32, #tpu.memory_space<vmem>> -> memref<104x32xf32, #tpu.memory_space<vmem>>
    %dma_start3A_108 = arith.constant 1200 : i32
    %dma_start3A_109 = tpu.memref_slice %arg5[%dma_start3A_108] : memref<25600xi32, #tpu.memory_space<vmem>> -> memref<104xi32, #tpu.memory_space<vmem>>
    %dma_start3A_110 = arith.constant 0 : i32
    %dma_start3A_111 = arith.constant 0 : i32
    %dma_start3A_112 = tpu.memref_slice %arg3[%dma_start3A_110, %dma_start3A_111] : memref<1048576x32xf32, #tpu.memory_space<hbm>> -> memref<1048576x32xf32, #tpu.memory_space<hbm>>
    tpu.enqueue_indirect_dma source(%dma_start3A_112 : memref<1048576x32xf32, #tpu.memory_space<hbm>>) target(%dma_start3A_107 : memref<104x32xf32, #tpu.memory_space<vmem>>) offsets(%dma_start3A_109 : memref<104xi32, #tpu.memory_space<vmem>>) semaphore(%arg21 : memref<!tpu.dma_semaphore, #tpu.memory_space<semaphore_mem>>)
    %dma_start3A_113 = arith.constant 104 : i32
    %dma_start3A_114 = arith.constant 0 : i32
    %dma_start3A_115 = tpu.memref_slice %arg12[%dma_start3A_113, %dma_start3A_114] : memref<200x32xf32, #tpu.memory_space<vmem>> -> memref<96x32xf32, #tpu.memory_space<vmem>>
    %dma_start3A_116 = arith.constant 1304 : i32
    %dma_start3A_117 = tpu.memref_slice %arg5[%dma_start3A_116] : memref<25600xi32, #tpu.memory_space<vmem>> -> memref<96xi32, #tpu.memory_space<vmem>>
    %dma_start3A_118 = arith.constant 0 : i32
    %dma_start3A_119 = arith.constant 0 : i32
    %dma_start3A_120 = tpu.memref_slice %arg3[%dma_start3A_118, %dma_start3A_119] : memref<1048576x32xf32, #tpu.memory_space<hbm>> -> memref<1048576x32xf32, #tpu.memory_space<hbm>>
    tpu.enqueue_indirect_dma source(%dma_start3A_120 : memref<1048576x32xf32, #tpu.memory_space<hbm>>) target(%dma_start3A_115 : memref<96x32xf32, #tpu.memory_space<vmem>>) offsets(%dma_start3A_117 : memref<96xi32, #tpu.memory_space<vmem>>) semaphore(%arg21 : memref<!tpu.dma_semaphore, #tpu.memory_space<semaphore_mem>>)
    %dma_start3A_121 = arith.constant 0 : i32
    %dma_start3A_122 = arith.constant 0 : i32
    %dma_start3A_123 = tpu.memref_slice %arg13[%dma_start3A_121, %dma_start3A_122] : memref<200x32xf32, #tpu.memory_space<vmem>> -> memref<104x32xf32, #tpu.memory_space<vmem>>
    %dma_start3A_124 = arith.constant 1400 : i32
    %dma_start3A_125 = tpu.memref_slice %arg5[%dma_start3A_124] : memref<25600xi32, #tpu.memory_space<vmem>> -> memref<104xi32, #tpu.memory_space<vmem>>
    %dma_start3A_126 = arith.constant 0 : i32
    %dma_start3A_127 = arith.constant 0 : i32
    %dma_start3A_128 = tpu.memref_slice %arg3[%dma_start3A_126, %dma_start3A_127] : memref<1048576x32xf32, #tpu.memory_space<hbm>> -> memref<1048576x32xf32, #tpu.memory_space<hbm>>
    tpu.enqueue_indirect_dma source(%dma_start3A_128 : memref<1048576x32xf32, #tpu.memory_space<hbm>>) target(%dma_start3A_123 : memref<104x32xf32, #tpu.memory_space<vmem>>) offsets(%dma_start3A_125 : memref<104xi32, #tpu.memory_space<vmem>>) semaphore(%arg22 : memref<!tpu.dma_semaphore, #tpu.memory_space<semaphore_mem>>)
    %dma_start3A_129 = arith.constant 104 : i32
    %dma_start3A_130 = arith.constant 0 : i32
    %dma_start3A_131 = tpu.memref_slice %arg13[%dma_start3A_129, %dma_start3A_130] : memref<200x32xf32, #tpu.memory_space<vmem>> -> memref<96x32xf32, #tpu.memory_space<vmem>>
    %dma_start3A_132 = arith.constant 1504 : i32
    %dma_start3A_133 = tpu.memref_slice %arg5[%dma_start3A_132] : memref<25600xi32, #tpu.memory_space<vmem>> -> memref<96xi32, #tpu.memory_space<vmem>>
    %dma_start3A_134 = arith.constant 0 : i32
    %dma_start3A_135 = arith.constant 0 : i32
    %dma_start3A_136 = tpu.memref_slice %arg3[%dma_start3A_134, %dma_start3A_135] : memref<1048576x32xf32, #tpu.memory_space<hbm>> -> memref<1048576x32xf32, #tpu.memory_space<hbm>>
    tpu.enqueue_indirect_dma source(%dma_start3A_136 : memref<1048576x32xf32, #tpu.memory_space<hbm>>) target(%dma_start3A_131 : memref<96x32xf32, #tpu.memory_space<vmem>>) offsets(%dma_start3A_133 : memref<96xi32, #tpu.memory_space<vmem>>) semaphore(%arg22 : memref<!tpu.dma_semaphore, #tpu.memory_space<semaphore_mem>>)
    %scan3A_137 = arith.constant 0 : i32
    %scan3A_138 = arith.constant 0 : i32
    %scan3A_139 = arith.constant 16 : i32
    %scan3A_140 = arith.addi %scan3A_138, %scan3A_139 : i32
    %scan3A_141 = arith.constant 1 : i32
    scf.for %scan3A_143 = %scan3A_138 to %scan3A_140 step %scan3A_141  : i32 {
      %mul3A_144 = arith.constant 8 : i32
      %mul3A_145 = arith.muli %mul3A_144, %scan3A_143 : i32
      %dma_wait3A = arith.constant 0 : i32
      %dma_wait3A_146 = arith.constant 0 : i32
      %dma_wait3A_147 = tpu.memref_slice %arg6[%dma_wait3A, %dma_wait3A_146] : memref<200x32xf32, #tpu.memory_space<vmem>> -> memref<104x32xf32, #tpu.memory_space<vmem>>
      %dma_wait3A_148 = arith.constant 0 : i32
      %dma_wait3A_149 = tpu.memref_slice %arg5[%dma_wait3A_148] : memref<25600xi32, #tpu.memory_space<vmem>> -> memref<104xi32, #tpu.memory_space<vmem>>
      %dma_wait3A_150 = arith.constant 0 : i32
      %dma_wait3A_151 = arith.constant 0 : i32
      %dma_wait3A_152 = tpu.memref_slice %arg3[%dma_wait3A_150, %dma_wait3A_151] : memref<1048576x32xf32, #tpu.memory_space<hbm>> -> memref<1048576x32xf32, #tpu.memory_space<hbm>>
      tpu.wait_indirect_dma semaphore(%arg15 : memref<!tpu.dma_semaphore, #tpu.memory_space<semaphore_mem>>) src(%dma_wait3A_152 : memref<1048576x32xf32, #tpu.memory_space<hbm>>) dst(%dma_wait3A_147 : memref<104x32xf32, #tpu.memory_space<vmem>>)
      %dma_wait3A_153 = arith.constant 104 : i32
      %dma_wait3A_154 = arith.constant 0 : i32
      %dma_wait3A_155 = tpu.memref_slice %arg6[%dma_wait3A_153, %dma_wait3A_154] : memref<200x32xf32, #tpu.memory_space<vmem>> -> memref<96x32xf32, #tpu.memory_space<vmem>>
      %dma_wait3A_156 = arith.constant 0 : i32
      %dma_wait3A_157 = tpu.memref_slice %arg5[%dma_wait3A_156] : memref<25600xi32, #tpu.memory_space<vmem>> -> memref<96xi32, #tpu.memory_space<vmem>>
      %dma_wait3A_158 = arith.constant 0 : i32
      %dma_wait3A_159 = arith.constant 0 : i32
      %dma_wait3A_160 = tpu.memref_slice %arg3[%dma_wait3A_158, %dma_wait3A_159] : memref<1048576x32xf32, #tpu.memory_space<hbm>> -> memref<1048576x32xf32, #tpu.memory_space<hbm>>
      tpu.wait_indirect_dma semaphore(%arg15 : memref<!tpu.dma_semaphore, #tpu.memory_space<semaphore_mem>>) src(%dma_wait3A_160 : memref<1048576x32xf32, #tpu.memory_space<hbm>>) dst(%dma_wait3A_155 : memref<96x32xf32, #tpu.memory_space<vmem>>)
      %add3A_161 = arith.constant 0 : i32
      %add3A_162 = arith.addi %mul3A_145, %add3A_161 : i32
      %broadcast_in_dim3A = arith.constant 0.000000e+00 : f32
      %broadcast_in_dim3A_163 = vector.broadcast %broadcast_in_dim3A : f32 to vector<16xf32>
      %scan3A_164 = arith.constant 0 : i32
      %scan3A_165 = arith.constant 25 : i32
      %scan3A_166 = arith.addi %scan3A_164, %scan3A_165 : i32
      %scan3A_167 = arith.constant 1 : i32
      %scan3A_168:4 = scf.for %scan3A_516 = %scan3A_164 to %scan3A_166 step %scan3A_167 iter_args(%scan3A_517 = %broadcast_in_dim3A_163, %scan3A_518 = %broadcast_in_dim3A_163, %scan3A_519 = %broadcast_in_dim3A_163, %scan3A_520 = %broadcast_in_dim3A_163) -> (vector<16xf32>, vector<16xf32>, vector<16xf32>, vector<16xf32>)  : i32 {
        %mul3A_521 = arith.constant 8 : i32
        %mul3A_522 = arith.muli %scan3A_516, %mul3A_521 : i32
        %add3A_523 = arith.constant 0 : i32
        %add3A_524 = arith.addi %mul3A_522, %add3A_523 : i32
        %get3A = arith.index_cast %add3A_524 : i32 to index
        %get3A_525 = arith.constant 0 : index
        %get3A_526 = tpu.vector_load %arg6[%get3A, %get3A_525] {strides = array<i32>} : memref<200x32xf32, #tpu.memory_space<vmem>>, vector<1x16xf32>,
        %get3A_527 = vector.shape_cast %get3A_526 : vector<1x16xf32> to vector<16xf32>
        %add3A_528 = arith.addf %scan3A_517, %get3A_527 : vector<16xf32>
        %get3A_529 = arith.index_cast %add3A_524 : i32 to index
        %get3A_530 = arith.constant 16 : index
        %get3A_531 = tpu.vector_load %arg6[%get3A_529, %get3A_530] {strides = array<i32>} : memref<200x32xf32, #tpu.memory_space<vmem>>, vector<1x16xf32>,
        %get3A_532 = vector.shape_cast %get3A_531 : vector<1x16xf32> to vector<16xf32>
        %add3A_533 = arith.addf %scan3A_518, %get3A_532 : vector<16xf32>
        %mul3A_534 = arith.constant 8 : i32
        %mul3A_535 = arith.muli %scan3A_516, %mul3A_534 : i32
        %add3A_536 = arith.constant 1 : i32
        %add3A_537 = arith.addi %mul3A_535, %add3A_536 : i32
        %get3A_538 = arith.index_cast %add3A_537 : i32 to index
        %get3A_539 = arith.constant 0 : index
        %get3A_540 = tpu.vector_load %arg6[%get3A_538, %get3A_539] {strides = array<i32>} : memref<200x32xf32, #tpu.memory_space<vmem>>, vector<1x16xf32>,
        %get3A_541 = vector.shape_cast %get3A_540 : vector<1x16xf32> to vector<16xf32>
        %add3A_542 = arith.addf %scan3A_519, %get3A_541 : vector<16xf32>
        %get3A_543 = arith.index_cast %add3A_537 : i32 to index
        %get3A_544 = arith.constant 16 : index
        %get3A_545 = tpu.vector_load %arg6[%get3A_543, %get3A_544] {strides = array<i32>} : memref<200x32xf32, #tpu.memory_space<vmem>>, vector<1x16xf32>,
        %get3A_546 = vector.shape_cast %get3A_545 : vector<1x16xf32> to vector<16xf32>
        %add3A_547 = arith.addf %scan3A_520, %get3A_546 : vector<16xf32>
        %mul3A_548 = arith.constant 8 : i32
        %mul3A_549 = arith.muli %scan3A_516, %mul3A_548 : i32
        %add3A_550 = arith.constant 2 : i32
        %add3A_551 = arith.addi %mul3A_549, %add3A_550 : i32
        %get3A_552 = arith.index_cast %add3A_551 : i32 to index
        %get3A_553 = arith.constant 0 : index
        %get3A_554 = tpu.vector_load %arg6[%get3A_552, %get3A_553] {strides = array<i32>} : memref<200x32xf32, #tpu.memory_space<vmem>>, vector<1x16xf32>,
        %get3A_555 = vector.shape_cast %get3A_554 : vector<1x16xf32> to vector<16xf32>
        %add3A_556 = arith.addf %add3A_528, %get3A_555 : vector<16xf32>
        %get3A_557 = arith.index_cast %add3A_551 : i32 to index
        %get3A_558 = arith.constant 16 : index
        %get3A_559 = tpu.vector_load %arg6[%get3A_557, %get3A_558] {strides = array<i32>} : memref<200x32xf32, #tpu.memory_space<vmem>>, vector<1x16xf32>,
        %get3A_560 = vector.shape_cast %get3A_559 : vector<1x16xf32> to vector<16xf32>
        %add3A_561 = arith.addf %add3A_533, %get3A_560 : vector<16xf32>
        %mul3A_562 = arith.constant 8 : i32
        %mul3A_563 = arith.muli %scan3A_516, %mul3A_562 : i32
        %add3A_564 = arith.constant 3 : i32
        %add3A_565 = arith.addi %mul3A_563, %add3A_564 : i32
        %get3A_566 = arith.index_cast %add3A_565 : i32 to index
        %get3A_567 = arith.constant 0 : index
        %get3A_568 = tpu.vector_load %arg6[%get3A_566, %get3A_567] {strides = array<i32>} : memref<200x32xf32, #tpu.memory_space<vmem>>, vector<1x16xf32>,
        %get3A_569 = vector.shape_cast %get3A_568 : vector<1x16xf32> to vector<16xf32>
        %add3A_570 = arith.addf %add3A_542, %get3A_569 : vector<16xf32>
        %get3A_571 = arith.index_cast %add3A_565 : i32 to index
        %get3A_572 = arith.constant 16 : index
        %get3A_573 = tpu.vector_load %arg6[%get3A_571, %get3A_572] {strides = array<i32>} : memref<200x32xf32, #tpu.memory_space<vmem>>, vector<1x16xf32>,
        %get3A_574 = vector.shape_cast %get3A_573 : vector<1x16xf32> to vector<16xf32>
        %add3A_575 = arith.addf %add3A_547, %get3A_574 : vector<16xf32>
        %mul3A_576 = arith.constant 8 : i32
        %mul3A_577 = arith.muli %scan3A_516, %mul3A_576 : i32
        %add3A_578 = arith.constant 4 : i32
        %add3A_579 = arith.addi %mul3A_577, %add3A_578 : i32
        %get3A_580 = arith.index_cast %add3A_579 : i32 to index
        %get3A_581 = arith.constant 0 : index
        %get3A_582 = tpu.vector_load %arg6[%get3A_580, %get3A_581] {strides = array<i32>} : memref<200x32xf32, #tpu.memory_space<vmem>>, vector<1x16xf32>,
        %get3A_583 = vector.shape_cast %get3A_582 : vector<1x16xf32> to vector<16xf32>
        %add3A_584 = arith.addf %add3A_556, %get3A_583 : vector<16xf32>
        %get3A_585 = arith.index_cast %add3A_579 : i32 to index
        %get3A_586 = arith.constant 16 : index
        %get3A_587 = tpu.vector_load %arg6[%get3A_585, %get3A_586] {strides = array<i32>} : memref<200x32xf32, #tpu.memory_space<vmem>>, vector<1x16xf32>,
        %get3A_588 = vector.shape_cast %get3A_587 : vector<1x16xf32> to vector<16xf32>
        %add3A_589 = arith.addf %add3A_561, %get3A_588 : vector<16xf32>
        %mul3A_590 = arith.constant 8 : i32
        %mul3A_591 = arith.muli %scan3A_516, %mul3A_590 : i32
        %add3A_592 = arith.constant 5 : i32
        %add3A_593 = arith.addi %mul3A_591, %add3A_592 : i32
        %get3A_594 = arith.index_cast %add3A_593 : i32 to index
        %get3A_595 = arith.constant 0 : index
        %get3A_596 = tpu.vector_load %arg6[%get3A_594, %get3A_595] {strides = array<i32>} : memref<200x32xf32, #tpu.memory_space<vmem>>, vector<1x16xf32>,
        %get3A_597 = vector.shape_cast %get3A_596 : vector<1x16xf32> to vector<16xf32>
        %add3A_598 = arith.addf %add3A_570, %get3A_597 : vector<16xf32>
        %get3A_599 = arith.index_cast %add3A_593 : i32 to index
        %get3A_600 = arith.constant 16 : index
        %get3A_601 = tpu.vector_load %arg6[%get3A_599, %get3A_600] {strides = array<i32>} : memref<200x32xf32, #tpu.memory_space<vmem>>, vector<1x16xf32>,
        %get3A_602 = vector.shape_cast %get3A_601 : vector<1x16xf32> to vector<16xf32>
        %add3A_603 = arith.addf %add3A_575, %get3A_602 : vector<16xf32>
        %mul3A_604 = arith.constant 8 : i32
        %mul3A_605 = arith.muli %scan3A_516, %mul3A_604 : i32
        %add3A_606 = arith.constant 6 : i32
        %add3A_607 = arith.addi %mul3A_605, %add3A_606 : i32
        %get3A_608 = arith.index_cast %add3A_607 : i32 to index
        %get3A_609 = arith.constant 0 : index
        %get3A_610 = tpu.vector_load %arg6[%get3A_608, %get3A_609] {strides = array<i32>} : memref<200x32xf32, #tpu.memory_space<vmem>>, vector<1x16xf32>,
        %get3A_611 = vector.shape_cast %get3A_610 : vector<1x16xf32> to vector<16xf32>
        %add3A_612 = arith.addf %add3A_584, %get3A_611 : vector<16xf32>
        %get3A_613 = arith.index_cast %add3A_607 : i32 to index
        %get3A_614 = arith.constant 16 : index
        %get3A_615 = tpu.vector_load %arg6[%get3A_613, %get3A_614] {strides = array<i32>} : memref<200x32xf32, #tpu.memory_space<vmem>>, vector<1x16xf32>,
        %get3A_616 = vector.shape_cast %get3A_615 : vector<1x16xf32> to vector<16xf32>
        %add3A_617 = arith.addf %add3A_589, %get3A_616 : vector<16xf32>
        %mul3A_618 = arith.constant 8 : i32
        %mul3A_619 = arith.muli %scan3A_516, %mul3A_618 : i32
        %add3A_620 = arith.constant 7 : i32
        %add3A_621 = arith.addi %mul3A_619, %add3A_620 : i32
        %get3A_622 = arith.index_cast %add3A_621 : i32 to index
        %get3A_623 = arith.constant 0 : index
        %get3A_624 = tpu.vector_load %arg6[%get3A_622, %get3A_623] {strides = array<i32>} : memref<200x32xf32, #tpu.memory_space<vmem>>, vector<1x16xf32>,
        %get3A_625 = vector.shape_cast %get3A_624 : vector<1x16xf32> to vector<16xf32>
        %add3A_626 = arith.addf %add3A_598, %get3A_625 : vector<16xf32>
        %get3A_627 = arith.index_cast %add3A_621 : i32 to index
        %get3A_628 = arith.constant 16 : index
        %get3A_629 = tpu.vector_load %arg6[%get3A_627, %get3A_628] {strides = array<i32>} : memref<200x32xf32, #tpu.memory_space<vmem>>, vector<1x16xf32>,
        %get3A_630 = vector.shape_cast %get3A_629 : vector<1x16xf32> to vector<16xf32>
        %add3A_631 = arith.addf %add3A_603, %get3A_630 : vector<16xf32>
        scf.yield %add3A_612, %add3A_617, %add3A_626, %add3A_631 : vector<16xf32>, vector<16xf32>, vector<16xf32>, vector<16xf32>
      }
      %scan3A_169 = arith.constant 25 : i32
      %add3A_170 = arith.addf %scan3A_168#0, %scan3A_168#2 : vector<16xf32>
      %swap3A = arith.index_cast %add3A_162 : i32 to index
      %swap3A_171 = arith.constant 0 : index
      %swap3A_172 = tpu.vector_load %arg14[%swap3A, %swap3A_171] {strides = array<i32>} : memref<128x32xf32, #tpu.memory_space<vmem>>, vector<1x16xf32>,
      %swap3A_173 = vector.shape_cast %swap3A_172 : vector<1x16xf32> to vector<16xf32>
      %swap3A_174 = vector.shape_cast %add3A_170 : vector<16xf32> to vector<1x16xf32>
      tpu.vector_store %arg14[%swap3A, %swap3A_171], %swap3A_174 {strides = array<i32>} : memref<128x32xf32, #tpu.memory_space<vmem>>, vector<1x16xf32>,
      %add3A_175 = arith.addf %scan3A_168#1, %scan3A_168#3 : vector<16xf32>
      %swap3A_176 = arith.index_cast %add3A_162 : i32 to index
      %swap3A_177 = arith.constant 16 : index
      %swap3A_178 = tpu.vector_load %arg14[%swap3A_176, %swap3A_177] {strides = array<i32>} : memref<128x32xf32, #tpu.memory_space<vmem>>, vector<1x16xf32>,
      %swap3A_179 = vector.shape_cast %swap3A_178 : vector<1x16xf32> to vector<16xf32>
      %swap3A_180 = vector.shape_cast %add3A_175 : vector<16xf32> to vector<1x16xf32>
      tpu.vector_store %arg14[%swap3A_176, %swap3A_177], %swap3A_180 {strides = array<i32>} : memref<128x32xf32, #tpu.memory_space<vmem>>, vector<1x16xf32>,
      %add3A_181 = arith.constant 0 : i32
      %add3A_182 = arith.addi %mul3A_145, %add3A_181 : i32
      %add3A_183 = arith.constant 8 : i32
      %add3A_184 = arith.addi %add3A_182, %add3A_183 : i32
      %lt3A = arith.constant 128 : i32
      %lt3A_185 = arith.cmpi slt, %add3A_184, %lt3A : i32
      %convert_element_type3A = arith.extui %lt3A_185 : i1 to i32
      %cond3A = arith.constant 0 : i32
      %cond3A_186 = arith.cmpi ne, %convert_element_type3A, %cond3A : i32
      scf.if %cond3A_186 {
        %add3A_516 = arith.constant 0 : i32
        %add3A_517 = arith.addi %mul3A_145, %add3A_516 : i32
        %add3A_518 = arith.constant 8 : i32
        %add3A_519 = arith.addi %add3A_517, %add3A_518 : i32
        %mul3A_520 = arith.constant 200 : i32
        %mul3A_521 = arith.muli %add3A_519, %mul3A_520 : i32
        %dma_start3A_522 = arith.constant 0 : i32
        %dma_start3A_523 = arith.constant 0 : i32
        %dma_start3A_524 = tpu.memref_slice %arg6[%dma_start3A_522, %dma_start3A_523] : memref<200x32xf32, #tpu.memory_space<vmem>> -> memref<104x32xf32, #tpu.memory_space<vmem>>
        %dma_start3A_525 = tpu.memref_slice %arg5[%mul3A_521] : memref<25600xi32, #tpu.memory_space<vmem>> -> memref<104xi32, #tpu.memory_space<vmem>>
        %dma_start3A_526 = arith.constant 0 : i32
        %dma_start3A_527 = arith.constant 0 : i32
        %dma_start3A_528 = tpu.memref_slice %arg3[%dma_start3A_526, %dma_start3A_527] : memref<1048576x32xf32, #tpu.memory_space<hbm>> -> memref<1048576x32xf32, #tpu.memory_space<hbm>>
        tpu.enqueue_indirect_dma source(%dma_start3A_528 : memref<1048576x32xf32, #tpu.memory_space<hbm>>) target(%dma_start3A_524 : memref<104x32xf32, #tpu.memory_space<vmem>>) offsets(%dma_start3A_525 : memref<104xi32, #tpu.memory_space<vmem>>) semaphore(%arg15 : memref<!tpu.dma_semaphore, #tpu.memory_space<semaphore_mem>>)
        %add3A_529 = arith.constant 104 : i32
        %add3A_530 = arith.addi %mul3A_521, %add3A_529 : i32
        %dma_start3A_531 = arith.constant 104 : i32
        %dma_start3A_532 = arith.constant 0 : i32
        %dma_start3A_533 = tpu.memref_slice %arg6[%dma_start3A_531, %dma_start3A_532] : memref<200x32xf32, #tpu.memory_space<vmem>> -> memref<96x32xf32, #tpu.memory_space<vmem>>
        %dma_start3A_534 = tpu.memref_slice %arg5[%add3A_530] : memref<25600xi32, #tpu.memory_space<vmem>> -> memref<96xi32, #tpu.memory_space<vmem>>
        %dma_start3A_535 = arith.constant 0 : i32
        %dma_start3A_536 = arith.constant 0 : i32
        %dma_start3A_537 = tpu.memref_slice %arg3[%dma_start3A_535, %dma_start3A_536] : memref<1048576x32xf32, #tpu.memory_space<hbm>> -> memref<1048576x32xf32, #tpu.memory_space<hbm>>
        tpu.enqueue_indirect_dma source(%dma_start3A_537 : memref<1048576x32xf32, #tpu.memory_space<hbm>>) target(%dma_start3A_533 : memref<96x32xf32, #tpu.memory_space<vmem>>) offsets(%dma_start3A_534 : memref<96xi32, #tpu.memory_space<vmem>>) semaphore(%arg15 : memref<!tpu.dma_semaphore, #tpu.memory_space<semaphore_mem>>)
      } else {
      }
      %dma_wait3A_187 = arith.constant 0 : i32
      %dma_wait3A_188 = arith.constant 0 : i32
      %dma_wait3A_189 = tpu.memref_slice %arg7[%dma_wait3A_187, %dma_wait3A_188] : memref<200x32xf32, #tpu.memory_space<vmem>> -> memref<104x32xf32, #tpu.memory_space<vmem>>
      %dma_wait3A_190 = arith.constant 0 : i32
      %dma_wait3A_191 = tpu.memref_slice %arg5[%dma_wait3A_190] : memref<25600xi32, #tpu.memory_space<vmem>> -> memref<104xi32, #tpu.memory_space<vmem>>
      %dma_wait3A_192 = arith.constant 0 : i32
      %dma_wait3A_193 = arith.constant 0 : i32
      %dma_wait3A_194 = tpu.memref_slice %arg3[%dma_wait3A_192, %dma_wait3A_193] : memref<1048576x32xf32, #tpu.memory_space<hbm>> -> memref<1048576x32xf32, #tpu.memory_space<hbm>>
      tpu.wait_indirect_dma semaphore(%arg16 : memref<!tpu.dma_semaphore, #tpu.memory_space<semaphore_mem>>) src(%dma_wait3A_194 : memref<1048576x32xf32, #tpu.memory_space<hbm>>) dst(%dma_wait3A_189 : memref<104x32xf32, #tpu.memory_space<vmem>>)
      %dma_wait3A_195 = arith.constant 104 : i32
      %dma_wait3A_196 = arith.constant 0 : i32
      %dma_wait3A_197 = tpu.memref_slice %arg7[%dma_wait3A_195, %dma_wait3A_196] : memref<200x32xf32, #tpu.memory_space<vmem>> -> memref<96x32xf32, #tpu.memory_space<vmem>>
      %dma_wait3A_198 = arith.constant 0 : i32
      %dma_wait3A_199 = tpu.memref_slice %arg5[%dma_wait3A_198] : memref<25600xi32, #tpu.memory_space<vmem>> -> memref<96xi32, #tpu.memory_space<vmem>>
      %dma_wait3A_200 = arith.constant 0 : i32
      %dma_wait3A_201 = arith.constant 0 : i32
      %dma_wait3A_202 = tpu.memref_slice %arg3[%dma_wait3A_200, %dma_wait3A_201] : memref<1048576x32xf32, #tpu.memory_space<hbm>> -> memref<1048576x32xf32, #tpu.memory_space<hbm>>
      tpu.wait_indirect_dma semaphore(%arg16 : memref<!tpu.dma_semaphore, #tpu.memory_space<semaphore_mem>>) src(%dma_wait3A_202 : memref<1048576x32xf32, #tpu.memory_space<hbm>>) dst(%dma_wait3A_197 : memref<96x32xf32, #tpu.memory_space<vmem>>)
      %add3A_203 = arith.constant 1 : i32
      %add3A_204 = arith.addi %mul3A_145, %add3A_203 : i32
      %broadcast_in_dim3A_205 = arith.constant 0.000000e+00 : f32
      %broadcast_in_dim3A_206 = vector.broadcast %broadcast_in_dim3A_205 : f32 to vector<16xf32>
      %scan3A_207 = arith.constant 0 : i32
      %scan3A_208 = arith.constant 25 : i32
      %scan3A_209 = arith.addi %scan3A_207, %scan3A_208 : i32
      %scan3A_210 = arith.constant 1 : i32
      %scan3A_211:4 = scf.for %scan3A_516 = %scan3A_207 to %scan3A_209 step %scan3A_210 iter_args(%scan3A_517 = %broadcast_in_dim3A_206, %scan3A_518 = %broadcast_in_dim3A_206, %scan3A_519 = %broadcast_in_dim3A_206, %scan3A_520 = %broadcast_in_dim3A_206) -> (vector<16xf32>, vector<16xf32>, vector<16xf32>, vector<16xf32>)  : i32 {
        %mul3A_521 = arith.constant 8 : i32
        %mul3A_522 = arith.muli %scan3A_516, %mul3A_521 : i32
        %add3A_523 = arith.constant 0 : i32
        %add3A_524 = arith.addi %mul3A_522, %add3A_523 : i32
        %get3A = arith.index_cast %add3A_524 : i32 to index
        %get3A_525 = arith.constant 0 : index
        %get3A_526 = tpu.vector_load %arg7[%get3A, %get3A_525] {strides = array<i32>} : memref<200x32xf32, #tpu.memory_space<vmem>>, vector<1x16xf32>,
        %get3A_527 = vector.shape_cast %get3A_526 : vector<1x16xf32> to vector<16xf32>
        %add3A_528 = arith.addf %scan3A_517, %get3A_527 : vector<16xf32>
        %get3A_529 = arith.index_cast %add3A_524 : i32 to index
        %get3A_530 = arith.constant 16 : index
        %get3A_531 = tpu.vector_load %arg7[%get3A_529, %get3A_530] {strides = array<i32>} : memref<200x32xf32, #tpu.memory_space<vmem>>, vector<1x16xf32>,
        %get3A_532 = vector.shape_cast %get3A_531 : vector<1x16xf32> to vector<16xf32>
        %add3A_533 = arith.addf %scan3A_518, %get3A_532 : vector<16xf32>
        %mul3A_534 = arith.constant 8 : i32
        %mul3A_535 = arith.muli %scan3A_516, %mul3A_534 : i32
        %add3A_536 = arith.constant 1 : i32
        %add3A_537 = arith.addi %mul3A_535, %add3A_536 : i32
        %get3A_538 = arith.index_cast %add3A_537 : i32 to index
        %get3A_539 = arith.constant 0 : index
        %get3A_540 = tpu.vector_load %arg7[%get3A_538, %get3A_539] {strides = array<i32>} : memref<200x32xf32, #tpu.memory_space<vmem>>, vector<1x16xf32>,
        %get3A_541 = vector.shape_cast %get3A_540 : vector<1x16xf32> to vector<16xf32>
        %add3A_542 = arith.addf %scan3A_519, %get3A_541 : vector<16xf32>
        %get3A_543 = arith.index_cast %add3A_537 : i32 to index
        %get3A_544 = arith.constant 16 : index
        %get3A_545 = tpu.vector_load %arg7[%get3A_543, %get3A_544] {strides = array<i32>} : memref<200x32xf32, #tpu.memory_space<vmem>>, vector<1x16xf32>,
        %get3A_546 = vector.shape_cast %get3A_545 : vector<1x16xf32> to vector<16xf32>
        %add3A_547 = arith.addf %scan3A_520, %get3A_546 : vector<16xf32>
        %mul3A_548 = arith.constant 8 : i32
        %mul3A_549 = arith.muli %scan3A_516, %mul3A_548 : i32
        %add3A_550 = arith.constant 2 : i32
        %add3A_551 = arith.addi %mul3A_549, %add3A_550 : i32
        %get3A_552 = arith.index_cast %add3A_551 : i32 to index
        %get3A_553 = arith.constant 0 : index
        %get3A_554 = tpu.vector_load %arg7[%get3A_552, %get3A_553] {strides = array<i32>} : memref<200x32xf32, #tpu.memory_space<vmem>>, vector<1x16xf32>,
        %get3A_555 = vector.shape_cast %get3A_554 : vector<1x16xf32> to vector<16xf32>
        %add3A_556 = arith.addf %add3A_528, %get3A_555 : vector<16xf32>
        %get3A_557 = arith.index_cast %add3A_551 : i32 to index
        %get3A_558 = arith.constant 16 : index
        %get3A_559 = tpu.vector_load %arg7[%get3A_557, %get3A_558] {strides = array<i32>} : memref<200x32xf32, #tpu.memory_space<vmem>>, vector<1x16xf32>,
        %get3A_560 = vector.shape_cast %get3A_559 : vector<1x16xf32> to vector<16xf32>
        %add3A_561 = arith.addf %add3A_533, %get3A_560 : vector<16xf32>
        %mul3A_562 = arith.constant 8 : i32
        %mul3A_563 = arith.muli %scan3A_516, %mul3A_562 : i32
        %add3A_564 = arith.constant 3 : i32
        %add3A_565 = arith.addi %mul3A_563, %add3A_564 : i32
        %get3A_566 = arith.index_cast %add3A_565 : i32 to index
        %get3A_567 = arith.constant 0 : index
        %get3A_568 = tpu.vector_load %arg7[%get3A_566, %get3A_567] {strides = array<i32>} : memref<200x32xf32, #tpu.memory_space<vmem>>, vector<1x16xf32>,
        %get3A_569 = vector.shape_cast %get3A_568 : vector<1x16xf32> to vector<16xf32>
        %add3A_570 = arith.addf %add3A_542, %get3A_569 : vector<16xf32>
        %get3A_571 = arith.index_cast %add3A_565 : i32 to index
        %get3A_572 = arith.constant 16 : index
        %get3A_573 = tpu.vector_load %arg7[%get3A_571, %get3A_572] {strides = array<i32>} : memref<200x32xf32, #tpu.memory_space<vmem>>, vector<1x16xf32>,
        %get3A_574 = vector.shape_cast %get3A_573 : vector<1x16xf32> to vector<16xf32>
        %add3A_575 = arith.addf %add3A_547, %get3A_574 : vector<16xf32>
        %mul3A_576 = arith.constant 8 : i32
        %mul3A_577 = arith.muli %scan3A_516, %mul3A_576 : i32
        %add3A_578 = arith.constant 4 : i32
        %add3A_579 = arith.addi %mul3A_577, %add3A_578 : i32
        %get3A_580 = arith.index_cast %add3A_579 : i32 to index
        %get3A_581 = arith.constant 0 : index
        %get3A_582 = tpu.vector_load %arg7[%get3A_580, %get3A_581] {strides = array<i32>} : memref<200x32xf32, #tpu.memory_space<vmem>>, vector<1x16xf32>,
        %get3A_583 = vector.shape_cast %get3A_582 : vector<1x16xf32> to vector<16xf32>
        %add3A_584 = arith.addf %add3A_556, %get3A_583 : vector<16xf32>
        %get3A_585 = arith.index_cast %add3A_579 : i32 to index
        %get3A_586 = arith.constant 16 : index
        %get3A_587 = tpu.vector_load %arg7[%get3A_585, %get3A_586] {strides = array<i32>} : memref<200x32xf32, #tpu.memory_space<vmem>>, vector<1x16xf32>,
        %get3A_588 = vector.shape_cast %get3A_587 : vector<1x16xf32> to vector<16xf32>
        %add3A_589 = arith.addf %add3A_561, %get3A_588 : vector<16xf32>
        %mul3A_590 = arith.constant 8 : i32
        %mul3A_591 = arith.muli %scan3A_516, %mul3A_590 : i32
        %add3A_592 = arith.constant 5 : i32
        %add3A_593 = arith.addi %mul3A_591, %add3A_592 : i32
        %get3A_594 = arith.index_cast %add3A_593 : i32 to index
        %get3A_595 = arith.constant 0 : index
        %get3A_596 = tpu.vector_load %arg7[%get3A_594, %get3A_595] {strides = array<i32>} : memref<200x32xf32, #tpu.memory_space<vmem>>, vector<1x16xf32>,
        %get3A_597 = vector.shape_cast %get3A_596 : vector<1x16xf32> to vector<16xf32>
        %add3A_598 = arith.addf %add3A_570, %get3A_597 : vector<16xf32>
        %get3A_599 = arith.index_cast %add3A_593 : i32 to index
        %get3A_600 = arith.constant 16 : index
        %get3A_601 = tpu.vector_load %arg7[%get3A_599, %get3A_600] {strides = array<i32>} : memref<200x32xf32, #tpu.memory_space<vmem>>, vector<1x16xf32>,
        %get3A_602 = vector.shape_cast %get3A_601 : vector<1x16xf32> to vector<16xf32>
        %add3A_603 = arith.addf %add3A_575, %get3A_602 : vector<16xf32>
        %mul3A_604 = arith.constant 8 : i32
        %mul3A_605 = arith.muli %scan3A_516, %mul3A_604 : i32
        %add3A_606 = arith.constant 6 : i32
        %add3A_607 = arith.addi %mul3A_605, %add3A_606 : i32
        %get3A_608 = arith.index_cast %add3A_607 : i32 to index
        %get3A_609 = arith.constant 0 : index
        %get3A_610 = tpu.vector_load %arg7[%get3A_608, %get3A_609] {strides = array<i32>} : memref<200x32xf32, #tpu.memory_space<vmem>>, vector<1x16xf32>,
        %get3A_611 = vector.shape_cast %get3A_610 : vector<1x16xf32> to vector<16xf32>
        %add3A_612 = arith.addf %add3A_584, %get3A_611 : vector<16xf32>
        %get3A_613 = arith.index_cast %add3A_607 : i32 to index
        %get3A_614 = arith.constant 16 : index
        %get3A_615 = tpu.vector_load %arg7[%get3A_613, %get3A_614] {strides = array<i32>} : memref<200x32xf32, #tpu.memory_space<vmem>>, vector<1x16xf32>,
        %get3A_616 = vector.shape_cast %get3A_615 : vector<1x16xf32> to vector<16xf32>
        %add3A_617 = arith.addf %add3A_589, %get3A_616 : vector<16xf32>
        %mul3A_618 = arith.constant 8 : i32
        %mul3A_619 = arith.muli %scan3A_516, %mul3A_618 : i32
        %add3A_620 = arith.constant 7 : i32
        %add3A_621 = arith.addi %mul3A_619, %add3A_620 : i32
        %get3A_622 = arith.index_cast %add3A_621 : i32 to index
        %get3A_623 = arith.constant 0 : index
        %get3A_624 = tpu.vector_load %arg7[%get3A_622, %get3A_623] {strides = array<i32>} : memref<200x32xf32, #tpu.memory_space<vmem>>, vector<1x16xf32>,
        %get3A_625 = vector.shape_cast %get3A_624 : vector<1x16xf32> to vector<16xf32>
        %add3A_626 = arith.addf %add3A_598, %get3A_625 : vector<16xf32>
        %get3A_627 = arith.index_cast %add3A_621 : i32 to index
        %get3A_628 = arith.constant 16 : index
        %get3A_629 = tpu.vector_load %arg7[%get3A_627, %get3A_628] {strides = array<i32>} : memref<200x32xf32, #tpu.memory_space<vmem>>, vector<1x16xf32>,
        %get3A_630 = vector.shape_cast %get3A_629 : vector<1x16xf32> to vector<16xf32>
        %add3A_631 = arith.addf %add3A_603, %get3A_630 : vector<16xf32>
        scf.yield %add3A_612, %add3A_617, %add3A_626, %add3A_631 : vector<16xf32>, vector<16xf32>, vector<16xf32>, vector<16xf32>
      }
      %scan3A_212 = arith.constant 25 : i32
      %add3A_213 = arith.addf %scan3A_211#0, %scan3A_211#2 : vector<16xf32>
      %swap3A_214 = arith.index_cast %add3A_204 : i32 to index
      %swap3A_215 = arith.constant 0 : index
      %swap3A_216 = tpu.vector_load %arg14[%swap3A_214, %swap3A_215] {strides = array<i32>} : memref<128x32xf32, #tpu.memory_space<vmem>>, vector<1x16xf32>,
      %swap3A_217 = vector.shape_cast %swap3A_216 : vector<1x16xf32> to vector<16xf32>
      %swap3A_218 = vector.shape_cast %add3A_213 : vector<16xf32> to vector<1x16xf32>
      tpu.vector_store %arg14[%swap3A_214, %swap3A_215], %swap3A_218 {strides = array<i32>} : memref<128x32xf32, #tpu.memory_space<vmem>>, vector<1x16xf32>,
      %add3A_219 = arith.addf %scan3A_211#1, %scan3A_211#3 : vector<16xf32>
      %swap3A_220 = arith.index_cast %add3A_204 : i32 to index
      %swap3A_221 = arith.constant 16 : index
      %swap3A_222 = tpu.vector_load %arg14[%swap3A_220, %swap3A_221] {strides = array<i32>} : memref<128x32xf32, #tpu.memory_space<vmem>>, vector<1x16xf32>,
      %swap3A_223 = vector.shape_cast %swap3A_222 : vector<1x16xf32> to vector<16xf32>
      %swap3A_224 = vector.shape_cast %add3A_219 : vector<16xf32> to vector<1x16xf32>
      tpu.vector_store %arg14[%swap3A_220, %swap3A_221], %swap3A_224 {strides = array<i32>} : memref<128x32xf32, #tpu.memory_space<vmem>>, vector<1x16xf32>,
      %add3A_225 = arith.constant 1 : i32
      %add3A_226 = arith.addi %mul3A_145, %add3A_225 : i32
      %add3A_227 = arith.constant 8 : i32
      %add3A_228 = arith.addi %add3A_226, %add3A_227 : i32
      %lt3A_229 = arith.constant 128 : i32
      %lt3A_230 = arith.cmpi slt, %add3A_228, %lt3A_229 : i32
      %convert_element_type3A_231 = arith.extui %lt3A_230 : i1 to i32
      %cond3A_232 = arith.constant 0 : i32
      %cond3A_233 = arith.cmpi ne, %convert_element_type3A_231, %cond3A_232 : i32
      scf.if %cond3A_233 {
        %add3A_516 = arith.constant 1 : i32
        %add3A_517 = arith.addi %mul3A_145, %add3A_516 : i32
        %add3A_518 = arith.constant 8 : i32
        %add3A_519 = arith.addi %add3A_517, %add3A_518 : i32
        %mul3A_520 = arith.constant 200 : i32
        %mul3A_521 = arith.muli %add3A_519, %mul3A_520 : i32
        %dma_start3A_522 = arith.constant 0 : i32
        %dma_start3A_523 = arith.constant 0 : i32
        %dma_start3A_524 = tpu.memref_slice %arg7[%dma_start3A_522, %dma_start3A_523] : memref<200x32xf32, #tpu.memory_space<vmem>> -> memref<104x32xf32, #tpu.memory_space<vmem>>
        %dma_start3A_525 = tpu.memref_slice %arg5[%mul3A_521] : memref<25600xi32, #tpu.memory_space<vmem>> -> memref<104xi32, #tpu.memory_space<vmem>>
        %dma_start3A_526 = arith.constant 0 : i32
        %dma_start3A_527 = arith.constant 0 : i32
        %dma_start3A_528 = tpu.memref_slice %arg3[%dma_start3A_526, %dma_start3A_527] : memref<1048576x32xf32, #tpu.memory_space<hbm>> -> memref<1048576x32xf32, #tpu.memory_space<hbm>>
        tpu.enqueue_indirect_dma source(%dma_start3A_528 : memref<1048576x32xf32, #tpu.memory_space<hbm>>) target(%dma_start3A_524 : memref<104x32xf32, #tpu.memory_space<vmem>>) offsets(%dma_start3A_525 : memref<104xi32, #tpu.memory_space<vmem>>) semaphore(%arg16 : memref<!tpu.dma_semaphore, #tpu.memory_space<semaphore_mem>>)
        %add3A_529 = arith.constant 104 : i32
        %add3A_530 = arith.addi %mul3A_521, %add3A_529 : i32
        %dma_start3A_531 = arith.constant 104 : i32
        %dma_start3A_532 = arith.constant 0 : i32
        %dma_start3A_533 = tpu.memref_slice %arg7[%dma_start3A_531, %dma_start3A_532] : memref<200x32xf32, #tpu.memory_space<vmem>> -> memref<96x32xf32, #tpu.memory_space<vmem>>
        %dma_start3A_534 = tpu.memref_slice %arg5[%add3A_530] : memref<25600xi32, #tpu.memory_space<vmem>> -> memref<96xi32, #tpu.memory_space<vmem>>
        %dma_start3A_535 = arith.constant 0 : i32
        %dma_start3A_536 = arith.constant 0 : i32
        %dma_start3A_537 = tpu.memref_slice %arg3[%dma_start3A_535, %dma_start3A_536] : memref<1048576x32xf32, #tpu.memory_space<hbm>> -> memref<1048576x32xf32, #tpu.memory_space<hbm>>
        tpu.enqueue_indirect_dma source(%dma_start3A_537 : memref<1048576x32xf32, #tpu.memory_space<hbm>>) target(%dma_start3A_533 : memref<96x32xf32, #tpu.memory_space<vmem>>) offsets(%dma_start3A_534 : memref<96xi32, #tpu.memory_space<vmem>>) semaphore(%arg16 : memref<!tpu.dma_semaphore, #tpu.memory_space<semaphore_mem>>)
      } else {
      }
      %dma_wait3A_234 = arith.constant 0 : i32
      %dma_wait3A_235 = arith.constant 0 : i32
      %dma_wait3A_236 = tpu.memref_slice %arg8[%dma_wait3A_234, %dma_wait3A_235] : memref<200x32xf32, #tpu.memory_space<vmem>> -> memref<104x32xf32, #tpu.memory_space<vmem>>
      %dma_wait3A_237 = arith.constant 0 : i32
      %dma_wait3A_238 = tpu.memref_slice %arg5[%dma_wait3A_237] : memref<25600xi32, #tpu.memory_space<vmem>> -> memref<104xi32, #tpu.memory_space<vmem>>
      %dma_wait3A_239 = arith.constant 0 : i32
      %dma_wait3A_240 = arith.constant 0 : i32
      %dma_wait3A_241 = tpu.memref_slice %arg3[%dma_wait3A_239, %dma_wait3A_240] : memref<1048576x32xf32, #tpu.memory_space<hbm>> -> memref<1048576x32xf32, #tpu.memory_space<hbm>>
      tpu.wait_indirect_dma semaphore(%arg17 : memref<!tpu.dma_semaphore, #tpu.memory_space<semaphore_mem>>) src(%dma_wait3A_241 : memref<1048576x32xf32, #tpu.memory_space<hbm>>) dst(%dma_wait3A_236 : memref<104x32xf32, #tpu.memory_space<vmem>>)
      %dma_wait3A_242 = arith.constant 104 : i32
      %dma_wait3A_243 = arith.constant 0 : i32
      %dma_wait3A_244 = tpu.memref_slice %arg8[%dma_wait3A_242, %dma_wait3A_243] : memref<200x32xf32, #tpu.memory_space<vmem>> -> memref<96x32xf32, #tpu.memory_space<vmem>>
      %dma_wait3A_245 = arith.constant 0 : i32
      %dma_wait3A_246 = tpu.memref_slice %arg5[%dma_wait3A_245] : memref<25600xi32, #tpu.memory_space<vmem>> -> memref<96xi32, #tpu.memory_space<vmem>>
      %dma_wait3A_247 = arith.constant 0 : i32
      %dma_wait3A_248 = arith.constant 0 : i32
      %dma_wait3A_249 = tpu.memref_slice %arg3[%dma_wait3A_247, %dma_wait3A_248] : memref<1048576x32xf32, #tpu.memory_space<hbm>> -> memref<1048576x32xf32, #tpu.memory_space<hbm>>
      tpu.wait_indirect_dma semaphore(%arg17 : memref<!tpu.dma_semaphore, #tpu.memory_space<semaphore_mem>>) src(%dma_wait3A_249 : memref<1048576x32xf32, #tpu.memory_space<hbm>>) dst(%dma_wait3A_244 : memref<96x32xf32, #tpu.memory_space<vmem>>)
      %add3A_250 = arith.constant 2 : i32
      %add3A_251 = arith.addi %mul3A_145, %add3A_250 : i32
      %broadcast_in_dim3A_252 = arith.constant 0.000000e+00 : f32
      %broadcast_in_dim3A_253 = vector.broadcast %broadcast_in_dim3A_252 : f32 to vector<16xf32>
      %scan3A_254 = arith.constant 0 : i32
      %scan3A_255 = arith.constant 25 : i32
      %scan3A_256 = arith.addi %scan3A_254, %scan3A_255 : i32
      %scan3A_257 = arith.constant 1 : i32
      %scan3A_258:4 = scf.for %scan3A_516 = %scan3A_254 to %scan3A_256 step %scan3A_257 iter_args(%scan3A_517 = %broadcast_in_dim3A_253, %scan3A_518 = %broadcast_in_dim3A_253, %scan3A_519 = %broadcast_in_dim3A_253, %scan3A_520 = %broadcast_in_dim3A_253) -> (vector<16xf32>, vector<16xf32>, vector<16xf32>, vector<16xf32>)  : i32 {
        %mul3A_521 = arith.constant 8 : i32
        %mul3A_522 = arith.muli %scan3A_516, %mul3A_521 : i32
        %add3A_523 = arith.constant 0 : i32
        %add3A_524 = arith.addi %mul3A_522, %add3A_523 : i32
        %get3A = arith.index_cast %add3A_524 : i32 to index
        %get3A_525 = arith.constant 0 : index
        %get3A_526 = tpu.vector_load %arg8[%get3A, %get3A_525] {strides = array<i32>} : memref<200x32xf32, #tpu.memory_space<vmem>>, vector<1x16xf32>,
        %get3A_527 = vector.shape_cast %get3A_526 : vector<1x16xf32> to vector<16xf32>
        %add3A_528 = arith.addf %scan3A_517, %get3A_527 : vector<16xf32>
        %get3A_529 = arith.index_cast %add3A_524 : i32 to index
        %get3A_530 = arith.constant 16 : index
        %get3A_531 = tpu.vector_load %arg8[%get3A_529, %get3A_530] {strides = array<i32>} : memref<200x32xf32, #tpu.memory_space<vmem>>, vector<1x16xf32>,
        %get3A_532 = vector.shape_cast %get3A_531 : vector<1x16xf32> to vector<16xf32>
        %add3A_533 = arith.addf %scan3A_518, %get3A_532 : vector<16xf32>
        %mul3A_534 = arith.constant 8 : i32
        %mul3A_535 = arith.muli %scan3A_516, %mul3A_534 : i32
        %add3A_536 = arith.constant 1 : i32
        %add3A_537 = arith.addi %mul3A_535, %add3A_536 : i32
        %get3A_538 = arith.index_cast %add3A_537 : i32 to index
        %get3A_539 = arith.constant 0 : index
        %get3A_540 = tpu.vector_load %arg8[%get3A_538, %get3A_539] {strides = array<i32>} : memref<200x32xf32, #tpu.memory_space<vmem>>, vector<1x16xf32>,
        %get3A_541 = vector.shape_cast %get3A_540 : vector<1x16xf32> to vector<16xf32>
        %add3A_542 = arith.addf %scan3A_519, %get3A_541 : vector<16xf32>
        %get3A_543 = arith.index_cast %add3A_537 : i32 to index
        %get3A_544 = arith.constant 16 : index
        %get3A_545 = tpu.vector_load %arg8[%get3A_543, %get3A_544] {strides = array<i32>} : memref<200x32xf32, #tpu.memory_space<vmem>>, vector<1x16xf32>,
        %get3A_546 = vector.shape_cast %get3A_545 : vector<1x16xf32> to vector<16xf32>
        %add3A_547 = arith.addf %scan3A_520, %get3A_546 : vector<16xf32>
        %mul3A_548 = arith.constant 8 : i32
        %mul3A_549 = arith.muli %scan3A_516, %mul3A_548 : i32
        %add3A_550 = arith.constant 2 : i32
        %add3A_551 = arith.addi %mul3A_549, %add3A_550 : i32
        %get3A_552 = arith.index_cast %add3A_551 : i32 to index
        %get3A_553 = arith.constant 0 : index
        %get3A_554 = tpu.vector_load %arg8[%get3A_552, %get3A_553] {strides = array<i32>} : memref<200x32xf32, #tpu.memory_space<vmem>>, vector<1x16xf32>,
        %get3A_555 = vector.shape_cast %get3A_554 : vector<1x16xf32> to vector<16xf32>
        %add3A_556 = arith.addf %add3A_528, %get3A_555 : vector<16xf32>
        %get3A_557 = arith.index_cast %add3A_551 : i32 to index
        %get3A_558 = arith.constant 16 : index
        %get3A_559 = tpu.vector_load %arg8[%get3A_557, %get3A_558] {strides = array<i32>} : memref<200x32xf32, #tpu.memory_space<vmem>>, vector<1x16xf32>,
        %get3A_560 = vector.shape_cast %get3A_559 : vector<1x16xf32> to vector<16xf32>
        %add3A_561 = arith.addf %add3A_533, %get3A_560 : vector<16xf32>
        %mul3A_562 = arith.constant 8 : i32
        %mul3A_563 = arith.muli %scan3A_516, %mul3A_562 : i32
        %add3A_564 = arith.constant 3 : i32
        %add3A_565 = arith.addi %mul3A_563, %add3A_564 : i32
        %get3A_566 = arith.index_cast %add3A_565 : i32 to index
        %get3A_567 = arith.constant 0 : index
        %get3A_568 = tpu.vector_load %arg8[%get3A_566, %get3A_567] {strides = array<i32>} : memref<200x32xf32, #tpu.memory_space<vmem>>, vector<1x16xf32>,
        %get3A_569 = vector.shape_cast %get3A_568 : vector<1x16xf32> to vector<16xf32>
        %add3A_570 = arith.addf %add3A_542, %get3A_569 : vector<16xf32>
        %get3A_571 = arith.index_cast %add3A_565 : i32 to index
        %get3A_572 = arith.constant 16 : index
        %get3A_573 = tpu.vector_load %arg8[%get3A_571, %get3A_572] {strides = array<i32>} : memref<200x32xf32, #tpu.memory_space<vmem>>, vector<1x16xf32>,
        %get3A_574 = vector.shape_cast %get3A_573 : vector<1x16xf32> to vector<16xf32>
        %add3A_575 = arith.addf %add3A_547, %get3A_574 : vector<16xf32>
        %mul3A_576 = arith.constant 8 : i32
        %mul3A_577 = arith.muli %scan3A_516, %mul3A_576 : i32
        %add3A_578 = arith.constant 4 : i32
        %add3A_579 = arith.addi %mul3A_577, %add3A_578 : i32
        %get3A_580 = arith.index_cast %add3A_579 : i32 to index
        %get3A_581 = arith.constant 0 : index
        %get3A_582 = tpu.vector_load %arg8[%get3A_580, %get3A_581] {strides = array<i32>} : memref<200x32xf32, #tpu.memory_space<vmem>>, vector<1x16xf32>,
        %get3A_583 = vector.shape_cast %get3A_582 : vector<1x16xf32> to vector<16xf32>
        %add3A_584 = arith.addf %add3A_556, %get3A_583 : vector<16xf32>
        %get3A_585 = arith.index_cast %add3A_579 : i32 to index
        %get3A_586 = arith.constant 16 : index
        %get3A_587 = tpu.vector_load %arg8[%get3A_585, %get3A_586] {strides = array<i32>} : memref<200x32xf32, #tpu.memory_space<vmem>>, vector<1x16xf32>,
        %get3A_588 = vector.shape_cast %get3A_587 : vector<1x16xf32> to vector<16xf32>
        %add3A_589 = arith.addf %add3A_561, %get3A_588 : vector<16xf32>
        %mul3A_590 = arith.constant 8 : i32
        %mul3A_591 = arith.muli %scan3A_516, %mul3A_590 : i32
        %add3A_592 = arith.constant 5 : i32
        %add3A_593 = arith.addi %mul3A_591, %add3A_592 : i32
        %get3A_594 = arith.index_cast %add3A_593 : i32 to index
        %get3A_595 = arith.constant 0 : index
        %get3A_596 = tpu.vector_load %arg8[%get3A_594, %get3A_595] {strides = array<i32>} : memref<200x32xf32, #tpu.memory_space<vmem>>, vector<1x16xf32>,
        %get3A_597 = vector.shape_cast %get3A_596 : vector<1x16xf32> to vector<16xf32>
        %add3A_598 = arith.addf %add3A_570, %get3A_597 : vector<16xf32>
        %get3A_599 = arith.index_cast %add3A_593 : i32 to index
        %get3A_600 = arith.constant 16 : index
        %get3A_601 = tpu.vector_load %arg8[%get3A_599, %get3A_600] {strides = array<i32>} : memref<200x32xf32, #tpu.memory_space<vmem>>, vector<1x16xf32>,
        %get3A_602 = vector.shape_cast %get3A_601 : vector<1x16xf32> to vector<16xf32>
        %add3A_603 = arith.addf %add3A_575, %get3A_602 : vector<16xf32>
        %mul3A_604 = arith.constant 8 : i32
        %mul3A_605 = arith.muli %scan3A_516, %mul3A_604 : i32
        %add3A_606 = arith.constant 6 : i32
        %add3A_607 = arith.addi %mul3A_605, %add3A_606 : i32
        %get3A_608 = arith.index_cast %add3A_607 : i32 to index
        %get3A_609 = arith.constant 0 : index
        %get3A_610 = tpu.vector_load %arg8[%get3A_608, %get3A_609] {strides = array<i32>} : memref<200x32xf32, #tpu.memory_space<vmem>>, vector<1x16xf32>,
        %get3A_611 = vector.shape_cast %get3A_610 : vector<1x16xf32> to vector<16xf32>
        %add3A_612 = arith.addf %add3A_584, %get3A_611 : vector<16xf32>
        %get3A_613 = arith.index_cast %add3A_607 : i32 to index
        %get3A_614 = arith.constant 16 : index
        %get3A_615 = tpu.vector_load %arg8[%get3A_613, %get3A_614] {strides = array<i32>} : memref<200x32xf32, #tpu.memory_space<vmem>>, vector<1x16xf32>,
        %get3A_616 = vector.shape_cast %get3A_615 : vector<1x16xf32> to vector<16xf32>
        %add3A_617 = arith.addf %add3A_589, %get3A_616 : vector<16xf32>
        %mul3A_618 = arith.constant 8 : i32
        %mul3A_619 = arith.muli %scan3A_516, %mul3A_618 : i32
        %add3A_620 = arith.constant 7 : i32
        %add3A_621 = arith.addi %mul3A_619, %add3A_620 : i32
        %get3A_622 = arith.index_cast %add3A_621 : i32 to index
        %get3A_623 = arith.constant 0 : index
        %get3A_624 = tpu.vector_load %arg8[%get3A_622, %get3A_623] {strides = array<i32>} : memref<200x32xf32, #tpu.memory_space<vmem>>, vector<1x16xf32>,
        %get3A_625 = vector.shape_cast %get3A_624 : vector<1x16xf32> to vector<16xf32>
        %add3A_626 = arith.addf %add3A_598, %get3A_625 : vector<16xf32>
        %get3A_627 = arith.index_cast %add3A_621 : i32 to index
        %get3A_628 = arith.constant 16 : index
        %get3A_629 = tpu.vector_load %arg8[%get3A_627, %get3A_628] {strides = array<i32>} : memref<200x32xf32, #tpu.memory_space<vmem>>, vector<1x16xf32>,
        %get3A_630 = vector.shape_cast %get3A_629 : vector<1x16xf32> to vector<16xf32>
        %add3A_631 = arith.addf %add3A_603, %get3A_630 : vector<16xf32>
        scf.yield %add3A_612, %add3A_617, %add3A_626, %add3A_631 : vector<16xf32>, vector<16xf32>, vector<16xf32>, vector<16xf32>
      }
      %scan3A_259 = arith.constant 25 : i32
      %add3A_260 = arith.addf %scan3A_258#0, %scan3A_258#2 : vector<16xf32>
      %swap3A_261 = arith.index_cast %add3A_251 : i32 to index
      %swap3A_262 = arith.constant 0 : index
      %swap3A_263 = tpu.vector_load %arg14[%swap3A_261, %swap3A_262] {strides = array<i32>} : memref<128x32xf32, #tpu.memory_space<vmem>>, vector<1x16xf32>,
      %swap3A_264 = vector.shape_cast %swap3A_263 : vector<1x16xf32> to vector<16xf32>
      %swap3A_265 = vector.shape_cast %add3A_260 : vector<16xf32> to vector<1x16xf32>
      tpu.vector_store %arg14[%swap3A_261, %swap3A_262], %swap3A_265 {strides = array<i32>} : memref<128x32xf32, #tpu.memory_space<vmem>>, vector<1x16xf32>,
      %add3A_266 = arith.addf %scan3A_258#1, %scan3A_258#3 : vector<16xf32>
      %swap3A_267 = arith.index_cast %add3A_251 : i32 to index
      %swap3A_268 = arith.constant 16 : index
      %swap3A_269 = tpu.vector_load %arg14[%swap3A_267, %swap3A_268] {strides = array<i32>} : memref<128x32xf32, #tpu.memory_space<vmem>>, vector<1x16xf32>,
      %swap3A_270 = vector.shape_cast %swap3A_269 : vector<1x16xf32> to vector<16xf32>
      %swap3A_271 = vector.shape_cast %add3A_266 : vector<16xf32> to vector<1x16xf32>
      tpu.vector_store %arg14[%swap3A_267, %swap3A_268], %swap3A_271 {strides = array<i32>} : memref<128x32xf32, #tpu.memory_space<vmem>>, vector<1x16xf32>,
      %add3A_272 = arith.constant 2 : i32
      %add3A_273 = arith.addi %mul3A_145, %add3A_272 : i32
      %add3A_274 = arith.constant 8 : i32
      %add3A_275 = arith.addi %add3A_273, %add3A_274 : i32
      %lt3A_276 = arith.constant 128 : i32
      %lt3A_277 = arith.cmpi slt, %add3A_275, %lt3A_276 : i32
      %convert_element_type3A_278 = arith.extui %lt3A_277 : i1 to i32
      %cond3A_279 = arith.constant 0 : i32
      %cond3A_280 = arith.cmpi ne, %convert_element_type3A_278, %cond3A_279 : i32
      scf.if %cond3A_280 {
        %add3A_516 = arith.constant 2 : i32
        %add3A_517 = arith.addi %mul3A_145, %add3A_516 : i32
        %add3A_518 = arith.constant 8 : i32
        %add3A_519 = arith.addi %add3A_517, %add3A_518 : i32
        %mul3A_520 = arith.constant 200 : i32
        %mul3A_521 = arith.muli %add3A_519, %mul3A_520 : i32
        %dma_start3A_522 = arith.constant 0 : i32
        %dma_start3A_523 = arith.constant 0 : i32
        %dma_start3A_524 = tpu.memref_slice %arg8[%dma_start3A_522, %dma_start3A_523] : memref<200x32xf32, #tpu.memory_space<vmem>> -> memref<104x32xf32, #tpu.memory_space<vmem>>
        %dma_start3A_525 = tpu.memref_slice %arg5[%mul3A_521] : memref<25600xi32, #tpu.memory_space<vmem>> -> memref<104xi32, #tpu.memory_space<vmem>>
        %dma_start3A_526 = arith.constant 0 : i32
        %dma_start3A_527 = arith.constant 0 : i32
        %dma_start3A_528 = tpu.memref_slice %arg3[%dma_start3A_526, %dma_start3A_527] : memref<1048576x32xf32, #tpu.memory_space<hbm>> -> memref<1048576x32xf32, #tpu.memory_space<hbm>>
        tpu.enqueue_indirect_dma source(%dma_start3A_528 : memref<1048576x32xf32, #tpu.memory_space<hbm>>) target(%dma_start3A_524 : memref<104x32xf32, #tpu.memory_space<vmem>>) offsets(%dma_start3A_525 : memref<104xi32, #tpu.memory_space<vmem>>) semaphore(%arg17 : memref<!tpu.dma_semaphore, #tpu.memory_space<semaphore_mem>>)
        %add3A_529 = arith.constant 104 : i32
        %add3A_530 = arith.addi %mul3A_521, %add3A_529 : i32
        %dma_start3A_531 = arith.constant 104 : i32
        %dma_start3A_532 = arith.constant 0 : i32
        %dma_start3A_533 = tpu.memref_slice %arg8[%dma_start3A_531, %dma_start3A_532] : memref<200x32xf32, #tpu.memory_space<vmem>> -> memref<96x32xf32, #tpu.memory_space<vmem>>
        %dma_start3A_534 = tpu.memref_slice %arg5[%add3A_530] : memref<25600xi32, #tpu.memory_space<vmem>> -> memref<96xi32, #tpu.memory_space<vmem>>
        %dma_start3A_535 = arith.constant 0 : i32
        %dma_start3A_536 = arith.constant 0 : i32
        %dma_start3A_537 = tpu.memref_slice %arg3[%dma_start3A_535, %dma_start3A_536] : memref<1048576x32xf32, #tpu.memory_space<hbm>> -> memref<1048576x32xf32, #tpu.memory_space<hbm>>
        tpu.enqueue_indirect_dma source(%dma_start3A_537 : memref<1048576x32xf32, #tpu.memory_space<hbm>>) target(%dma_start3A_533 : memref<96x32xf32, #tpu.memory_space<vmem>>) offsets(%dma_start3A_534 : memref<96xi32, #tpu.memory_space<vmem>>) semaphore(%arg17 : memref<!tpu.dma_semaphore, #tpu.memory_space<semaphore_mem>>)
      } else {
      }
      %dma_wait3A_281 = arith.constant 0 : i32
      %dma_wait3A_282 = arith.constant 0 : i32
      %dma_wait3A_283 = tpu.memref_slice %arg9[%dma_wait3A_281, %dma_wait3A_282] : memref<200x32xf32, #tpu.memory_space<vmem>> -> memref<104x32xf32, #tpu.memory_space<vmem>>
      %dma_wait3A_284 = arith.constant 0 : i32
      %dma_wait3A_285 = tpu.memref_slice %arg5[%dma_wait3A_284] : memref<25600xi32, #tpu.memory_space<vmem>> -> memref<104xi32, #tpu.memory_space<vmem>>
      %dma_wait3A_286 = arith.constant 0 : i32
      %dma_wait3A_287 = arith.constant 0 : i32
      %dma_wait3A_288 = tpu.memref_slice %arg3[%dma_wait3A_286, %dma_wait3A_287] : memref<1048576x32xf32, #tpu.memory_space<hbm>> -> memref<1048576x32xf32, #tpu.memory_space<hbm>>
      tpu.wait_indirect_dma semaphore(%arg18 : memref<!tpu.dma_semaphore, #tpu.memory_space<semaphore_mem>>) src(%dma_wait3A_288 : memref<1048576x32xf32, #tpu.memory_space<hbm>>) dst(%dma_wait3A_283 : memref<104x32xf32, #tpu.memory_space<vmem>>)
      %dma_wait3A_289 = arith.constant 104 : i32
      %dma_wait3A_290 = arith.constant 0 : i32
      %dma_wait3A_291 = tpu.memref_slice %arg9[%dma_wait3A_289, %dma_wait3A_290] : memref<200x32xf32, #tpu.memory_space<vmem>> -> memref<96x32xf32, #tpu.memory_space<vmem>>
      %dma_wait3A_292 = arith.constant 0 : i32
      %dma_wait3A_293 = tpu.memref_slice %arg5[%dma_wait3A_292] : memref<25600xi32, #tpu.memory_space<vmem>> -> memref<96xi32, #tpu.memory_space<vmem>>
      %dma_wait3A_294 = arith.constant 0 : i32
      %dma_wait3A_295 = arith.constant 0 : i32
      %dma_wait3A_296 = tpu.memref_slice %arg3[%dma_wait3A_294, %dma_wait3A_295] : memref<1048576x32xf32, #tpu.memory_space<hbm>> -> memref<1048576x32xf32, #tpu.memory_space<hbm>>
      tpu.wait_indirect_dma semaphore(%arg18 : memref<!tpu.dma_semaphore, #tpu.memory_space<semaphore_mem>>) src(%dma_wait3A_296 : memref<1048576x32xf32, #tpu.memory_space<hbm>>) dst(%dma_wait3A_291 : memref<96x32xf32, #tpu.memory_space<vmem>>)
      %add3A_297 = arith.constant 3 : i32
      %add3A_298 = arith.addi %mul3A_145, %add3A_297 : i32
      %broadcast_in_dim3A_299 = arith.constant 0.000000e+00 : f32
      %broadcast_in_dim3A_300 = vector.broadcast %broadcast_in_dim3A_299 : f32 to vector<16xf32>
      %scan3A_301 = arith.constant 0 : i32
      %scan3A_302 = arith.constant 25 : i32
      %scan3A_303 = arith.addi %scan3A_301, %scan3A_302 : i32
      %scan3A_304 = arith.constant 1 : i32
      %scan3A_305:4 = scf.for %scan3A_516 = %scan3A_301 to %scan3A_303 step %scan3A_304 iter_args(%scan3A_517 = %broadcast_in_dim3A_300, %scan3A_518 = %broadcast_in_dim3A_300, %scan3A_519 = %broadcast_in_dim3A_300, %scan3A_520 = %broadcast_in_dim3A_300) -> (vector<16xf32>, vector<16xf32>, vector<16xf32>, vector<16xf32>)  : i32 {
        %mul3A_521 = arith.constant 8 : i32
        %mul3A_522 = arith.muli %scan3A_516, %mul3A_521 : i32
        %add3A_523 = arith.constant 0 : i32
        %add3A_524 = arith.addi %mul3A_522, %add3A_523 : i32
        %get3A = arith.index_cast %add3A_524 : i32 to index
        %get3A_525 = arith.constant 0 : index
        %get3A_526 = tpu.vector_load %arg9[%get3A, %get3A_525] {strides = array<i32>} : memref<200x32xf32, #tpu.memory_space<vmem>>, vector<1x16xf32>,
        %get3A_527 = vector.shape_cast %get3A_526 : vector<1x16xf32> to vector<16xf32>
        %add3A_528 = arith.addf %scan3A_517, %get3A_527 : vector<16xf32>
        %get3A_529 = arith.index_cast %add3A_524 : i32 to index
        %get3A_530 = arith.constant 16 : index
        %get3A_531 = tpu.vector_load %arg9[%get3A_529, %get3A_530] {strides = array<i32>} : memref<200x32xf32, #tpu.memory_space<vmem>>, vector<1x16xf32>,
        %get3A_532 = vector.shape_cast %get3A_531 : vector<1x16xf32> to vector<16xf32>
        %add3A_533 = arith.addf %scan3A_518, %get3A_532 : vector<16xf32>
        %mul3A_534 = arith.constant 8 : i32
        %mul3A_535 = arith.muli %scan3A_516, %mul3A_534 : i32
        %add3A_536 = arith.constant 1 : i32
        %add3A_537 = arith.addi %mul3A_535, %add3A_536 : i32
        %get3A_538 = arith.index_cast %add3A_537 : i32 to index
        %get3A_539 = arith.constant 0 : index
        %get3A_540 = tpu.vector_load %arg9[%get3A_538, %get3A_539] {strides = array<i32>} : memref<200x32xf32, #tpu.memory_space<vmem>>, vector<1x16xf32>,
        %get3A_541 = vector.shape_cast %get3A_540 : vector<1x16xf32> to vector<16xf32>
        %add3A_542 = arith.addf %scan3A_519, %get3A_541 : vector<16xf32>
        %get3A_543 = arith.index_cast %add3A_537 : i32 to index
        %get3A_544 = arith.constant 16 : index
        %get3A_545 = tpu.vector_load %arg9[%get3A_543, %get3A_544] {strides = array<i32>} : memref<200x32xf32, #tpu.memory_space<vmem>>, vector<1x16xf32>,
        %get3A_546 = vector.shape_cast %get3A_545 : vector<1x16xf32> to vector<16xf32>
        %add3A_547 = arith.addf %scan3A_520, %get3A_546 : vector<16xf32>
        %mul3A_548 = arith.constant 8 : i32
        %mul3A_549 = arith.muli %scan3A_516, %mul3A_548 : i32
        %add3A_550 = arith.constant 2 : i32
        %add3A_551 = arith.addi %mul3A_549, %add3A_550 : i32
        %get3A_552 = arith.index_cast %add3A_551 : i32 to index
        %get3A_553 = arith.constant 0 : index
        %get3A_554 = tpu.vector_load %arg9[%get3A_552, %get3A_553] {strides = array<i32>} : memref<200x32xf32, #tpu.memory_space<vmem>>, vector<1x16xf32>,
        %get3A_555 = vector.shape_cast %get3A_554 : vector<1x16xf32> to vector<16xf32>
        %add3A_556 = arith.addf %add3A_528, %get3A_555 : vector<16xf32>
        %get3A_557 = arith.index_cast %add3A_551 : i32 to index
        %get3A_558 = arith.constant 16 : index
        %get3A_559 = tpu.vector_load %arg9[%get3A_557, %get3A_558] {strides = array<i32>} : memref<200x32xf32, #tpu.memory_space<vmem>>, vector<1x16xf32>,
        %get3A_560 = vector.shape_cast %get3A_559 : vector<1x16xf32> to vector<16xf32>
        %add3A_561 = arith.addf %add3A_533, %get3A_560 : vector<16xf32>
        %mul3A_562 = arith.constant 8 : i32
        %mul3A_563 = arith.muli %scan3A_516, %mul3A_562 : i32
        %add3A_564 = arith.constant 3 : i32
        %add3A_565 = arith.addi %mul3A_563, %add3A_564 : i32
        %get3A_566 = arith.index_cast %add3A_565 : i32 to index
        %get3A_567 = arith.constant 0 : index
        %get3A_568 = tpu.vector_load %arg9[%get3A_566, %get3A_567] {strides = array<i32>} : memref<200x32xf32, #tpu.memory_space<vmem>>, vector<1x16xf32>,
        %get3A_569 = vector.shape_cast %get3A_568 : vector<1x16xf32> to vector<16xf32>
        %add3A_570 = arith.addf %add3A_542, %get3A_569 : vector<16xf32>
        %get3A_571 = arith.index_cast %add3A_565 : i32 to index
        %get3A_572 = arith.constant 16 : index
        %get3A_573 = tpu.vector_load %arg9[%get3A_571, %get3A_572] {strides = array<i32>} : memref<200x32xf32, #tpu.memory_space<vmem>>, vector<1x16xf32>,
        %get3A_574 = vector.shape_cast %get3A_573 : vector<1x16xf32> to vector<16xf32>
        %add3A_575 = arith.addf %add3A_547, %get3A_574 : vector<16xf32>
        %mul3A_576 = arith.constant 8 : i32
        %mul3A_577 = arith.muli %scan3A_516, %mul3A_576 : i32
        %add3A_578 = arith.constant 4 : i32
        %add3A_579 = arith.addi %mul3A_577, %add3A_578 : i32
        %get3A_580 = arith.index_cast %add3A_579 : i32 to index
        %get3A_581 = arith.constant 0 : index
        %get3A_582 = tpu.vector_load %arg9[%get3A_580, %get3A_581] {strides = array<i32>} : memref<200x32xf32, #tpu.memory_space<vmem>>, vector<1x16xf32>,
        %get3A_583 = vector.shape_cast %get3A_582 : vector<1x16xf32> to vector<16xf32>
        %add3A_584 = arith.addf %add3A_556, %get3A_583 : vector<16xf32>
        %get3A_585 = arith.index_cast %add3A_579 : i32 to index
        %get3A_586 = arith.constant 16 : index
        %get3A_587 = tpu.vector_load %arg9[%get3A_585, %get3A_586] {strides = array<i32>} : memref<200x32xf32, #tpu.memory_space<vmem>>, vector<1x16xf32>,
        %get3A_588 = vector.shape_cast %get3A_587 : vector<1x16xf32> to vector<16xf32>
        %add3A_589 = arith.addf %add3A_561, %get3A_588 : vector<16xf32>
        %mul3A_590 = arith.constant 8 : i32
        %mul3A_591 = arith.muli %scan3A_516, %mul3A_590 : i32
        %add3A_592 = arith.constant 5 : i32
        %add3A_593 = arith.addi %mul3A_591, %add3A_592 : i32
        %get3A_594 = arith.index_cast %add3A_593 : i32 to index
        %get3A_595 = arith.constant 0 : index
        %get3A_596 = tpu.vector_load %arg9[%get3A_594, %get3A_595] {strides = array<i32>} : memref<200x32xf32, #tpu.memory_space<vmem>>, vector<1x16xf32>,
        %get3A_597 = vector.shape_cast %get3A_596 : vector<1x16xf32> to vector<16xf32>
        %add3A_598 = arith.addf %add3A_570, %get3A_597 : vector<16xf32>
        %get3A_599 = arith.index_cast %add3A_593 : i32 to index
        %get3A_600 = arith.constant 16 : index
        %get3A_601 = tpu.vector_load %arg9[%get3A_599, %get3A_600] {strides = array<i32>} : memref<200x32xf32, #tpu.memory_space<vmem>>, vector<1x16xf32>,
        %get3A_602 = vector.shape_cast %get3A_601 : vector<1x16xf32> to vector<16xf32>
        %add3A_603 = arith.addf %add3A_575, %get3A_602 : vector<16xf32>
        %mul3A_604 = arith.constant 8 : i32
        %mul3A_605 = arith.muli %scan3A_516, %mul3A_604 : i32
        %add3A_606 = arith.constant 6 : i32
        %add3A_607 = arith.addi %mul3A_605, %add3A_606 : i32
        %get3A_608 = arith.index_cast %add3A_607 : i32 to index
        %get3A_609 = arith.constant 0 : index
        %get3A_610 = tpu.vector_load %arg9[%get3A_608, %get3A_609] {strides = array<i32>} : memref<200x32xf32, #tpu.memory_space<vmem>>, vector<1x16xf32>,
        %get3A_611 = vector.shape_cast %get3A_610 : vector<1x16xf32> to vector<16xf32>
        %add3A_612 = arith.addf %add3A_584, %get3A_611 : vector<16xf32>
        %get3A_613 = arith.index_cast %add3A_607 : i32 to index
        %get3A_614 = arith.constant 16 : index
        %get3A_615 = tpu.vector_load %arg9[%get3A_613, %get3A_614] {strides = array<i32>} : memref<200x32xf32, #tpu.memory_space<vmem>>, vector<1x16xf32>,
        %get3A_616 = vector.shape_cast %get3A_615 : vector<1x16xf32> to vector<16xf32>
        %add3A_617 = arith.addf %add3A_589, %get3A_616 : vector<16xf32>
        %mul3A_618 = arith.constant 8 : i32
        %mul3A_619 = arith.muli %scan3A_516, %mul3A_618 : i32
        %add3A_620 = arith.constant 7 : i32
        %add3A_621 = arith.addi %mul3A_619, %add3A_620 : i32
        %get3A_622 = arith.index_cast %add3A_621 : i32 to index
        %get3A_623 = arith.constant 0 : index
        %get3A_624 = tpu.vector_load %arg9[%get3A_622, %get3A_623] {strides = array<i32>} : memref<200x32xf32, #tpu.memory_space<vmem>>, vector<1x16xf32>,
        %get3A_625 = vector.shape_cast %get3A_624 : vector<1x16xf32> to vector<16xf32>
        %add3A_626 = arith.addf %add3A_598, %get3A_625 : vector<16xf32>
        %get3A_627 = arith.index_cast %add3A_621 : i32 to index
        %get3A_628 = arith.constant 16 : index
        %get3A_629 = tpu.vector_load %arg9[%get3A_627, %get3A_628] {strides = array<i32>} : memref<200x32xf32, #tpu.memory_space<vmem>>, vector<1x16xf32>,
        %get3A_630 = vector.shape_cast %get3A_629 : vector<1x16xf32> to vector<16xf32>
        %add3A_631 = arith.addf %add3A_603, %get3A_630 : vector<16xf32>
        scf.yield %add3A_612, %add3A_617, %add3A_626, %add3A_631 : vector<16xf32>, vector<16xf32>, vector<16xf32>, vector<16xf32>
      }
      %scan3A_306 = arith.constant 25 : i32
      %add3A_307 = arith.addf %scan3A_305#0, %scan3A_305#2 : vector<16xf32>
      %swap3A_308 = arith.index_cast %add3A_298 : i32 to index
      %swap3A_309 = arith.constant 0 : index
      %swap3A_310 = tpu.vector_load %arg14[%swap3A_308, %swap3A_309] {strides = array<i32>} : memref<128x32xf32, #tpu.memory_space<vmem>>, vector<1x16xf32>,
      %swap3A_311 = vector.shape_cast %swap3A_310 : vector<1x16xf32> to vector<16xf32>
      %swap3A_312 = vector.shape_cast %add3A_307 : vector<16xf32> to vector<1x16xf32>
      tpu.vector_store %arg14[%swap3A_308, %swap3A_309], %swap3A_312 {strides = array<i32>} : memref<128x32xf32, #tpu.memory_space<vmem>>, vector<1x16xf32>,
      %add3A_313 = arith.addf %scan3A_305#1, %scan3A_305#3 : vector<16xf32>
      %swap3A_314 = arith.index_cast %add3A_298 : i32 to index
      %swap3A_315 = arith.constant 16 : index
      %swap3A_316 = tpu.vector_load %arg14[%swap3A_314, %swap3A_315] {strides = array<i32>} : memref<128x32xf32, #tpu.memory_space<vmem>>, vector<1x16xf32>,
      %swap3A_317 = vector.shape_cast %swap3A_316 : vector<1x16xf32> to vector<16xf32>
      %swap3A_318 = vector.shape_cast %add3A_313 : vector<16xf32> to vector<1x16xf32>
      tpu.vector_store %arg14[%swap3A_314, %swap3A_315], %swap3A_318 {strides = array<i32>} : memref<128x32xf32, #tpu.memory_space<vmem>>, vector<1x16xf32>,
      %add3A_319 = arith.constant 3 : i32
      %add3A_320 = arith.addi %mul3A_145, %add3A_319 : i32
      %add3A_321 = arith.constant 8 : i32
      %add3A_322 = arith.addi %add3A_320, %add3A_321 : i32
      %lt3A_323 = arith.constant 128 : i32
      %lt3A_324 = arith.cmpi slt, %add3A_322, %lt3A_323 : i32
      %convert_element_type3A_325 = arith.extui %lt3A_324 : i1 to i32
      %cond3A_326 = arith.constant 0 : i32
      %cond3A_327 = arith.cmpi ne, %convert_element_type3A_325, %cond3A_326 : i32
      scf.if %cond3A_327 {
        %add3A_516 = arith.constant 3 : i32
        %add3A_517 = arith.addi %mul3A_145, %add3A_516 : i32
        %add3A_518 = arith.constant 8 : i32
        %add3A_519 = arith.addi %add3A_517, %add3A_518 : i32
        %mul3A_520 = arith.constant 200 : i32
        %mul3A_521 = arith.muli %add3A_519, %mul3A_520 : i32
        %dma_start3A_522 = arith.constant 0 : i32
        %dma_start3A_523 = arith.constant 0 : i32
        %dma_start3A_524 = tpu.memref_slice %arg9[%dma_start3A_522, %dma_start3A_523] : memref<200x32xf32, #tpu.memory_space<vmem>> -> memref<104x32xf32, #tpu.memory_space<vmem>>
        %dma_start3A_525 = tpu.memref_slice %arg5[%mul3A_521] : memref<25600xi32, #tpu.memory_space<vmem>> -> memref<104xi32, #tpu.memory_space<vmem>>
        %dma_start3A_526 = arith.constant 0 : i32
        %dma_start3A_527 = arith.constant 0 : i32
        %dma_start3A_528 = tpu.memref_slice %arg3[%dma_start3A_526, %dma_start3A_527] : memref<1048576x32xf32, #tpu.memory_space<hbm>> -> memref<1048576x32xf32, #tpu.memory_space<hbm>>
        tpu.enqueue_indirect_dma source(%dma_start3A_528 : memref<1048576x32xf32, #tpu.memory_space<hbm>>) target(%dma_start3A_524 : memref<104x32xf32, #tpu.memory_space<vmem>>) offsets(%dma_start3A_525 : memref<104xi32, #tpu.memory_space<vmem>>) semaphore(%arg18 : memref<!tpu.dma_semaphore, #tpu.memory_space<semaphore_mem>>)
        %add3A_529 = arith.constant 104 : i32
        %add3A_530 = arith.addi %mul3A_521, %add3A_529 : i32
        %dma_start3A_531 = arith.constant 104 : i32
        %dma_start3A_532 = arith.constant 0 : i32
        %dma_start3A_533 = tpu.memref_slice %arg9[%dma_start3A_531, %dma_start3A_532] : memref<200x32xf32, #tpu.memory_space<vmem>> -> memref<96x32xf32, #tpu.memory_space<vmem>>
        %dma_start3A_534 = tpu.memref_slice %arg5[%add3A_530] : memref<25600xi32, #tpu.memory_space<vmem>> -> memref<96xi32, #tpu.memory_space<vmem>>
        %dma_start3A_535 = arith.constant 0 : i32
        %dma_start3A_536 = arith.constant 0 : i32
        %dma_start3A_537 = tpu.memref_slice %arg3[%dma_start3A_535, %dma_start3A_536] : memref<1048576x32xf32, #tpu.memory_space<hbm>> -> memref<1048576x32xf32, #tpu.memory_space<hbm>>
        tpu.enqueue_indirect_dma source(%dma_start3A_537 : memref<1048576x32xf32, #tpu.memory_space<hbm>>) target(%dma_start3A_533 : memref<96x32xf32, #tpu.memory_space<vmem>>) offsets(%dma_start3A_534 : memref<96xi32, #tpu.memory_space<vmem>>) semaphore(%arg18 : memref<!tpu.dma_semaphore, #tpu.memory_space<semaphore_mem>>)
      } else {
      }
      %dma_wait3A_328 = arith.constant 0 : i32
      %dma_wait3A_329 = arith.constant 0 : i32
      %dma_wait3A_330 = tpu.memref_slice %arg10[%dma_wait3A_328, %dma_wait3A_329] : memref<200x32xf32, #tpu.memory_space<vmem>> -> memref<104x32xf32, #tpu.memory_space<vmem>>
      %dma_wait3A_331 = arith.constant 0 : i32
      %dma_wait3A_332 = tpu.memref_slice %arg5[%dma_wait3A_331] : memref<25600xi32, #tpu.memory_space<vmem>> -> memref<104xi32, #tpu.memory_space<vmem>>
      %dma_wait3A_333 = arith.constant 0 : i32
      %dma_wait3A_334 = arith.constant 0 : i32
      %dma_wait3A_335 = tpu.memref_slice %arg3[%dma_wait3A_333, %dma_wait3A_334] : memref<1048576x32xf32, #tpu.memory_space<hbm>> -> memref<1048576x32xf32, #tpu.memory_space<hbm>>
      tpu.wait_indirect_dma semaphore(%arg19 : memref<!tpu.dma_semaphore, #tpu.memory_space<semaphore_mem>>) src(%dma_wait3A_335 : memref<1048576x32xf32, #tpu.memory_space<hbm>>) dst(%dma_wait3A_330 : memref<104x32xf32, #tpu.memory_space<vmem>>)
      %dma_wait3A_336 = arith.constant 104 : i32
      %dma_wait3A_337 = arith.constant 0 : i32
      %dma_wait3A_338 = tpu.memref_slice %arg10[%dma_wait3A_336, %dma_wait3A_337] : memref<200x32xf32, #tpu.memory_space<vmem>> -> memref<96x32xf32, #tpu.memory_space<vmem>>
      %dma_wait3A_339 = arith.constant 0 : i32
      %dma_wait3A_340 = tpu.memref_slice %arg5[%dma_wait3A_339] : memref<25600xi32, #tpu.memory_space<vmem>> -> memref<96xi32, #tpu.memory_space<vmem>>
      %dma_wait3A_341 = arith.constant 0 : i32
      %dma_wait3A_342 = arith.constant 0 : i32
      %dma_wait3A_343 = tpu.memref_slice %arg3[%dma_wait3A_341, %dma_wait3A_342] : memref<1048576x32xf32, #tpu.memory_space<hbm>> -> memref<1048576x32xf32, #tpu.memory_space<hbm>>
      tpu.wait_indirect_dma semaphore(%arg19 : memref<!tpu.dma_semaphore, #tpu.memory_space<semaphore_mem>>) src(%dma_wait3A_343 : memref<1048576x32xf32, #tpu.memory_space<hbm>>) dst(%dma_wait3A_338 : memref<96x32xf32, #tpu.memory_space<vmem>>)
      %add3A_344 = arith.constant 4 : i32
      %add3A_345 = arith.addi %mul3A_145, %add3A_344 : i32
      %broadcast_in_dim3A_346 = arith.constant 0.000000e+00 : f32
      %broadcast_in_dim3A_347 = vector.broadcast %broadcast_in_dim3A_346 : f32 to vector<16xf32>
      %scan3A_348 = arith.constant 0 : i32
      %scan3A_349 = arith.constant 25 : i32
      %scan3A_350 = arith.addi %scan3A_348, %scan3A_349 : i32
      %scan3A_351 = arith.constant 1 : i32
      %scan3A_352:4 = scf.for %scan3A_516 = %scan3A_348 to %scan3A_350 step %scan3A_351 iter_args(%scan3A_517 = %broadcast_in_dim3A_347, %scan3A_518 = %broadcast_in_dim3A_347, %scan3A_519 = %broadcast_in_dim3A_347, %scan3A_520 = %broadcast_in_dim3A_347) -> (vector<16xf32>, vector<16xf32>, vector<16xf32>, vector<16xf32>)  : i32 {
        %mul3A_521 = arith.constant 8 : i32
        %mul3A_522 = arith.muli %scan3A_516, %mul3A_521 : i32
        %add3A_523 = arith.constant 0 : i32
        %add3A_524 = arith.addi %mul3A_522, %add3A_523 : i32
        %get3A = arith.index_cast %add3A_524 : i32 to index
        %get3A_525 = arith.constant 0 : index
        %get3A_526 = tpu.vector_load %arg10[%get3A, %get3A_525] {strides = array<i32>} : memref<200x32xf32, #tpu.memory_space<vmem>>, vector<1x16xf32>,
        %get3A_527 = vector.shape_cast %get3A_526 : vector<1x16xf32> to vector<16xf32>
        %add3A_528 = arith.addf %scan3A_517, %get3A_527 : vector<16xf32>
        %get3A_529 = arith.index_cast %add3A_524 : i32 to index
        %get3A_530 = arith.constant 16 : index
        %get3A_531 = tpu.vector_load %arg10[%get3A_529, %get3A_530] {strides = array<i32>} : memref<200x32xf32, #tpu.memory_space<vmem>>, vector<1x16xf32>,
        %get3A_532 = vector.shape_cast %get3A_531 : vector<1x16xf32> to vector<16xf32>
        %add3A_533 = arith.addf %scan3A_518, %get3A_532 : vector<16xf32>
        %mul3A_534 = arith.constant 8 : i32
        %mul3A_535 = arith.muli %scan3A_516, %mul3A_534 : i32
        %add3A_536 = arith.constant 1 : i32
        %add3A_537 = arith.addi %mul3A_535, %add3A_536 : i32
        %get3A_538 = arith.index_cast %add3A_537 : i32 to index
        %get3A_539 = arith.constant 0 : index
        %get3A_540 = tpu.vector_load %arg10[%get3A_538, %get3A_539] {strides = array<i32>} : memref<200x32xf32, #tpu.memory_space<vmem>>, vector<1x16xf32>,
        %get3A_541 = vector.shape_cast %get3A_540 : vector<1x16xf32> to vector<16xf32>
        %add3A_542 = arith.addf %scan3A_519, %get3A_541 : vector<16xf32>
        %get3A_543 = arith.index_cast %add3A_537 : i32 to index
        %get3A_544 = arith.constant 16 : index
        %get3A_545 = tpu.vector_load %arg10[%get3A_543, %get3A_544] {strides = array<i32>} : memref<200x32xf32, #tpu.memory_space<vmem>>, vector<1x16xf32>,
        %get3A_546 = vector.shape_cast %get3A_545 : vector<1x16xf32> to vector<16xf32>
        %add3A_547 = arith.addf %scan3A_520, %get3A_546 : vector<16xf32>
        %mul3A_548 = arith.constant 8 : i32
        %mul3A_549 = arith.muli %scan3A_516, %mul3A_548 : i32
        %add3A_550 = arith.constant 2 : i32
        %add3A_551 = arith.addi %mul3A_549, %add3A_550 : i32
        %get3A_552 = arith.index_cast %add3A_551 : i32 to index
        %get3A_553 = arith.constant 0 : index
        %get3A_554 = tpu.vector_load %arg10[%get3A_552, %get3A_553] {strides = array<i32>} : memref<200x32xf32, #tpu.memory_space<vmem>>, vector<1x16xf32>,
        %get3A_555 = vector.shape_cast %get3A_554 : vector<1x16xf32> to vector<16xf32>
        %add3A_556 = arith.addf %add3A_528, %get3A_555 : vector<16xf32>
        %get3A_557 = arith.index_cast %add3A_551 : i32 to index
        %get3A_558 = arith.constant 16 : index
        %get3A_559 = tpu.vector_load %arg10[%get3A_557, %get3A_558] {strides = array<i32>} : memref<200x32xf32, #tpu.memory_space<vmem>>, vector<1x16xf32>,
        %get3A_560 = vector.shape_cast %get3A_559 : vector<1x16xf32> to vector<16xf32>
        %add3A_561 = arith.addf %add3A_533, %get3A_560 : vector<16xf32>
        %mul3A_562 = arith.constant 8 : i32
        %mul3A_563 = arith.muli %scan3A_516, %mul3A_562 : i32
        %add3A_564 = arith.constant 3 : i32
        %add3A_565 = arith.addi %mul3A_563, %add3A_564 : i32
        %get3A_566 = arith.index_cast %add3A_565 : i32 to index
        %get3A_567 = arith.constant 0 : index
        %get3A_568 = tpu.vector_load %arg10[%get3A_566, %get3A_567] {strides = array<i32>} : memref<200x32xf32, #tpu.memory_space<vmem>>, vector<1x16xf32>,
        %get3A_569 = vector.shape_cast %get3A_568 : vector<1x16xf32> to vector<16xf32>
        %add3A_570 = arith.addf %add3A_542, %get3A_569 : vector<16xf32>
        %get3A_571 = arith.index_cast %add3A_565 : i32 to index
        %get3A_572 = arith.constant 16 : index
        %get3A_573 = tpu.vector_load %arg10[%get3A_571, %get3A_572] {strides = array<i32>} : memref<200x32xf32, #tpu.memory_space<vmem>>, vector<1x16xf32>,
        %get3A_574 = vector.shape_cast %get3A_573 : vector<1x16xf32> to vector<16xf32>
        %add3A_575 = arith.addf %add3A_547, %get3A_574 : vector<16xf32>
        %mul3A_576 = arith.constant 8 : i32
        %mul3A_577 = arith.muli %scan3A_516, %mul3A_576 : i32
        %add3A_578 = arith.constant 4 : i32
        %add3A_579 = arith.addi %mul3A_577, %add3A_578 : i32
        %get3A_580 = arith.index_cast %add3A_579 : i32 to index
        %get3A_581 = arith.constant 0 : index
        %get3A_582 = tpu.vector_load %arg10[%get3A_580, %get3A_581] {strides = array<i32>} : memref<200x32xf32, #tpu.memory_space<vmem>>, vector<1x16xf32>,
        %get3A_583 = vector.shape_cast %get3A_582 : vector<1x16xf32> to vector<16xf32>
        %add3A_584 = arith.addf %add3A_556, %get3A_583 : vector<16xf32>
        %get3A_585 = arith.index_cast %add3A_579 : i32 to index
        %get3A_586 = arith.constant 16 : index
        %get3A_587 = tpu.vector_load %arg10[%get3A_585, %get3A_586] {strides = array<i32>} : memref<200x32xf32, #tpu.memory_space<vmem>>, vector<1x16xf32>,
        %get3A_588 = vector.shape_cast %get3A_587 : vector<1x16xf32> to vector<16xf32>
        %add3A_589 = arith.addf %add3A_561, %get3A_588 : vector<16xf32>
        %mul3A_590 = arith.constant 8 : i32
        %mul3A_591 = arith.muli %scan3A_516, %mul3A_590 : i32
        %add3A_592 = arith.constant 5 : i32
        %add3A_593 = arith.addi %mul3A_591, %add3A_592 : i32
        %get3A_594 = arith.index_cast %add3A_593 : i32 to index
        %get3A_595 = arith.constant 0 : index
        %get3A_596 = tpu.vector_load %arg10[%get3A_594, %get3A_595] {strides = array<i32>} : memref<200x32xf32, #tpu.memory_space<vmem>>, vector<1x16xf32>,
        %get3A_597 = vector.shape_cast %get3A_596 : vector<1x16xf32> to vector<16xf32>
        %add3A_598 = arith.addf %add3A_570, %get3A_597 : vector<16xf32>
        %get3A_599 = arith.index_cast %add3A_593 : i32 to index
        %get3A_600 = arith.constant 16 : index
        %get3A_601 = tpu.vector_load %arg10[%get3A_599, %get3A_600] {strides = array<i32>} : memref<200x32xf32, #tpu.memory_space<vmem>>, vector<1x16xf32>,
        %get3A_602 = vector.shape_cast %get3A_601 : vector<1x16xf32> to vector<16xf32>
        %add3A_603 = arith.addf %add3A_575, %get3A_602 : vector<16xf32>
        %mul3A_604 = arith.constant 8 : i32
        %mul3A_605 = arith.muli %scan3A_516, %mul3A_604 : i32
        %add3A_606 = arith.constant 6 : i32
        %add3A_607 = arith.addi %mul3A_605, %add3A_606 : i32
        %get3A_608 = arith.index_cast %add3A_607 : i32 to index
        %get3A_609 = arith.constant 0 : index
        %get3A_610 = tpu.vector_load %arg10[%get3A_608, %get3A_609] {strides = array<i32>} : memref<200x32xf32, #tpu.memory_space<vmem>>, vector<1x16xf32>,
        %get3A_611 = vector.shape_cast %get3A_610 : vector<1x16xf32> to vector<16xf32>
        %add3A_612 = arith.addf %add3A_584, %get3A_611 : vector<16xf32>
        %get3A_613 = arith.index_cast %add3A_607 : i32 to index
        %get3A_614 = arith.constant 16 : index
        %get3A_615 = tpu.vector_load %arg10[%get3A_613, %get3A_614] {strides = array<i32>} : memref<200x32xf32, #tpu.memory_space<vmem>>, vector<1x16xf32>,
        %get3A_616 = vector.shape_cast %get3A_615 : vector<1x16xf32> to vector<16xf32>
        %add3A_617 = arith.addf %add3A_589, %get3A_616 : vector<16xf32>
        %mul3A_618 = arith.constant 8 : i32
        %mul3A_619 = arith.muli %scan3A_516, %mul3A_618 : i32
        %add3A_620 = arith.constant 7 : i32
        %add3A_621 = arith.addi %mul3A_619, %add3A_620 : i32
        %get3A_622 = arith.index_cast %add3A_621 : i32 to index
        %get3A_623 = arith.constant 0 : index
        %get3A_624 = tpu.vector_load %arg10[%get3A_622, %get3A_623] {strides = array<i32>} : memref<200x32xf32, #tpu.memory_space<vmem>>, vector<1x16xf32>,
        %get3A_625 = vector.shape_cast %get3A_624 : vector<1x16xf32> to vector<16xf32>
        %add3A_626 = arith.addf %add3A_598, %get3A_625 : vector<16xf32>
        %get3A_627 = arith.index_cast %add3A_621 : i32 to index
        %get3A_628 = arith.constant 16 : index
        %get3A_629 = tpu.vector_load %arg10[%get3A_627, %get3A_628] {strides = array<i32>} : memref<200x32xf32, #tpu.memory_space<vmem>>, vector<1x16xf32>,
        %get3A_630 = vector.shape_cast %get3A_629 : vector<1x16xf32> to vector<16xf32>
        %add3A_631 = arith.addf %add3A_603, %get3A_630 : vector<16xf32>
        scf.yield %add3A_612, %add3A_617, %add3A_626, %add3A_631 : vector<16xf32>, vector<16xf32>, vector<16xf32>, vector<16xf32>
      }
      %scan3A_353 = arith.constant 25 : i32
      %add3A_354 = arith.addf %scan3A_352#0, %scan3A_352#2 : vector<16xf32>
      %swap3A_355 = arith.index_cast %add3A_345 : i32 to index
      %swap3A_356 = arith.constant 0 : index
      %swap3A_357 = tpu.vector_load %arg14[%swap3A_355, %swap3A_356] {strides = array<i32>} : memref<128x32xf32, #tpu.memory_space<vmem>>, vector<1x16xf32>,
      %swap3A_358 = vector.shape_cast %swap3A_357 : vector<1x16xf32> to vector<16xf32>
      %swap3A_359 = vector.shape_cast %add3A_354 : vector<16xf32> to vector<1x16xf32>
      tpu.vector_store %arg14[%swap3A_355, %swap3A_356], %swap3A_359 {strides = array<i32>} : memref<128x32xf32, #tpu.memory_space<vmem>>, vector<1x16xf32>,
      %add3A_360 = arith.addf %scan3A_352#1, %scan3A_352#3 : vector<16xf32>
      %swap3A_361 = arith.index_cast %add3A_345 : i32 to index
      %swap3A_362 = arith.constant 16 : index
      %swap3A_363 = tpu.vector_load %arg14[%swap3A_361, %swap3A_362] {strides = array<i32>} : memref<128x32xf32, #tpu.memory_space<vmem>>, vector<1x16xf32>,
      %swap3A_364 = vector.shape_cast %swap3A_363 : vector<1x16xf32> to vector<16xf32>
      %swap3A_365 = vector.shape_cast %add3A_360 : vector<16xf32> to vector<1x16xf32>
      tpu.vector_store %arg14[%swap3A_361, %swap3A_362], %swap3A_365 {strides = array<i32>} : memref<128x32xf32, #tpu.memory_space<vmem>>, vector<1x16xf32>,
      %add3A_366 = arith.constant 4 : i32
      %add3A_367 = arith.addi %mul3A_145, %add3A_366 : i32
      %add3A_368 = arith.constant 8 : i32
      %add3A_369 = arith.addi %add3A_367, %add3A_368 : i32
      %lt3A_370 = arith.constant 128 : i32
      %lt3A_371 = arith.cmpi slt, %add3A_369, %lt3A_370 : i32
      %convert_element_type3A_372 = arith.extui %lt3A_371 : i1 to i32
      %cond3A_373 = arith.constant 0 : i32
      %cond3A_374 = arith.cmpi ne, %convert_element_type3A_372, %cond3A_373 : i32
      scf.if %cond3A_374 {
        %add3A_516 = arith.constant 4 : i32
        %add3A_517 = arith.addi %mul3A_145, %add3A_516 : i32
        %add3A_518 = arith.constant 8 : i32
        %add3A_519 = arith.addi %add3A_517, %add3A_518 : i32
        %mul3A_520 = arith.constant 200 : i32
        %mul3A_521 = arith.muli %add3A_519, %mul3A_520 : i32
        %dma_start3A_522 = arith.constant 0 : i32
        %dma_start3A_523 = arith.constant 0 : i32
        %dma_start3A_524 = tpu.memref_slice %arg10[%dma_start3A_522, %dma_start3A_523] : memref<200x32xf32, #tpu.memory_space<vmem>> -> memref<104x32xf32, #tpu.memory_space<vmem>>
        %dma_start3A_525 = tpu.memref_slice %arg5[%mul3A_521] : memref<25600xi32, #tpu.memory_space<vmem>> -> memref<104xi32, #tpu.memory_space<vmem>>
        %dma_start3A_526 = arith.constant 0 : i32
        %dma_start3A_527 = arith.constant 0 : i32
        %dma_start3A_528 = tpu.memref_slice %arg3[%dma_start3A_526, %dma_start3A_527] : memref<1048576x32xf32, #tpu.memory_space<hbm>> -> memref<1048576x32xf32, #tpu.memory_space<hbm>>
        tpu.enqueue_indirect_dma source(%dma_start3A_528 : memref<1048576x32xf32, #tpu.memory_space<hbm>>) target(%dma_start3A_524 : memref<104x32xf32, #tpu.memory_space<vmem>>) offsets(%dma_start3A_525 : memref<104xi32, #tpu.memory_space<vmem>>) semaphore(%arg19 : memref<!tpu.dma_semaphore, #tpu.memory_space<semaphore_mem>>)
        %add3A_529 = arith.constant 104 : i32
        %add3A_530 = arith.addi %mul3A_521, %add3A_529 : i32
        %dma_start3A_531 = arith.constant 104 : i32
        %dma_start3A_532 = arith.constant 0 : i32
        %dma_start3A_533 = tpu.memref_slice %arg10[%dma_start3A_531, %dma_start3A_532] : memref<200x32xf32, #tpu.memory_space<vmem>> -> memref<96x32xf32, #tpu.memory_space<vmem>>
        %dma_start3A_534 = tpu.memref_slice %arg5[%add3A_530] : memref<25600xi32, #tpu.memory_space<vmem>> -> memref<96xi32, #tpu.memory_space<vmem>>
        %dma_start3A_535 = arith.constant 0 : i32
        %dma_start3A_536 = arith.constant 0 : i32
        %dma_start3A_537 = tpu.memref_slice %arg3[%dma_start3A_535, %dma_start3A_536] : memref<1048576x32xf32, #tpu.memory_space<hbm>> -> memref<1048576x32xf32, #tpu.memory_space<hbm>>
        tpu.enqueue_indirect_dma source(%dma_start3A_537 : memref<1048576x32xf32, #tpu.memory_space<hbm>>) target(%dma_start3A_533 : memref<96x32xf32, #tpu.memory_space<vmem>>) offsets(%dma_start3A_534 : memref<96xi32, #tpu.memory_space<vmem>>) semaphore(%arg19 : memref<!tpu.dma_semaphore, #tpu.memory_space<semaphore_mem>>)
      } else {
      }
      %dma_wait3A_375 = arith.constant 0 : i32
      %dma_wait3A_376 = arith.constant 0 : i32
      %dma_wait3A_377 = tpu.memref_slice %arg11[%dma_wait3A_375, %dma_wait3A_376] : memref<200x32xf32, #tpu.memory_space<vmem>> -> memref<104x32xf32, #tpu.memory_space<vmem>>
      %dma_wait3A_378 = arith.constant 0 : i32
      %dma_wait3A_379 = tpu.memref_slice %arg5[%dma_wait3A_378] : memref<25600xi32, #tpu.memory_space<vmem>> -> memref<104xi32, #tpu.memory_space<vmem>>
      %dma_wait3A_380 = arith.constant 0 : i32
      %dma_wait3A_381 = arith.constant 0 : i32
      %dma_wait3A_382 = tpu.memref_slice %arg3[%dma_wait3A_380, %dma_wait3A_381] : memref<1048576x32xf32, #tpu.memory_space<hbm>> -> memref<1048576x32xf32, #tpu.memory_space<hbm>>
      tpu.wait_indirect_dma semaphore(%arg20 : memref<!tpu.dma_semaphore, #tpu.memory_space<semaphore_mem>>) src(%dma_wait3A_382 : memref<1048576x32xf32, #tpu.memory_space<hbm>>) dst(%dma_wait3A_377 : memref<104x32xf32, #tpu.memory_space<vmem>>)
      %dma_wait3A_383 = arith.constant 104 : i32
      %dma_wait3A_384 = arith.constant 0 : i32
      %dma_wait3A_385 = tpu.memref_slice %arg11[%dma_wait3A_383, %dma_wait3A_384] : memref<200x32xf32, #tpu.memory_space<vmem>> -> memref<96x32xf32, #tpu.memory_space<vmem>>
      %dma_wait3A_386 = arith.constant 0 : i32
      %dma_wait3A_387 = tpu.memref_slice %arg5[%dma_wait3A_386] : memref<25600xi32, #tpu.memory_space<vmem>> -> memref<96xi32, #tpu.memory_space<vmem>>
      %dma_wait3A_388 = arith.constant 0 : i32
      %dma_wait3A_389 = arith.constant 0 : i32
      %dma_wait3A_390 = tpu.memref_slice %arg3[%dma_wait3A_388, %dma_wait3A_389] : memref<1048576x32xf32, #tpu.memory_space<hbm>> -> memref<1048576x32xf32, #tpu.memory_space<hbm>>
      tpu.wait_indirect_dma semaphore(%arg20 : memref<!tpu.dma_semaphore, #tpu.memory_space<semaphore_mem>>) src(%dma_wait3A_390 : memref<1048576x32xf32, #tpu.memory_space<hbm>>) dst(%dma_wait3A_385 : memref<96x32xf32, #tpu.memory_space<vmem>>)
      %add3A_391 = arith.constant 5 : i32
      %add3A_392 = arith.addi %mul3A_145, %add3A_391 : i32
      %broadcast_in_dim3A_393 = arith.constant 0.000000e+00 : f32
      %broadcast_in_dim3A_394 = vector.broadcast %broadcast_in_dim3A_393 : f32 to vector<16xf32>
      %scan3A_395 = arith.constant 0 : i32
      %scan3A_396 = arith.constant 25 : i32
      %scan3A_397 = arith.addi %scan3A_395, %scan3A_396 : i32
      %scan3A_398 = arith.constant 1 : i32
      %scan3A_399:4 = scf.for %scan3A_516 = %scan3A_395 to %scan3A_397 step %scan3A_398 iter_args(%scan3A_517 = %broadcast_in_dim3A_394, %scan3A_518 = %broadcast_in_dim3A_394, %scan3A_519 = %broadcast_in_dim3A_394, %scan3A_520 = %broadcast_in_dim3A_394) -> (vector<16xf32>, vector<16xf32>, vector<16xf32>, vector<16xf32>)  : i32 {
        %mul3A_521 = arith.constant 8 : i32
        %mul3A_522 = arith.muli %scan3A_516, %mul3A_521 : i32
        %add3A_523 = arith.constant 0 : i32
        %add3A_524 = arith.addi %mul3A_522, %add3A_523 : i32
        %get3A = arith.index_cast %add3A_524 : i32 to index
        %get3A_525 = arith.constant 0 : index
        %get3A_526 = tpu.vector_load %arg11[%get3A, %get3A_525] {strides = array<i32>} : memref<200x32xf32, #tpu.memory_space<vmem>>, vector<1x16xf32>,
        %get3A_527 = vector.shape_cast %get3A_526 : vector<1x16xf32> to vector<16xf32>
        %add3A_528 = arith.addf %scan3A_517, %get3A_527 : vector<16xf32>
        %get3A_529 = arith.index_cast %add3A_524 : i32 to index
        %get3A_530 = arith.constant 16 : index
        %get3A_531 = tpu.vector_load %arg11[%get3A_529, %get3A_530] {strides = array<i32>} : memref<200x32xf32, #tpu.memory_space<vmem>>, vector<1x16xf32>,
        %get3A_532 = vector.shape_cast %get3A_531 : vector<1x16xf32> to vector<16xf32>
        %add3A_533 = arith.addf %scan3A_518, %get3A_532 : vector<16xf32>
        %mul3A_534 = arith.constant 8 : i32
        %mul3A_535 = arith.muli %scan3A_516, %mul3A_534 : i32
        %add3A_536 = arith.constant 1 : i32
        %add3A_537 = arith.addi %mul3A_535, %add3A_536 : i32
        %get3A_538 = arith.index_cast %add3A_537 : i32 to index
        %get3A_539 = arith.constant 0 : index
        %get3A_540 = tpu.vector_load %arg11[%get3A_538, %get3A_539] {strides = array<i32>} : memref<200x32xf32, #tpu.memory_space<vmem>>, vector<1x16xf32>,
        %get3A_541 = vector.shape_cast %get3A_540 : vector<1x16xf32> to vector<16xf32>
        %add3A_542 = arith.addf %scan3A_519, %get3A_541 : vector<16xf32>
        %get3A_543 = arith.index_cast %add3A_537 : i32 to index
        %get3A_544 = arith.constant 16 : index
        %get3A_545 = tpu.vector_load %arg11[%get3A_543, %get3A_544] {strides = array<i32>} : memref<200x32xf32, #tpu.memory_space<vmem>>, vector<1x16xf32>,
        %get3A_546 = vector.shape_cast %get3A_545 : vector<1x16xf32> to vector<16xf32>
        %add3A_547 = arith.addf %scan3A_520, %get3A_546 : vector<16xf32>
        %mul3A_548 = arith.constant 8 : i32
        %mul3A_549 = arith.muli %scan3A_516, %mul3A_548 : i32
        %add3A_550 = arith.constant 2 : i32
        %add3A_551 = arith.addi %mul3A_549, %add3A_550 : i32
        %get3A_552 = arith.index_cast %add3A_551 : i32 to index
        %get3A_553 = arith.constant 0 : index
        %get3A_554 = tpu.vector_load %arg11[%get3A_552, %get3A_553] {strides = array<i32>} : memref<200x32xf32, #tpu.memory_space<vmem>>, vector<1x16xf32>,
        %get3A_555 = vector.shape_cast %get3A_554 : vector<1x16xf32> to vector<16xf32>
        %add3A_556 = arith.addf %add3A_528, %get3A_555 : vector<16xf32>
        %get3A_557 = arith.index_cast %add3A_551 : i32 to index
        %get3A_558 = arith.constant 16 : index
        %get3A_559 = tpu.vector_load %arg11[%get3A_557, %get3A_558] {strides = array<i32>} : memref<200x32xf32, #tpu.memory_space<vmem>>, vector<1x16xf32>,
        %get3A_560 = vector.shape_cast %get3A_559 : vector<1x16xf32> to vector<16xf32>
        %add3A_561 = arith.addf %add3A_533, %get3A_560 : vector<16xf32>
        %mul3A_562 = arith.constant 8 : i32
        %mul3A_563 = arith.muli %scan3A_516, %mul3A_562 : i32
        %add3A_564 = arith.constant 3 : i32
        %add3A_565 = arith.addi %mul3A_563, %add3A_564 : i32
        %get3A_566 = arith.index_cast %add3A_565 : i32 to index
        %get3A_567 = arith.constant 0 : index
        %get3A_568 = tpu.vector_load %arg11[%get3A_566, %get3A_567] {strides = array<i32>} : memref<200x32xf32, #tpu.memory_space<vmem>>, vector<1x16xf32>,
        %get3A_569 = vector.shape_cast %get3A_568 : vector<1x16xf32> to vector<16xf32>
        %add3A_570 = arith.addf %add3A_542, %get3A_569 : vector<16xf32>
        %get3A_571 = arith.index_cast %add3A_565 : i32 to index
        %get3A_572 = arith.constant 16 : index
        %get3A_573 = tpu.vector_load %arg11[%get3A_571, %get3A_572] {strides = array<i32>} : memref<200x32xf32, #tpu.memory_space<vmem>>, vector<1x16xf32>,
        %get3A_574 = vector.shape_cast %get3A_573 : vector<1x16xf32> to vector<16xf32>
        %add3A_575 = arith.addf %add3A_547, %get3A_574 : vector<16xf32>
        %mul3A_576 = arith.constant 8 : i32
        %mul3A_577 = arith.muli %scan3A_516, %mul3A_576 : i32
        %add3A_578 = arith.constant 4 : i32
        %add3A_579 = arith.addi %mul3A_577, %add3A_578 : i32
        %get3A_580 = arith.index_cast %add3A_579 : i32 to index
        %get3A_581 = arith.constant 0 : index
        %get3A_582 = tpu.vector_load %arg11[%get3A_580, %get3A_581] {strides = array<i32>} : memref<200x32xf32, #tpu.memory_space<vmem>>, vector<1x16xf32>,
        %get3A_583 = vector.shape_cast %get3A_582 : vector<1x16xf32> to vector<16xf32>
        %add3A_584 = arith.addf %add3A_556, %get3A_583 : vector<16xf32>
        %get3A_585 = arith.index_cast %add3A_579 : i32 to index
        %get3A_586 = arith.constant 16 : index
        %get3A_587 = tpu.vector_load %arg11[%get3A_585, %get3A_586] {strides = array<i32>} : memref<200x32xf32, #tpu.memory_space<vmem>>, vector<1x16xf32>,
        %get3A_588 = vector.shape_cast %get3A_587 : vector<1x16xf32> to vector<16xf32>
        %add3A_589 = arith.addf %add3A_561, %get3A_588 : vector<16xf32>
        %mul3A_590 = arith.constant 8 : i32
        %mul3A_591 = arith.muli %scan3A_516, %mul3A_590 : i32
        %add3A_592 = arith.constant 5 : i32
        %add3A_593 = arith.addi %mul3A_591, %add3A_592 : i32
        %get3A_594 = arith.index_cast %add3A_593 : i32 to index
        %get3A_595 = arith.constant 0 : index
        %get3A_596 = tpu.vector_load %arg11[%get3A_594, %get3A_595] {strides = array<i32>} : memref<200x32xf32, #tpu.memory_space<vmem>>, vector<1x16xf32>,
        %get3A_597 = vector.shape_cast %get3A_596 : vector<1x16xf32> to vector<16xf32>
        %add3A_598 = arith.addf %add3A_570, %get3A_597 : vector<16xf32>
        %get3A_599 = arith.index_cast %add3A_593 : i32 to index
        %get3A_600 = arith.constant 16 : index
        %get3A_601 = tpu.vector_load %arg11[%get3A_599, %get3A_600] {strides = array<i32>} : memref<200x32xf32, #tpu.memory_space<vmem>>, vector<1x16xf32>,
        %get3A_602 = vector.shape_cast %get3A_601 : vector<1x16xf32> to vector<16xf32>
        %add3A_603 = arith.addf %add3A_575, %get3A_602 : vector<16xf32>
        %mul3A_604 = arith.constant 8 : i32
        %mul3A_605 = arith.muli %scan3A_516, %mul3A_604 : i32
        %add3A_606 = arith.constant 6 : i32
        %add3A_607 = arith.addi %mul3A_605, %add3A_606 : i32
        %get3A_608 = arith.index_cast %add3A_607 : i32 to index
        %get3A_609 = arith.constant 0 : index
        %get3A_610 = tpu.vector_load %arg11[%get3A_608, %get3A_609] {strides = array<i32>} : memref<200x32xf32, #tpu.memory_space<vmem>>, vector<1x16xf32>,
        %get3A_611 = vector.shape_cast %get3A_610 : vector<1x16xf32> to vector<16xf32>
        %add3A_612 = arith.addf %add3A_584, %get3A_611 : vector<16xf32>
        %get3A_613 = arith.index_cast %add3A_607 : i32 to index
        %get3A_614 = arith.constant 16 : index
        %get3A_615 = tpu.vector_load %arg11[%get3A_613, %get3A_614] {strides = array<i32>} : memref<200x32xf32, #tpu.memory_space<vmem>>, vector<1x16xf32>,
        %get3A_616 = vector.shape_cast %get3A_615 : vector<1x16xf32> to vector<16xf32>
        %add3A_617 = arith.addf %add3A_589, %get3A_616 : vector<16xf32>
        %mul3A_618 = arith.constant 8 : i32
        %mul3A_619 = arith.muli %scan3A_516, %mul3A_618 : i32
        %add3A_620 = arith.constant 7 : i32
        %add3A_621 = arith.addi %mul3A_619, %add3A_620 : i32
        %get3A_622 = arith.index_cast %add3A_621 : i32 to index
        %get3A_623 = arith.constant 0 : index
        %get3A_624 = tpu.vector_load %arg11[%get3A_622, %get3A_623] {strides = array<i32>} : memref<200x32xf32, #tpu.memory_space<vmem>>, vector<1x16xf32>,
        %get3A_625 = vector.shape_cast %get3A_624 : vector<1x16xf32> to vector<16xf32>
        %add3A_626 = arith.addf %add3A_598, %get3A_625 : vector<16xf32>
        %get3A_627 = arith.index_cast %add3A_621 : i32 to index
        %get3A_628 = arith.constant 16 : index
        %get3A_629 = tpu.vector_load %arg11[%get3A_627, %get3A_628] {strides = array<i32>} : memref<200x32xf32, #tpu.memory_space<vmem>>, vector<1x16xf32>,
        %get3A_630 = vector.shape_cast %get3A_629 : vector<1x16xf32> to vector<16xf32>
        %add3A_631 = arith.addf %add3A_603, %get3A_630 : vector<16xf32>
        scf.yield %add3A_612, %add3A_617, %add3A_626, %add3A_631 : vector<16xf32>, vector<16xf32>, vector<16xf32>, vector<16xf32>
      }
      %scan3A_400 = arith.constant 25 : i32
      %add3A_401 = arith.addf %scan3A_399#0, %scan3A_399#2 : vector<16xf32>
      %swap3A_402 = arith.index_cast %add3A_392 : i32 to index
      %swap3A_403 = arith.constant 0 : index
      %swap3A_404 = tpu.vector_load %arg14[%swap3A_402, %swap3A_403] {strides = array<i32>} : memref<128x32xf32, #tpu.memory_space<vmem>>, vector<1x16xf32>,
      %swap3A_405 = vector.shape_cast %swap3A_404 : vector<1x16xf32> to vector<16xf32>
      %swap3A_406 = vector.shape_cast %add3A_401 : vector<16xf32> to vector<1x16xf32>
      tpu.vector_store %arg14[%swap3A_402, %swap3A_403], %swap3A_406 {strides = array<i32>} : memref<128x32xf32, #tpu.memory_space<vmem>>, vector<1x16xf32>,
      %add3A_407 = arith.addf %scan3A_399#1, %scan3A_399#3 : vector<16xf32>
      %swap3A_408 = arith.index_cast %add3A_392 : i32 to index
      %swap3A_409 = arith.constant 16 : index
      %swap3A_410 = tpu.vector_load %arg14[%swap3A_408, %swap3A_409] {strides = array<i32>} : memref<128x32xf32, #tpu.memory_space<vmem>>, vector<1x16xf32>,
      %swap3A_411 = vector.shape_cast %swap3A_410 : vector<1x16xf32> to vector<16xf32>
      %swap3A_412 = vector.shape_cast %add3A_407 : vector<16xf32> to vector<1x16xf32>
      tpu.vector_store %arg14[%swap3A_408, %swap3A_409], %swap3A_412 {strides = array<i32>} : memref<128x32xf32, #tpu.memory_space<vmem>>, vector<1x16xf32>,
      %add3A_413 = arith.constant 5 : i32
      %add3A_414 = arith.addi %mul3A_145, %add3A_413 : i32
      %add3A_415 = arith.constant 8 : i32
      %add3A_416 = arith.addi %add3A_414, %add3A_415 : i32
      %lt3A_417 = arith.constant 128 : i32
      %lt3A_418 = arith.cmpi slt, %add3A_416, %lt3A_417 : i32
      %convert_element_type3A_419 = arith.extui %lt3A_418 : i1 to i32
      %cond3A_420 = arith.constant 0 : i32
      %cond3A_421 = arith.cmpi ne, %convert_element_type3A_419, %cond3A_420 : i32
      scf.if %cond3A_421 {
        %add3A_516 = arith.constant 5 : i32
        %add3A_517 = arith.addi %mul3A_145, %add3A_516 : i32
        %add3A_518 = arith.constant 8 : i32
        %add3A_519 = arith.addi %add3A_517, %add3A_518 : i32
        %mul3A_520 = arith.constant 200 : i32
        %mul3A_521 = arith.muli %add3A_519, %mul3A_520 : i32
        %dma_start3A_522 = arith.constant 0 : i32
        %dma_start3A_523 = arith.constant 0 : i32
        %dma_start3A_524 = tpu.memref_slice %arg11[%dma_start3A_522, %dma_start3A_523] : memref<200x32xf32, #tpu.memory_space<vmem>> -> memref<104x32xf32, #tpu.memory_space<vmem>>
        %dma_start3A_525 = tpu.memref_slice %arg5[%mul3A_521] : memref<25600xi32, #tpu.memory_space<vmem>> -> memref<104xi32, #tpu.memory_space<vmem>>
        %dma_start3A_526 = arith.constant 0 : i32
        %dma_start3A_527 = arith.constant 0 : i32
        %dma_start3A_528 = tpu.memref_slice %arg3[%dma_start3A_526, %dma_start3A_527] : memref<1048576x32xf32, #tpu.memory_space<hbm>> -> memref<1048576x32xf32, #tpu.memory_space<hbm>>
        tpu.enqueue_indirect_dma source(%dma_start3A_528 : memref<1048576x32xf32, #tpu.memory_space<hbm>>) target(%dma_start3A_524 : memref<104x32xf32, #tpu.memory_space<vmem>>) offsets(%dma_start3A_525 : memref<104xi32, #tpu.memory_space<vmem>>) semaphore(%arg20 : memref<!tpu.dma_semaphore, #tpu.memory_space<semaphore_mem>>)
        %add3A_529 = arith.constant 104 : i32
        %add3A_530 = arith.addi %mul3A_521, %add3A_529 : i32
        %dma_start3A_531 = arith.constant 104 : i32
        %dma_start3A_532 = arith.constant 0 : i32
        %dma_start3A_533 = tpu.memref_slice %arg11[%dma_start3A_531, %dma_start3A_532] : memref<200x32xf32, #tpu.memory_space<vmem>> -> memref<96x32xf32, #tpu.memory_space<vmem>>
        %dma_start3A_534 = tpu.memref_slice %arg5[%add3A_530] : memref<25600xi32, #tpu.memory_space<vmem>> -> memref<96xi32, #tpu.memory_space<vmem>>
        %dma_start3A_535 = arith.constant 0 : i32
        %dma_start3A_536 = arith.constant 0 : i32
        %dma_start3A_537 = tpu.memref_slice %arg3[%dma_start3A_535, %dma_start3A_536] : memref<1048576x32xf32, #tpu.memory_space<hbm>> -> memref<1048576x32xf32, #tpu.memory_space<hbm>>
        tpu.enqueue_indirect_dma source(%dma_start3A_537 : memref<1048576x32xf32, #tpu.memory_space<hbm>>) target(%dma_start3A_533 : memref<96x32xf32, #tpu.memory_space<vmem>>) offsets(%dma_start3A_534 : memref<96xi32, #tpu.memory_space<vmem>>) semaphore(%arg20 : memref<!tpu.dma_semaphore, #tpu.memory_space<semaphore_mem>>)
      } else {
      }
      %dma_wait3A_422 = arith.constant 0 : i32
      %dma_wait3A_423 = arith.constant 0 : i32
      %dma_wait3A_424 = tpu.memref_slice %arg12[%dma_wait3A_422, %dma_wait3A_423] : memref<200x32xf32, #tpu.memory_space<vmem>> -> memref<104x32xf32, #tpu.memory_space<vmem>>
      %dma_wait3A_425 = arith.constant 0 : i32
      %dma_wait3A_426 = tpu.memref_slice %arg5[%dma_wait3A_425] : memref<25600xi32, #tpu.memory_space<vmem>> -> memref<104xi32, #tpu.memory_space<vmem>>
      %dma_wait3A_427 = arith.constant 0 : i32
      %dma_wait3A_428 = arith.constant 0 : i32
      %dma_wait3A_429 = tpu.memref_slice %arg3[%dma_wait3A_427, %dma_wait3A_428] : memref<1048576x32xf32, #tpu.memory_space<hbm>> -> memref<1048576x32xf32, #tpu.memory_space<hbm>>
      tpu.wait_indirect_dma semaphore(%arg21 : memref<!tpu.dma_semaphore, #tpu.memory_space<semaphore_mem>>) src(%dma_wait3A_429 : memref<1048576x32xf32, #tpu.memory_space<hbm>>) dst(%dma_wait3A_424 : memref<104x32xf32, #tpu.memory_space<vmem>>)
      %dma_wait3A_430 = arith.constant 104 : i32
      %dma_wait3A_431 = arith.constant 0 : i32
      %dma_wait3A_432 = tpu.memref_slice %arg12[%dma_wait3A_430, %dma_wait3A_431] : memref<200x32xf32, #tpu.memory_space<vmem>> -> memref<96x32xf32, #tpu.memory_space<vmem>>
      %dma_wait3A_433 = arith.constant 0 : i32
      %dma_wait3A_434 = tpu.memref_slice %arg5[%dma_wait3A_433] : memref<25600xi32, #tpu.memory_space<vmem>> -> memref<96xi32, #tpu.memory_space<vmem>>
      %dma_wait3A_435 = arith.constant 0 : i32
      %dma_wait3A_436 = arith.constant 0 : i32
      %dma_wait3A_437 = tpu.memref_slice %arg3[%dma_wait3A_435, %dma_wait3A_436] : memref<1048576x32xf32, #tpu.memory_space<hbm>> -> memref<1048576x32xf32, #tpu.memory_space<hbm>>
      tpu.wait_indirect_dma semaphore(%arg21 : memref<!tpu.dma_semaphore, #tpu.memory_space<semaphore_mem>>) src(%dma_wait3A_437 : memref<1048576x32xf32, #tpu.memory_space<hbm>>) dst(%dma_wait3A_432 : memref<96x32xf32, #tpu.memory_space<vmem>>)
      %add3A_438 = arith.constant 6 : i32
      %add3A_439 = arith.addi %mul3A_145, %add3A_438 : i32
      %broadcast_in_dim3A_440 = arith.constant 0.000000e+00 : f32
      %broadcast_in_dim3A_441 = vector.broadcast %broadcast_in_dim3A_440 : f32 to vector<16xf32>
      %scan3A_442 = arith.constant 0 : i32
      %scan3A_443 = arith.constant 25 : i32
      %scan3A_444 = arith.addi %scan3A_442, %scan3A_443 : i32
      %scan3A_445 = arith.constant 1 : i32
      %scan3A_446:4 = scf.for %scan3A_516 = %scan3A_442 to %scan3A_444 step %scan3A_445 iter_args(%scan3A_517 = %broadcast_in_dim3A_441, %scan3A_518 = %broadcast_in_dim3A_441, %scan3A_519 = %broadcast_in_dim3A_441, %scan3A_520 = %broadcast_in_dim3A_441) -> (vector<16xf32>, vector<16xf32>, vector<16xf32>, vector<16xf32>)  : i32 {
        %mul3A_521 = arith.constant 8 : i32
        %mul3A_522 = arith.muli %scan3A_516, %mul3A_521 : i32
        %add3A_523 = arith.constant 0 : i32
        %add3A_524 = arith.addi %mul3A_522, %add3A_523 : i32
        %get3A = arith.index_cast %add3A_524 : i32 to index
        %get3A_525 = arith.constant 0 : index
        %get3A_526 = tpu.vector_load %arg12[%get3A, %get3A_525] {strides = array<i32>} : memref<200x32xf32, #tpu.memory_space<vmem>>, vector<1x16xf32>,
        %get3A_527 = vector.shape_cast %get3A_526 : vector<1x16xf32> to vector<16xf32>
        %add3A_528 = arith.addf %scan3A_517, %get3A_527 : vector<16xf32>
        %get3A_529 = arith.index_cast %add3A_524 : i32 to index
        %get3A_530 = arith.constant 16 : index
        %get3A_531 = tpu.vector_load %arg12[%get3A_529, %get3A_530] {strides = array<i32>} : memref<200x32xf32, #tpu.memory_space<vmem>>, vector<1x16xf32>,
        %get3A_532 = vector.shape_cast %get3A_531 : vector<1x16xf32> to vector<16xf32>
        %add3A_533 = arith.addf %scan3A_518, %get3A_532 : vector<16xf32>
        %mul3A_534 = arith.constant 8 : i32
        %mul3A_535 = arith.muli %scan3A_516, %mul3A_534 : i32
        %add3A_536 = arith.constant 1 : i32
        %add3A_537 = arith.addi %mul3A_535, %add3A_536 : i32
        %get3A_538 = arith.index_cast %add3A_537 : i32 to index
        %get3A_539 = arith.constant 0 : index
        %get3A_540 = tpu.vector_load %arg12[%get3A_538, %get3A_539] {strides = array<i32>} : memref<200x32xf32, #tpu.memory_space<vmem>>, vector<1x16xf32>,
        %get3A_541 = vector.shape_cast %get3A_540 : vector<1x16xf32> to vector<16xf32>
        %add3A_542 = arith.addf %scan3A_519, %get3A_541 : vector<16xf32>
        %get3A_543 = arith.index_cast %add3A_537 : i32 to index
        %get3A_544 = arith.constant 16 : index
        %get3A_545 = tpu.vector_load %arg12[%get3A_543, %get3A_544] {strides = array<i32>} : memref<200x32xf32, #tpu.memory_space<vmem>>, vector<1x16xf32>,
        %get3A_546 = vector.shape_cast %get3A_545 : vector<1x16xf32> to vector<16xf32>
        %add3A_547 = arith.addf %scan3A_520, %get3A_546 : vector<16xf32>
        %mul3A_548 = arith.constant 8 : i32
        %mul3A_549 = arith.muli %scan3A_516, %mul3A_548 : i32
        %add3A_550 = arith.constant 2 : i32
        %add3A_551 = arith.addi %mul3A_549, %add3A_550 : i32
        %get3A_552 = arith.index_cast %add3A_551 : i32 to index
        %get3A_553 = arith.constant 0 : index
        %get3A_554 = tpu.vector_load %arg12[%get3A_552, %get3A_553] {strides = array<i32>} : memref<200x32xf32, #tpu.memory_space<vmem>>, vector<1x16xf32>,
        %get3A_555 = vector.shape_cast %get3A_554 : vector<1x16xf32> to vector<16xf32>
        %add3A_556 = arith.addf %add3A_528, %get3A_555 : vector<16xf32>
        %get3A_557 = arith.index_cast %add3A_551 : i32 to index
        %get3A_558 = arith.constant 16 : index
        %get3A_559 = tpu.vector_load %arg12[%get3A_557, %get3A_558] {strides = array<i32>} : memref<200x32xf32, #tpu.memory_space<vmem>>, vector<1x16xf32>,
        %get3A_560 = vector.shape_cast %get3A_559 : vector<1x16xf32> to vector<16xf32>
        %add3A_561 = arith.addf %add3A_533, %get3A_560 : vector<16xf32>
        %mul3A_562 = arith.constant 8 : i32
        %mul3A_563 = arith.muli %scan3A_516, %mul3A_562 : i32
        %add3A_564 = arith.constant 3 : i32
        %add3A_565 = arith.addi %mul3A_563, %add3A_564 : i32
        %get3A_566 = arith.index_cast %add3A_565 : i32 to index
        %get3A_567 = arith.constant 0 : index
        %get3A_568 = tpu.vector_load %arg12[%get3A_566, %get3A_567] {strides = array<i32>} : memref<200x32xf32, #tpu.memory_space<vmem>>, vector<1x16xf32>,
        %get3A_569 = vector.shape_cast %get3A_568 : vector<1x16xf32> to vector<16xf32>
        %add3A_570 = arith.addf %add3A_542, %get3A_569 : vector<16xf32>
        %get3A_571 = arith.index_cast %add3A_565 : i32 to index
        %get3A_572 = arith.constant 16 : index
        %get3A_573 = tpu.vector_load %arg12[%get3A_571, %get3A_572] {strides = array<i32>} : memref<200x32xf32, #tpu.memory_space<vmem>>, vector<1x16xf32>,
        %get3A_574 = vector.shape_cast %get3A_573 : vector<1x16xf32> to vector<16xf32>
        %add3A_575 = arith.addf %add3A_547, %get3A_574 : vector<16xf32>
        %mul3A_576 = arith.constant 8 : i32
        %mul3A_577 = arith.muli %scan3A_516, %mul3A_576 : i32
        %add3A_578 = arith.constant 4 : i32
        %add3A_579 = arith.addi %mul3A_577, %add3A_578 : i32
        %get3A_580 = arith.index_cast %add3A_579 : i32 to index
        %get3A_581 = arith.constant 0 : index
        %get3A_582 = tpu.vector_load %arg12[%get3A_580, %get3A_581] {strides = array<i32>} : memref<200x32xf32, #tpu.memory_space<vmem>>, vector<1x16xf32>,
        %get3A_583 = vector.shape_cast %get3A_582 : vector<1x16xf32> to vector<16xf32>
        %add3A_584 = arith.addf %add3A_556, %get3A_583 : vector<16xf32>
        %get3A_585 = arith.index_cast %add3A_579 : i32 to index
        %get3A_586 = arith.constant 16 : index
        %get3A_587 = tpu.vector_load %arg12[%get3A_585, %get3A_586] {strides = array<i32>} : memref<200x32xf32, #tpu.memory_space<vmem>>, vector<1x16xf32>,
        %get3A_588 = vector.shape_cast %get3A_587 : vector<1x16xf32> to vector<16xf32>
        %add3A_589 = arith.addf %add3A_561, %get3A_588 : vector<16xf32>
        %mul3A_590 = arith.constant 8 : i32
        %mul3A_591 = arith.muli %scan3A_516, %mul3A_590 : i32
        %add3A_592 = arith.constant 5 : i32
        %add3A_593 = arith.addi %mul3A_591, %add3A_592 : i32
        %get3A_594 = arith.index_cast %add3A_593 : i32 to index
        %get3A_595 = arith.constant 0 : index
        %get3A_596 = tpu.vector_load %arg12[%get3A_594, %get3A_595] {strides = array<i32>} : memref<200x32xf32, #tpu.memory_space<vmem>>, vector<1x16xf32>,
        %get3A_597 = vector.shape_cast %get3A_596 : vector<1x16xf32> to vector<16xf32>
        %add3A_598 = arith.addf %add3A_570, %get3A_597 : vector<16xf32>
        %get3A_599 = arith.index_cast %add3A_593 : i32 to index
        %get3A_600 = arith.constant 16 : index
        %get3A_601 = tpu.vector_load %arg12[%get3A_599, %get3A_600] {strides = array<i32>} : memref<200x32xf32, #tpu.memory_space<vmem>>, vector<1x16xf32>,
        %get3A_602 = vector.shape_cast %get3A_601 : vector<1x16xf32> to vector<16xf32>
        %add3A_603 = arith.addf %add3A_575, %get3A_602 : vector<16xf32>
        %mul3A_604 = arith.constant 8 : i32
        %mul3A_605 = arith.muli %scan3A_516, %mul3A_604 : i32
        %add3A_606 = arith.constant 6 : i32
        %add3A_607 = arith.addi %mul3A_605, %add3A_606 : i32
        %get3A_608 = arith.index_cast %add3A_607 : i32 to index
        %get3A_609 = arith.constant 0 : index
        %get3A_610 = tpu.vector_load %arg12[%get3A_608, %get3A_609] {strides = array<i32>} : memref<200x32xf32, #tpu.memory_space<vmem>>, vector<1x16xf32>,
        %get3A_611 = vector.shape_cast %get3A_610 : vector<1x16xf32> to vector<16xf32>
        %add3A_612 = arith.addf %add3A_584, %get3A_611 : vector<16xf32>
        %get3A_613 = arith.index_cast %add3A_607 : i32 to index
        %get3A_614 = arith.constant 16 : index
        %get3A_615 = tpu.vector_load %arg12[%get3A_613, %get3A_614] {strides = array<i32>} : memref<200x32xf32, #tpu.memory_space<vmem>>, vector<1x16xf32>,
        %get3A_616 = vector.shape_cast %get3A_615 : vector<1x16xf32> to vector<16xf32>
        %add3A_617 = arith.addf %add3A_589, %get3A_616 : vector<16xf32>
        %mul3A_618 = arith.constant 8 : i32
        %mul3A_619 = arith.muli %scan3A_516, %mul3A_618 : i32
        %add3A_620 = arith.constant 7 : i32
        %add3A_621 = arith.addi %mul3A_619, %add3A_620 : i32
        %get3A_622 = arith.index_cast %add3A_621 : i32 to index
        %get3A_623 = arith.constant 0 : index
        %get3A_624 = tpu.vector_load %arg12[%get3A_622, %get3A_623] {strides = array<i32>} : memref<200x32xf32, #tpu.memory_space<vmem>>, vector<1x16xf32>,
        %get3A_625 = vector.shape_cast %get3A_624 : vector<1x16xf32> to vector<16xf32>
        %add3A_626 = arith.addf %add3A_598, %get3A_625 : vector<16xf32>
        %get3A_627 = arith.index_cast %add3A_621 : i32 to index
        %get3A_628 = arith.constant 16 : index
        %get3A_629 = tpu.vector_load %arg12[%get3A_627, %get3A_628] {strides = array<i32>} : memref<200x32xf32, #tpu.memory_space<vmem>>, vector<1x16xf32>,
        %get3A_630 = vector.shape_cast %get3A_629 : vector<1x16xf32> to vector<16xf32>
        %add3A_631 = arith.addf %add3A_603, %get3A_630 : vector<16xf32>
        scf.yield %add3A_612, %add3A_617, %add3A_626, %add3A_631 : vector<16xf32>, vector<16xf32>, vector<16xf32>, vector<16xf32>
      }
      %scan3A_447 = arith.constant 25 : i32
      %add3A_448 = arith.addf %scan3A_446#0, %scan3A_446#2 : vector<16xf32>
      %swap3A_449 = arith.index_cast %add3A_439 : i32 to index
      %swap3A_450 = arith.constant 0 : index
      %swap3A_451 = tpu.vector_load %arg14[%swap3A_449, %swap3A_450] {strides = array<i32>} : memref<128x32xf32, #tpu.memory_space<vmem>>, vector<1x16xf32>,
      %swap3A_452 = vector.shape_cast %swap3A_451 : vector<1x16xf32> to vector<16xf32>
      %swap3A_453 = vector.shape_cast %add3A_448 : vector<16xf32> to vector<1x16xf32>
      tpu.vector_store %arg14[%swap3A_449, %swap3A_450], %swap3A_453 {strides = array<i32>} : memref<128x32xf32, #tpu.memory_space<vmem>>, vector<1x16xf32>,
      %add3A_454 = arith.addf %scan3A_446#1, %scan3A_446#3 : vector<16xf32>
      %swap3A_455 = arith.index_cast %add3A_439 : i32 to index
      %swap3A_456 = arith.constant 16 : index
      %swap3A_457 = tpu.vector_load %arg14[%swap3A_455, %swap3A_456] {strides = array<i32>} : memref<128x32xf32, #tpu.memory_space<vmem>>, vector<1x16xf32>,
      %swap3A_458 = vector.shape_cast %swap3A_457 : vector<1x16xf32> to vector<16xf32>
      %swap3A_459 = vector.shape_cast %add3A_454 : vector<16xf32> to vector<1x16xf32>
      tpu.vector_store %arg14[%swap3A_455, %swap3A_456], %swap3A_459 {strides = array<i32>} : memref<128x32xf32, #tpu.memory_space<vmem>>, vector<1x16xf32>,
      %add3A_460 = arith.constant 6 : i32
      %add3A_461 = arith.addi %mul3A_145, %add3A_460 : i32
      %add3A_462 = arith.constant 8 : i32
      %add3A_463 = arith.addi %add3A_461, %add3A_462 : i32
      %lt3A_464 = arith.constant 128 : i32
      %lt3A_465 = arith.cmpi slt, %add3A_463, %lt3A_464 : i32
      %convert_element_type3A_466 = arith.extui %lt3A_465 : i1 to i32
      %cond3A_467 = arith.constant 0 : i32
      %cond3A_468 = arith.cmpi ne, %convert_element_type3A_466, %cond3A_467 : i32
      scf.if %cond3A_468 {
        %add3A_516 = arith.constant 6 : i32
        %add3A_517 = arith.addi %mul3A_145, %add3A_516 : i32
        %add3A_518 = arith.constant 8 : i32
        %add3A_519 = arith.addi %add3A_517, %add3A_518 : i32
        %mul3A_520 = arith.constant 200 : i32
        %mul3A_521 = arith.muli %add3A_519, %mul3A_520 : i32
        %dma_start3A_522 = arith.constant 0 : i32
        %dma_start3A_523 = arith.constant 0 : i32
        %dma_start3A_524 = tpu.memref_slice %arg12[%dma_start3A_522, %dma_start3A_523] : memref<200x32xf32, #tpu.memory_space<vmem>> -> memref<104x32xf32, #tpu.memory_space<vmem>>
        %dma_start3A_525 = tpu.memref_slice %arg5[%mul3A_521] : memref<25600xi32, #tpu.memory_space<vmem>> -> memref<104xi32, #tpu.memory_space<vmem>>
        %dma_start3A_526 = arith.constant 0 : i32
        %dma_start3A_527 = arith.constant 0 : i32
        %dma_start3A_528 = tpu.memref_slice %arg3[%dma_start3A_526, %dma_start3A_527] : memref<1048576x32xf32, #tpu.memory_space<hbm>> -> memref<1048576x32xf32, #tpu.memory_space<hbm>>
        tpu.enqueue_indirect_dma source(%dma_start3A_528 : memref<1048576x32xf32, #tpu.memory_space<hbm>>) target(%dma_start3A_524 : memref<104x32xf32, #tpu.memory_space<vmem>>) offsets(%dma_start3A_525 : memref<104xi32, #tpu.memory_space<vmem>>) semaphore(%arg21 : memref<!tpu.dma_semaphore, #tpu.memory_space<semaphore_mem>>)
        %add3A_529 = arith.constant 104 : i32
        %add3A_530 = arith.addi %mul3A_521, %add3A_529 : i32
        %dma_start3A_531 = arith.constant 104 : i32
        %dma_start3A_532 = arith.constant 0 : i32
        %dma_start3A_533 = tpu.memref_slice %arg12[%dma_start3A_531, %dma_start3A_532] : memref<200x32xf32, #tpu.memory_space<vmem>> -> memref<96x32xf32, #tpu.memory_space<vmem>>
        %dma_start3A_534 = tpu.memref_slice %arg5[%add3A_530] : memref<25600xi32, #tpu.memory_space<vmem>> -> memref<96xi32, #tpu.memory_space<vmem>>
        %dma_start3A_535 = arith.constant 0 : i32
        %dma_start3A_536 = arith.constant 0 : i32
        %dma_start3A_537 = tpu.memref_slice %arg3[%dma_start3A_535, %dma_start3A_536] : memref<1048576x32xf32, #tpu.memory_space<hbm>> -> memref<1048576x32xf32, #tpu.memory_space<hbm>>
        tpu.enqueue_indirect_dma source(%dma_start3A_537 : memref<1048576x32xf32, #tpu.memory_space<hbm>>) target(%dma_start3A_533 : memref<96x32xf32, #tpu.memory_space<vmem>>) offsets(%dma_start3A_534 : memref<96xi32, #tpu.memory_space<vmem>>) semaphore(%arg21 : memref<!tpu.dma_semaphore, #tpu.memory_space<semaphore_mem>>)
      } else {
      }
      %dma_wait3A_469 = arith.constant 0 : i32
      %dma_wait3A_470 = arith.constant 0 : i32
      %dma_wait3A_471 = tpu.memref_slice %arg13[%dma_wait3A_469, %dma_wait3A_470] : memref<200x32xf32, #tpu.memory_space<vmem>> -> memref<104x32xf32, #tpu.memory_space<vmem>>
      %dma_wait3A_472 = arith.constant 0 : i32
      %dma_wait3A_473 = tpu.memref_slice %arg5[%dma_wait3A_472] : memref<25600xi32, #tpu.memory_space<vmem>> -> memref<104xi32, #tpu.memory_space<vmem>>
      %dma_wait3A_474 = arith.constant 0 : i32
      %dma_wait3A_475 = arith.constant 0 : i32
      %dma_wait3A_476 = tpu.memref_slice %arg3[%dma_wait3A_474, %dma_wait3A_475] : memref<1048576x32xf32, #tpu.memory_space<hbm>> -> memref<1048576x32xf32, #tpu.memory_space<hbm>>
      tpu.wait_indirect_dma semaphore(%arg22 : memref<!tpu.dma_semaphore, #tpu.memory_space<semaphore_mem>>) src(%dma_wait3A_476 : memref<1048576x32xf32, #tpu.memory_space<hbm>>) dst(%dma_wait3A_471 : memref<104x32xf32, #tpu.memory_space<vmem>>)
      %dma_wait3A_477 = arith.constant 104 : i32
      %dma_wait3A_478 = arith.constant 0 : i32
      %dma_wait3A_479 = tpu.memref_slice %arg13[%dma_wait3A_477, %dma_wait3A_478] : memref<200x32xf32, #tpu.memory_space<vmem>> -> memref<96x32xf32, #tpu.memory_space<vmem>>
      %dma_wait3A_480 = arith.constant 0 : i32
      %dma_wait3A_481 = tpu.memref_slice %arg5[%dma_wait3A_480] : memref<25600xi32, #tpu.memory_space<vmem>> -> memref<96xi32, #tpu.memory_space<vmem>>
      %dma_wait3A_482 = arith.constant 0 : i32
      %dma_wait3A_483 = arith.constant 0 : i32
      %dma_wait3A_484 = tpu.memref_slice %arg3[%dma_wait3A_482, %dma_wait3A_483] : memref<1048576x32xf32, #tpu.memory_space<hbm>> -> memref<1048576x32xf32, #tpu.memory_space<hbm>>
      tpu.wait_indirect_dma semaphore(%arg22 : memref<!tpu.dma_semaphore, #tpu.memory_space<semaphore_mem>>) src(%dma_wait3A_484 : memref<1048576x32xf32, #tpu.memory_space<hbm>>) dst(%dma_wait3A_479 : memref<96x32xf32, #tpu.memory_space<vmem>>)
      %add3A_485 = arith.constant 7 : i32
      %add3A_486 = arith.addi %mul3A_145, %add3A_485 : i32
      %broadcast_in_dim3A_487 = arith.constant 0.000000e+00 : f32
      %broadcast_in_dim3A_488 = vector.broadcast %broadcast_in_dim3A_487 : f32 to vector<16xf32>
      %scan3A_489 = arith.constant 0 : i32
      %scan3A_490 = arith.constant 25 : i32
      %scan3A_491 = arith.addi %scan3A_489, %scan3A_490 : i32
      %scan3A_492 = arith.constant 1 : i32
      %scan3A_493:4 = scf.for %scan3A_516 = %scan3A_489 to %scan3A_491 step %scan3A_492 iter_args(%scan3A_517 = %broadcast_in_dim3A_488, %scan3A_518 = %broadcast_in_dim3A_488, %scan3A_519 = %broadcast_in_dim3A_488, %scan3A_520 = %broadcast_in_dim3A_488) -> (vector<16xf32>, vector<16xf32>, vector<16xf32>, vector<16xf32>)  : i32 {
        %mul3A_521 = arith.constant 8 : i32
        %mul3A_522 = arith.muli %scan3A_516, %mul3A_521 : i32
        %add3A_523 = arith.constant 0 : i32
        %add3A_524 = arith.addi %mul3A_522, %add3A_523 : i32
        %get3A = arith.index_cast %add3A_524 : i32 to index
        %get3A_525 = arith.constant 0 : index
        %get3A_526 = tpu.vector_load %arg13[%get3A, %get3A_525] {strides = array<i32>} : memref<200x32xf32, #tpu.memory_space<vmem>>, vector<1x16xf32>,
        %get3A_527 = vector.shape_cast %get3A_526 : vector<1x16xf32> to vector<16xf32>
        %add3A_528 = arith.addf %scan3A_517, %get3A_527 : vector<16xf32>
        %get3A_529 = arith.index_cast %add3A_524 : i32 to index
        %get3A_530 = arith.constant 16 : index
        %get3A_531 = tpu.vector_load %arg13[%get3A_529, %get3A_530] {strides = array<i32>} : memref<200x32xf32, #tpu.memory_space<vmem>>, vector<1x16xf32>,
        %get3A_532 = vector.shape_cast %get3A_531 : vector<1x16xf32> to vector<16xf32>
        %add3A_533 = arith.addf %scan3A_518, %get3A_532 : vector<16xf32>
        %mul3A_534 = arith.constant 8 : i32
        %mul3A_535 = arith.muli %scan3A_516, %mul3A_534 : i32
        %add3A_536 = arith.constant 1 : i32
        %add3A_537 = arith.addi %mul3A_535, %add3A_536 : i32
        %get3A_538 = arith.index_cast %add3A_537 : i32 to index
        %get3A_539 = arith.constant 0 : index
        %get3A_540 = tpu.vector_load %arg13[%get3A_538, %get3A_539] {strides = array<i32>} : memref<200x32xf32, #tpu.memory_space<vmem>>, vector<1x16xf32>,
        %get3A_541 = vector.shape_cast %get3A_540 : vector<1x16xf32> to vector<16xf32>
        %add3A_542 = arith.addf %scan3A_519, %get3A_541 : vector<16xf32>
        %get3A_543 = arith.index_cast %add3A_537 : i32 to index
        %get3A_544 = arith.constant 16 : index
        %get3A_545 = tpu.vector_load %arg13[%get3A_543, %get3A_544] {strides = array<i32>} : memref<200x32xf32, #tpu.memory_space<vmem>>, vector<1x16xf32>,
        %get3A_546 = vector.shape_cast %get3A_545 : vector<1x16xf32> to vector<16xf32>
        %add3A_547 = arith.addf %scan3A_520, %get3A_546 : vector<16xf32>
        %mul3A_548 = arith.constant 8 : i32
        %mul3A_549 = arith.muli %scan3A_516, %mul3A_548 : i32
        %add3A_550 = arith.constant 2 : i32
        %add3A_551 = arith.addi %mul3A_549, %add3A_550 : i32
        %get3A_552 = arith.index_cast %add3A_551 : i32 to index
        %get3A_553 = arith.constant 0 : index
        %get3A_554 = tpu.vector_load %arg13[%get3A_552, %get3A_553] {strides = array<i32>} : memref<200x32xf32, #tpu.memory_space<vmem>>, vector<1x16xf32>,
        %get3A_555 = vector.shape_cast %get3A_554 : vector<1x16xf32> to vector<16xf32>
        %add3A_556 = arith.addf %add3A_528, %get3A_555 : vector<16xf32>
        %get3A_557 = arith.index_cast %add3A_551 : i32 to index
        %get3A_558 = arith.constant 16 : index
        %get3A_559 = tpu.vector_load %arg13[%get3A_557, %get3A_558] {strides = array<i32>} : memref<200x32xf32, #tpu.memory_space<vmem>>, vector<1x16xf32>,
        %get3A_560 = vector.shape_cast %get3A_559 : vector<1x16xf32> to vector<16xf32>
        %add3A_561 = arith.addf %add3A_533, %get3A_560 : vector<16xf32>
        %mul3A_562 = arith.constant 8 : i32
        %mul3A_563 = arith.muli %scan3A_516, %mul3A_562 : i32
        %add3A_564 = arith.constant 3 : i32
        %add3A_565 = arith.addi %mul3A_563, %add3A_564 : i32
        %get3A_566 = arith.index_cast %add3A_565 : i32 to index
        %get3A_567 = arith.constant 0 : index
        %get3A_568 = tpu.vector_load %arg13[%get3A_566, %get3A_567] {strides = array<i32>} : memref<200x32xf32, #tpu.memory_space<vmem>>, vector<1x16xf32>,
        %get3A_569 = vector.shape_cast %get3A_568 : vector<1x16xf32> to vector<16xf32>
        %add3A_570 = arith.addf %add3A_542, %get3A_569 : vector<16xf32>
        %get3A_571 = arith.index_cast %add3A_565 : i32 to index
        %get3A_572 = arith.constant 16 : index
        %get3A_573 = tpu.vector_load %arg13[%get3A_571, %get3A_572] {strides = array<i32>} : memref<200x32xf32, #tpu.memory_space<vmem>>, vector<1x16xf32>,
        %get3A_574 = vector.shape_cast %get3A_573 : vector<1x16xf32> to vector<16xf32>
        %add3A_575 = arith.addf %add3A_547, %get3A_574 : vector<16xf32>
        %mul3A_576 = arith.constant 8 : i32
        %mul3A_577 = arith.muli %scan3A_516, %mul3A_576 : i32
        %add3A_578 = arith.constant 4 : i32
        %add3A_579 = arith.addi %mul3A_577, %add3A_578 : i32
        %get3A_580 = arith.index_cast %add3A_579 : i32 to index
        %get3A_581 = arith.constant 0 : index
        %get3A_582 = tpu.vector_load %arg13[%get3A_580, %get3A_581] {strides = array<i32>} : memref<200x32xf32, #tpu.memory_space<vmem>>, vector<1x16xf32>,
        %get3A_583 = vector.shape_cast %get3A_582 : vector<1x16xf32> to vector<16xf32>
        %add3A_584 = arith.addf %add3A_556, %get3A_583 : vector<16xf32>
        %get3A_585 = arith.index_cast %add3A_579 : i32 to index
        %get3A_586 = arith.constant 16 : index
        %get3A_587 = tpu.vector_load %arg13[%get3A_585, %get3A_586] {strides = array<i32>} : memref<200x32xf32, #tpu.memory_space<vmem>>, vector<1x16xf32>,
        %get3A_588 = vector.shape_cast %get3A_587 : vector<1x16xf32> to vector<16xf32>
        %add3A_589 = arith.addf %add3A_561, %get3A_588 : vector<16xf32>
        %mul3A_590 = arith.constant 8 : i32
        %mul3A_591 = arith.muli %scan3A_516, %mul3A_590 : i32
        %add3A_592 = arith.constant 5 : i32
        %add3A_593 = arith.addi %mul3A_591, %add3A_592 : i32
        %get3A_594 = arith.index_cast %add3A_593 : i32 to index
        %get3A_595 = arith.constant 0 : index
        %get3A_596 = tpu.vector_load %arg13[%get3A_594, %get3A_595] {strides = array<i32>} : memref<200x32xf32, #tpu.memory_space<vmem>>, vector<1x16xf32>,
        %get3A_597 = vector.shape_cast %get3A_596 : vector<1x16xf32> to vector<16xf32>
        %add3A_598 = arith.addf %add3A_570, %get3A_597 : vector<16xf32>
        %get3A_599 = arith.index_cast %add3A_593 : i32 to index
        %get3A_600 = arith.constant 16 : index
        %get3A_601 = tpu.vector_load %arg13[%get3A_599, %get3A_600] {strides = array<i32>} : memref<200x32xf32, #tpu.memory_space<vmem>>, vector<1x16xf32>,
        %get3A_602 = vector.shape_cast %get3A_601 : vector<1x16xf32> to vector<16xf32>
        %add3A_603 = arith.addf %add3A_575, %get3A_602 : vector<16xf32>
        %mul3A_604 = arith.constant 8 : i32
        %mul3A_605 = arith.muli %scan3A_516, %mul3A_604 : i32
        %add3A_606 = arith.constant 6 : i32
        %add3A_607 = arith.addi %mul3A_605, %add3A_606 : i32
        %get3A_608 = arith.index_cast %add3A_607 : i32 to index
        %get3A_609 = arith.constant 0 : index
        %get3A_610 = tpu.vector_load %arg13[%get3A_608, %get3A_609] {strides = array<i32>} : memref<200x32xf32, #tpu.memory_space<vmem>>, vector<1x16xf32>,
        %get3A_611 = vector.shape_cast %get3A_610 : vector<1x16xf32> to vector<16xf32>
        %add3A_612 = arith.addf %add3A_584, %get3A_611 : vector<16xf32>
        %get3A_613 = arith.index_cast %add3A_607 : i32 to index
        %get3A_614 = arith.constant 16 : index
        %get3A_615 = tpu.vector_load %arg13[%get3A_613, %get3A_614] {strides = array<i32>} : memref<200x32xf32, #tpu.memory_space<vmem>>, vector<1x16xf32>,
        %get3A_616 = vector.shape_cast %get3A_615 : vector<1x16xf32> to vector<16xf32>
        %add3A_617 = arith.addf %add3A_589, %get3A_616 : vector<16xf32>
        %mul3A_618 = arith.constant 8 : i32
        %mul3A_619 = arith.muli %scan3A_516, %mul3A_618 : i32
        %add3A_620 = arith.constant 7 : i32
        %add3A_621 = arith.addi %mul3A_619, %add3A_620 : i32
        %get3A_622 = arith.index_cast %add3A_621 : i32 to index
        %get3A_623 = arith.constant 0 : index
        %get3A_624 = tpu.vector_load %arg13[%get3A_622, %get3A_623] {strides = array<i32>} : memref<200x32xf32, #tpu.memory_space<vmem>>, vector<1x16xf32>,
        %get3A_625 = vector.shape_cast %get3A_624 : vector<1x16xf32> to vector<16xf32>
        %add3A_626 = arith.addf %add3A_598, %get3A_625 : vector<16xf32>
        %get3A_627 = arith.index_cast %add3A_621 : i32 to index
        %get3A_628 = arith.constant 16 : index
        %get3A_629 = tpu.vector_load %arg13[%get3A_627, %get3A_628] {strides = array<i32>} : memref<200x32xf32, #tpu.memory_space<vmem>>, vector<1x16xf32>,
        %get3A_630 = vector.shape_cast %get3A_629 : vector<1x16xf32> to vector<16xf32>
        %add3A_631 = arith.addf %add3A_603, %get3A_630 : vector<16xf32>
        scf.yield %add3A_612, %add3A_617, %add3A_626, %add3A_631 : vector<16xf32>, vector<16xf32>, vector<16xf32>, vector<16xf32>
      }
      %scan3A_494 = arith.constant 25 : i32
      %add3A_495 = arith.addf %scan3A_493#0, %scan3A_493#2 : vector<16xf32>
      %swap3A_496 = arith.index_cast %add3A_486 : i32 to index
      %swap3A_497 = arith.constant 0 : index
      %swap3A_498 = tpu.vector_load %arg14[%swap3A_496, %swap3A_497] {strides = array<i32>} : memref<128x32xf32, #tpu.memory_space<vmem>>, vector<1x16xf32>,
      %swap3A_499 = vector.shape_cast %swap3A_498 : vector<1x16xf32> to vector<16xf32>
      %swap3A_500 = vector.shape_cast %add3A_495 : vector<16xf32> to vector<1x16xf32>
      tpu.vector_store %arg14[%swap3A_496, %swap3A_497], %swap3A_500 {strides = array<i32>} : memref<128x32xf32, #tpu.memory_space<vmem>>, vector<1x16xf32>,
      %add3A_501 = arith.addf %scan3A_493#1, %scan3A_493#3 : vector<16xf32>
      %swap3A_502 = arith.index_cast %add3A_486 : i32 to index
      %swap3A_503 = arith.constant 16 : index
      %swap3A_504 = tpu.vector_load %arg14[%swap3A_502, %swap3A_503] {strides = array<i32>} : memref<128x32xf32, #tpu.memory_space<vmem>>, vector<1x16xf32>,
      %swap3A_505 = vector.shape_cast %swap3A_504 : vector<1x16xf32> to vector<16xf32>
      %swap3A_506 = vector.shape_cast %add3A_501 : vector<16xf32> to vector<1x16xf32>
      tpu.vector_store %arg14[%swap3A_502, %swap3A_503], %swap3A_506 {strides = array<i32>} : memref<128x32xf32, #tpu.memory_space<vmem>>, vector<1x16xf32>,
      %add3A_507 = arith.constant 7 : i32
      %add3A_508 = arith.addi %mul3A_145, %add3A_507 : i32
      %add3A_509 = arith.constant 8 : i32
      %add3A_510 = arith.addi %add3A_508, %add3A_509 : i32
      %lt3A_511 = arith.constant 128 : i32
      %lt3A_512 = arith.cmpi slt, %add3A_510, %lt3A_511 : i32
      %convert_element_type3A_513 = arith.extui %lt3A_512 : i1 to i32
      %cond3A_514 = arith.constant 0 : i32
      %cond3A_515 = arith.cmpi ne, %convert_element_type3A_513, %cond3A_514 : i32
      scf.if %cond3A_515 {
        %add3A_516 = arith.constant 7 : i32
        %add3A_517 = arith.addi %mul3A_145, %add3A_516 : i32
        %add3A_518 = arith.constant 8 : i32
        %add3A_519 = arith.addi %add3A_517, %add3A_518 : i32
        %mul3A_520 = arith.constant 200 : i32
        %mul3A_521 = arith.muli %add3A_519, %mul3A_520 : i32
        %dma_start3A_522 = arith.constant 0 : i32
        %dma_start3A_523 = arith.constant 0 : i32
        %dma_start3A_524 = tpu.memref_slice %arg13[%dma_start3A_522, %dma_start3A_523] : memref<200x32xf32, #tpu.memory_space<vmem>> -> memref<104x32xf32, #tpu.memory_space<vmem>>
        %dma_start3A_525 = tpu.memref_slice %arg5[%mul3A_521] : memref<25600xi32, #tpu.memory_space<vmem>> -> memref<104xi32, #tpu.memory_space<vmem>>
        %dma_start3A_526 = arith.constant 0 : i32
        %dma_start3A_527 = arith.constant 0 : i32
        %dma_start3A_528 = tpu.memref_slice %arg3[%dma_start3A_526, %dma_start3A_527] : memref<1048576x32xf32, #tpu.memory_space<hbm>> -> memref<1048576x32xf32, #tpu.memory_space<hbm>>
        tpu.enqueue_indirect_dma source(%dma_start3A_528 : memref<1048576x32xf32, #tpu.memory_space<hbm>>) target(%dma_start3A_524 : memref<104x32xf32, #tpu.memory_space<vmem>>) offsets(%dma_start3A_525 : memref<104xi32, #tpu.memory_space<vmem>>) semaphore(%arg22 : memref<!tpu.dma_semaphore, #tpu.memory_space<semaphore_mem>>)
        %add3A_529 = arith.constant 104 : i32
        %add3A_530 = arith.addi %mul3A_521, %add3A_529 : i32
        %dma_start3A_531 = arith.constant 104 : i32
        %dma_start3A_532 = arith.constant 0 : i32
        %dma_start3A_533 = tpu.memref_slice %arg13[%dma_start3A_531, %dma_start3A_532] : memref<200x32xf32, #tpu.memory_space<vmem>> -> memref<96x32xf32, #tpu.memory_space<vmem>>
        %dma_start3A_534 = tpu.memref_slice %arg5[%add3A_530] : memref<25600xi32, #tpu.memory_space<vmem>> -> memref<96xi32, #tpu.memory_space<vmem>>
        %dma_start3A_535 = arith.constant 0 : i32
        %dma_start3A_536 = arith.constant 0 : i32
        %dma_start3A_537 = tpu.memref_slice %arg3[%dma_start3A_535, %dma_start3A_536] : memref<1048576x32xf32, #tpu.memory_space<hbm>> -> memref<1048576x32xf32, #tpu.memory_space<hbm>>
        tpu.enqueue_indirect_dma source(%dma_start3A_537 : memref<1048576x32xf32, #tpu.memory_space<hbm>>) target(%dma_start3A_533 : memref<96x32xf32, #tpu.memory_space<vmem>>) offsets(%dma_start3A_534 : memref<96xi32, #tpu.memory_space<vmem>>) semaphore(%arg22 : memref<!tpu.dma_semaphore, #tpu.memory_space<semaphore_mem>>)
      } else {
      }
    }
    %scan3A_142 = arith.constant 16 : i32
    "tpu.region"() ({
      %run_scoped3A = tpu.sem_alloc : memref<!tpu.dma_semaphore, #tpu.memory_space<semaphore_mem>>
      %dma_start3A_143 = arith.constant 0 : i32
      %dma_start3A_144 = tpu.memref_slice %arg4[%mul3A_2, %dma_start3A_143] : memref<4096x32xf32, #tpu.memory_space<hbm>> -> memref<128x32xf32, #tpu.memory_space<hbm>>
      %dma_start3A_145 = arith.constant 0 : i32
      %dma_start3A_146 = tpu.memref_slice %arg4[%mul3A_2, %dma_start3A_145] : memref<4096x32xf32, #tpu.memory_space<hbm>> -> memref<128x32xf32, #tpu.memory_space<hbm>>
      tpu.enqueue_dma source(%arg14 : memref<128x32xf32, #tpu.memory_space<vmem>>) target(%dma_start3A_146 : memref<128x32xf32, #tpu.memory_space<hbm>>) target_semaphore(%run_scoped3A : memref<!tpu.dma_semaphore, #tpu.memory_space<semaphore_mem>>)
      %dma_wait3A = arith.constant 0 : i32
      %dma_wait3A_147 = tpu.memref_slice %arg4[%mul3A_2, %dma_wait3A] : memref<4096x32xf32, #tpu.memory_space<hbm>> -> memref<128x32xf32, #tpu.memory_space<hbm>>
      %dma_wait3A_148 = arith.constant 0 : i32
      %dma_wait3A_149 = tpu.memref_slice %arg4[%mul3A_2, %dma_wait3A_148] : memref<4096x32xf32, #tpu.memory_space<hbm>> -> memref<128x32xf32, #tpu.memory_space<hbm>>
      tpu.wait_dma2 semaphore(%run_scoped3A : memref<!tpu.dma_semaphore, #tpu.memory_space<semaphore_mem>>) src(%arg14 : memref<128x32xf32, #tpu.memory_space<vmem>>) dst(%dma_wait3A_149 : memref<128x32xf32, #tpu.memory_space<hbm>>)
      tpu.yield
    }) : () -> ()
    return
  }
}

module attributes {stable_mosaic.version = 14 : i64} {
  func.func @_head_body(%arg0: memref<4096x32xf32, #tpu.memory_space<vmem>>, %arg1: memref<32x128xf32, #tpu.memory_space<vmem>>, %arg2: memref<1x128xf32, #tpu.memory_space<vmem>>, %arg3: memref<4096x128xf32, #tpu.memory_space<vmem>>) attributes {dimension_semantics = [], scalar_prefetch = 0 : i64, scratch_operands = 0 : i64, tpu.core_type = #tpu.core_type<tc>} {
    %get3A = arith.constant 0 : index
    %get3A_0 = arith.constant 0 : index
    %get3A_1 = vector.load %arg0[%get3A, %get3A_0] : memref<4096x32xf32, #tpu.memory_space<vmem>>, vector<4096x32xf32>
    %get3A_2 = arith.constant 0 : index
    %get3A_3 = arith.constant 0 : index
    %get3A_4 = vector.load %arg1[%get3A_2, %get3A_3] : memref<32x128xf32, #tpu.memory_space<vmem>>, vector<32x128xf32>
    %dot_general3A = arith.constant dense<0.000000e+00> : vector<4096x128xf32>
    %dot_general3A_5 = tpu.matmul %get3A_1, %get3A_4, %dot_general3A {dimension_numbers = #tpu.dot_dimension_numbers<[1], [0], [0], [1], [0, 0, 1, 1], [], []>, transpose_lhs_hint = false} : vector<4096x32xf32>, vector<32x128xf32>, vector<4096x128xf32> -> vector<4096x128xf32>
    %mul3A = arith.constant 5.000000e-03 : f32
    %mul3A_6 = vector.broadcast %mul3A : f32 to vector<4096x128xf32>
    %mul3A_7 = arith.mulf %dot_general3A_5, %mul3A_6 : vector<4096x128xf32>
    %get3A_8 = arith.constant 0 : index
    %get3A_9 = arith.constant 0 : index
    %get3A_10 = vector.load %arg2[%get3A_8, %get3A_9] : memref<1x128xf32, #tpu.memory_space<vmem>>, vector<1x128xf32>
    %add3A = vector.broadcast %get3A_10 : vector<1x128xf32> to vector<4096x128xf32>
    %add3A_11 = arith.addf %mul3A_7, %add3A : vector<4096x128xf32>
    %swap3A = arith.constant 0 : index
    %swap3A_12 = arith.constant 0 : index
    %swap3A_13 = vector.load %arg3[%swap3A, %swap3A_12] : memref<4096x128xf32, #tpu.memory_space<vmem>>, vector<4096x128xf32>
    tpu.vector_store %arg3[%swap3A, %swap3A_12], %add3A_11 {strides = array<i32>} : memref<4096x128xf32, #tpu.memory_space<vmem>>, vector<4096x128xf32>,
    return
  }
}

module attributes {stable_mosaic.version = 14 : i64} {
  func.func @_pack_body(%arg0: i32, %arg1: memref<32x65536xf32, #tpu.memory_space<vmem>>, %arg2: memref<16384x128xf32, #tpu.memory_space<vmem>>) attributes {dimension_semantics = [#tpu.dimension_semantics<arbitrary>], iteration_bounds = array<i64: 16>, scalar_prefetch = 0 : i64, scratch_operands = 0 : i64, tpu.core_type = #tpu.core_type<tc>, window_params = [{transform_indices = @transform_0, window_bounds = array<i64: 32, 65536>}, {transform_indices = @transform_1, window_bounds = array<i64: 16384, 128>}]} {
    %get3A = arith.constant 0 : index
    %get3A_0 = arith.constant 0 : index
    %get3A_1 = vector.load %arg1[%get3A, %get3A_0] : memref<32x65536xf32, #tpu.memory_space<vmem>>, vector<32x16384xf32>
    %get3A_2 = arith.constant 0 : index
    %get3A_3 = arith.constant 16384 : index
    %get3A_4 = vector.load %arg1[%get3A_2, %get3A_3] : memref<32x65536xf32, #tpu.memory_space<vmem>>, vector<32x16384xf32>
    %get3A_5 = arith.constant 0 : index
    %get3A_6 = arith.constant 32768 : index
    %get3A_7 = vector.load %arg1[%get3A_5, %get3A_6] : memref<32x65536xf32, #tpu.memory_space<vmem>>, vector<32x16384xf32>
    %get3A_8 = arith.constant 0 : index
    %get3A_9 = arith.constant 49152 : index
    %get3A_10 = vector.load %arg1[%get3A_8, %get3A_9] : memref<32x65536xf32, #tpu.memory_space<vmem>>, vector<32x16384xf32>
    %concatenate3A = tpu.concatenate %get3A_1, %get3A_4, %get3A_7, %get3A_10 in 0 : vector<32x16384xf32>, vector<32x16384xf32>, vector<32x16384xf32>, vector<32x16384xf32> -> vector<128x16384xf32>
    %transpose3A = tpu.transpose %concatenate3A, [1, 0] : vector<128x16384xf32> -> vector<16384x128xf32>
    %swap3A = arith.constant 0 : index
    %swap3A_11 = arith.constant 0 : index
    %swap3A_12 = vector.load %arg2[%swap3A, %swap3A_11] : memref<16384x128xf32, #tpu.memory_space<vmem>>, vector<16384x128xf32>
    tpu.vector_store %arg2[%swap3A, %swap3A_11], %transpose3A {strides = array<i32>} : memref<16384x128xf32, #tpu.memory_space<vmem>>, vector<16384x128xf32>,
    return
  }
  func.func @transform_0(%arg0: i32) -> (i32, i32) {
    %c0_i32 = arith.constant 0 : i32
    %c0_i32_0 = arith.constant 0 : i32
    return %c0_i32, %arg0 : i32, i32
  }
  func.func @transform_1(%arg0: i32) -> (i32, i32) {
    %c0_i32 = arith.constant 0 : i32
    %c0_i32_0 = arith.constant 0 : i32
    return %arg0, %c0_i32 : i32, i32
  }
}

</mosaic_0001>

<sc_bundles>
// kernel: kernel.5.cloned.1.call-start
scs
__scs_entry_jumppad:
0x0: {  	(pc) =	sbr.rel $0x88, $3  }
0x1: {  	(tag) =	ssettag $0x0;
	lr =	simm.s32 $0x1  }
0x2: {  	[smem:$0x3F9D] =	sst lr;
	_ =	strace $0xD0000000  }
0x3: {  	_ = 	snop  }
0x4: {  	_ = 	snop  }
0x5: {  	_ = 	snop  }
0x6: {  	_ = 	snop  }
0x7: {  	_ = 	snop  }
__scs_overlays_trampoline_lowered:
0x8: {  	[smem:$0x3FAC] =	sst s0  }
0x9: {  	[smem:$0x3FAD] =	sst s1  }
0xa: {  	[smem:$0x3FAE] =	sst s2  }
0xb: {  	[smem:$0x3FAF] =	sst s3  }
0xc: {  	[smem:$0x3FB0] =	sst s4  }
0xd: {  	[smem:$0x3FB1] =	sst s5  }
0xe: {  	[smem:$0x3FB2] =	sst s6  }
0xf: {  	[smem:$0x3FB3] =	sst s7  }
0x10: {  	[smem:$0x3FB4] =	sst s8  }
0x11: {  	[smem:$0x3FB5] =	sst s9;
	s0 =	simm.s32 @!p0 $0x0  }
0x12: {  	s1 =	sld [smem:$0x3F9B];
	s0 =	simm.s32 @p0 $0x1  }
0x13: {  	[smem:$0x3FB6] =	sst s0;
	s0 =	simm.s32 @!p1 $0x0  }
0x14: {  	s2 =	sld [smem:$0x3F9A];
	s0 =	simm.s32 @p1 $0x1  }
0x15: {  	[smem:$0x3FB7] =	sst s0;
	s0 =	simm.s32 @!p2 $0x0  }
0x16: {  	s3 =	sld [smem:$0x3FDB];
	s0 =	simm.s32 @p2 $0x1  }
0x17: {  	s4 =	simm.s32 $0x1BF5;
	[smem:$0x3FB9] =	sst s0  }
0x18: {  	s0 =	sld [smem:$0x3F9C];
	_ =	swait.ge [sflag:s4], $0x0  }
0x19: {  	s7 =	sld [smem:$0x3F9D]  }
0x1a: {  	s8 =	sadd.s32 $0xFFFFE003, lr  }
0x1b: {  	s9 =	sadd.s32 $0xFFFFFEF7, lr;
	s5 =	simm.s32 $0xFFFFFFFF;
	p2 =	slt.u32 s8, $0xFFFFF086  }
0x1c: {  	p1 =	slt.u32 s9, $0xF7A;
	s5 =	simm.s32 @!p2 $0x0  }
0x1d: {  	s5 =	simm.s32 @p1 $0x1;
	p0 =	seq.s32 s7, s2  }
0x1e: {  	s7 =	smul.u32 @!p0 $0xF7A, s2;
	p2 =	seq.s32 @!p0 s5, $0x0  }
0x1f: {  	s9 =	smul.u32 $0xF7A, s1;
	s8 =	simm.s32 @!p0 $0x1BF5;
	p2 =	por !p2, p0  }
0x20: {  	[sflag:s8] =	ssyncset.s32 @!p0 $0xFFFFF086;
	s6 =	sadd.s32 @!p0 s3, s7;
	s7 =	simm.s32 @!p0 $0x108  }
0x21: {  	s3 =	sadd.s32 s3, s9;
	s6 =	sadd.s32 @!p0 $0x88, s6;
	s7 =	simm.s32 @p2 $0x1082  }
0x22: {  	[simem:s7], [sflag:s8] =	dma.local @!p0 [hbm:s6], $0xF7A  }
0x23: {  	s9 =	sor.u32 $0xD0000000, s2;
	s6 =	simm.s32 $0x108;
	_ =	swait.ge @!p0 [sflag:s8], $0x0  }
0x24: {  	s3 =	sadd.s32 $0x88, s3;
	s6 =	simm.s32 @!p1 $0x1082;
	[sflag:s4] =	ssyncset.s32 $0xFFFFF086  }
0x25: {  	[simem:s6], [sflag:s4] =	dma.local [hbm:s3], $0xF7A  }
0x26: {  	[smem:$0x3F9D] =	sst s1;
	(tag) =	ssettag s2;
	_ =	strace s9  }
0x27: {  	s1 =	sld [smem:$0x3FAD]  }
0x28: {  	s2 =	sld [smem:$0x3FAE]  }
0x29: {  	s4 =	sld [smem:$0x3FB0]  }
0x2a: {  	p0 =	seq.s32 s5, $0x0;
	s5 =	sld [smem:$0x3FB1]  }
0x2b: {  	s6 =	sld [smem:$0x3FB2]  }
0x2c: {  	s7 =	sld [smem:$0x3FB3]  }
0x2d: {  	s3 =	simm.s32 $0x108;
	s8 =	sld [smem:$0x3FB4]  }
0x2e: {  	s3 =	simm.s32 @!p0 $0x1082;
	s9 =	sld [smem:$0x3FB5]  }
0x2f: {  	lr =	sadd.s32 s0, s3;
	s0 =	sld [smem:$0x3FAC]  }
0x30: {  	s3 =	sld [smem:$0x3FAF]  }
0x31: {  	[smem:$0x3FB8] =	sst s10  }
0x32: {  	s10 =	sld [smem:$0x3FB6];
	_ =	sdelay $0x3  }
0x33: {  	p0 =	seq.s32 s10, $0x1;
	s10 =	sld [smem:$0x3FB8];
	_ =	sdelay $0x3  }
0x34: {  	[smem:$0x3FB8] =	sst s10  }
0x35: {  	s10 =	sld [smem:$0x3FB7];
	_ =	sdelay $0x3  }
0x36: {  	p1 =	seq.s32 s10, $0x1;
	s10 =	sld [smem:$0x3FB8];
	_ =	sdelay $0x3  }
0x37: {  	[smem:$0x3FB8] =	sst s10  }
0x38: {  	s10 =	sld [smem:$0x3FB9]  }
0x39: {  	_ = 	snop;
	(pc) =	sbr.ind lr, $3  }
0x3a: {  	_ = 	snop  }
0x3b: {  	_ = 	snop  }
0x3c: {  	p2 =	seq.s32 s10, $0x1;
	s10 =	sld [smem:$0x3FB8]  }
0x3d: {  	_ =	shalt  }
0x3e: {  	_ =	shalt  }
0x3f: {  	_ =	shalt  }
0x40: {  	_ =	shalt  }
0x41: {  	_ =	shalt  }
0x42: {  	_ =	shalt  }
0x43: {  	_ =	shalt  }
0x44: {  	_ =	shalt  }
0x45: {  	_ =	shalt  }
0x46: {  	_ =	shalt  }
0x47: {  	_ =	shalt  }
0x48: {  	_ =	shalt  }
0x49: {  	_ =	shalt  }
0x4a: {  	_ =	shalt  }
0x4b: {  	_ =	shalt  }
0x4c: {  	_ =	shalt  }
0x4d: {  	_ =	shalt  }
0x4e: {  	_ =	shalt  }
0x4f: {  	_ =	shalt  }
0x50: {  	_ =	shalt  }
0x51: {  	_ =	shalt  }
0x52: {  	_ =	shalt  }
0x53: {  	_ =	shalt  }
0x54: {  	_ =	shalt  }
0x55: {  	_ =	shalt  }
0x56: {  	_ =	shalt  }
0x57: {  	_ =	shalt  }
0x58: {  	_ =	shalt  }
0x59: {  	_ =	shalt  }
0x5a: {  	_ =	shalt  }
0x5b: {  	_ =	shalt  }
0x5c: {  	_ =	shalt  }
0x5d: {  	_ =	shalt  }
0x5e: {  	_ =	shalt  }
0x5f: {  	_ =	shalt  }
0x60: {  	_ =	shalt  }
0x61: {  	_ =	shalt  }
0x62: {  	_ =	shalt  }
0x63: {  	_ =	shalt  }
0x64: {  	_ =	shalt  }
0x65: {  	_ =	shalt  }
0x66: {  	_ =	shalt  }
0x67: {  	_ =	shalt  }
0x68: {  	_ =	shalt  }
0x69: {  	_ =	shalt  }
0x6a: {  	_ =	shalt  }
0x6b: {  	_ =	shalt  }
0x6c: {  	_ =	shalt  }
0x6d: {  	_ =	shalt  }
0x6e: {  	_ =	shalt  }
0x6f: {  	_ =	shalt  }
0x70: {  	_ =	shalt  }
0x71: {  	_ =	shalt  }
0x72: {  	_ =	shalt  }
0x73: {  	_ =	shalt  }
0x74: {  	_ =	shalt  }
0x75: {  	_ =	shalt  }
0x76: {  	_ =	shalt  }
0x77: {  	_ =	shalt  }
0x78: {  	_ =	shalt  }
0x79: {  	_ =	shalt  }
0x7a: {  	_ =	shalt  }
0x7b: {  	_ =	shalt  }
0x7c: {  	_ =	shalt  }
0x7d: {  	_ =	shalt  }
0x7e: {  	_ =	shalt  }
0x7f: {  	_ =	shalt  }
0x80: {  	_ =	shalt  }
0x81: {  	_ =	shalt  }
0x82: {  	_ =	shalt  }
0x83: {  	_ =	shalt  }
0x84: {  	_ =	shalt  }
0x85: {  	_ =	shalt  }
0x86: {  	_ =	shalt  }
0x87: {  	_ =	shalt  }
.Lfunc_end0:
.L_simem_size_0:
called_computation_lowered:
.L_overlay_start_0:
0x88: {  	s2 =	sld [smem:$0x3FD9]  }
0x89: {  	s3 =	sld [smem:$0x3FFE];
	_ =	sdelay $0x1  }
0x8a: {  	s1 =	srdreg.scid  }
0x8b: {  	s0 =	sand.u32 $0x1, s1  }
0x8c: {  	s17 =	sshll.u32 s0, $0xA;
	s2 =	sadd.s32 s3, s2  }
0x8d: {  	s2 =	sadd.s32 s2, s17  }
0x8e: {  	[smem:$0x3FC4] =	sst s2  }
0x8f: {  	_ = 	snop  }
0x90: {  	s2 =	sld [smem:$0x3FD0];
	(tm) =	ssettm $0x1  }
0x91: {  	s18 =	sld [smem:$0x3FFB];
	_ =	sdelay $0x3  }
0x92: {  	_ =	strace s18  }
0x93: {  	s3 =	sld [smem:$0x3FFC];
	_ =	sdelay $0x3  }
0x94: {  	_ =	strace s3  }
0x95: {  	s3 =	sld [smem:$0x3FFD];
	_ =	sdelay $0x3  }
0x96: {  	_ =	strace s3  }
0x97: {  	_ =	strace $0x8FFFFFFF  }
0x98: {  	s19 =	sld [smem:$0x3FDB];
	_ =	sdelay $0x1  }
0x99: {  	s4 =	simm.s32 $_scs_section_size  }
0x9a: {  	s5 =	simm.s32 $_size__tile_overlayer_lowered;
	s6 =	simm.s32 $_tile_overlayer_lowered  }
0x9b: {  	s22 =	simm.s32 $0x1BFF;
	s21 =	sshll.u32 s6, $0x1;
	s3 =	sadd.s32 s4, s19  }
0x9c: {  	s7 =	simm.s32 $0x0;
	s20 =	sshll.u32 s5, $0x1;
	s5 =	sadd.s32 s21, s3  }
0x9d: {  	[timem:s7], [sflag:s22] =	dma.local [hbm:s5], s20  }
0x9e: {  	_ =	swait.ge [sflag:s22], s20  }
0x9f: {  	s4 =	ssub.s32 $0x0, s20;
	[sflag:s22] =	ssyncset.done $0x0  }
0xa0: {  	[sflag:s22] =	ssyncadd.s32 s4;
	_ =	sdelay $0x1  }
0xa1: {  	s23 =	simm.s32 $0x1B8B  }
0xa2: {  	_ =	swait.ge [sflag:s23], $0x1  }
0xa3: {  	[sflag:s23] =	ssyncset.done $0x0  }
0xa4: {  	s25 =	simm.s32 $0x1B8E;
	s24 =	sld [smem:$0x3FFE];
	[sflag:s23] =	ssyncadd.s32 $0xFFFFFFFF  }
0xa5: {  	s26 =	simm.s32 $execute0_lowered;
	[smem:$0x3FD2] =	sst s25  }
0xa6: {  	s5 =	sshll.u32 s26, $0x1;
	_ =	strace $0x80000046;
	[dreg:$0x1] =	wrdreg $0xFFFFFFFF  }
0xa7: {  	s28 =	simm.s32 $_size_execute0_lowered;
	s3 =	sadd.s32 s3, s5;
	[dreg:$0x0] =	wrdreg $0x0  }
0xa8: {  	s5 =	sshll.u32 s28, $0x1;
	[dreg:$0x2] =	wrdreg s3  }
0xa9: {  	[dreg:$0x3] =	wrdreg s5  }
0xaa: {  	[dreg:$0x4] =	wrdreg $0xC0  }
0xab: {  	_ =	task [dreg:s7], $0x5FFFF  }
0xac: {  	[dreg:$0x1] =	wrdreg $0xFFFFFFFF  }
0xad: {  	[dreg:$0x0] =	wrdreg $0x60  }
0xae: {  	[dreg:$0x2] =	wrdreg s24  }
0xaf: {  	[dreg:$0x3] =	wrdreg s2  }
0xb0: {  	[dreg:$0x4] =	wrdreg $0x9  }
0xb1: {  	_ =	task.clear_ibuf [dreg:s7], $0x5FFFF;
	_ =	strace $0x90000046  }
0xb2: {  	s29 =	simm.s32 $0x9;
	_ =	strace $0x80000048  }
0xb3: {  	_ =	swait.ge [sflag:s29], $0x1  }
0xb4: {  	[sflag:s29] =	ssyncadd.s32 $0xFFFFFFFF  }
0xb5: {  	_ =	strace $0x90000048  }
0xb6: {  	_ =	sfence  }
0xb7: {  	s30 =	sld [smem:$0x0];
	_ =	sdelay $0x2  }
0xb8: {  	s31 =	sshll.u32 s1, $0xD;
	s1 =	sshrl.u32 s1, $0x2  }
0xb9: {  	s3 =	sand.u32 $0x4000, s31;
	s1 =	sadd.s32 s1, s30  }
0xba: {  	s0 =	sor.u32 s3, s0;
	s1 =	sshll.u32 s1, $0x11  }
0xbb: {  	s0 =	sor.u32 s1, s0  }
0xbc: {  	s0 =	sadd.s32 $0x8F2B, s0  }
0xbd: {  	[sflag:s0] =	ssyncadd.remote.s32 $0x1  }
0xbe: {  	_ =	sfence.sel $0xFFFF  }
0xbf: {  	[dreg:$0x0] =	wrdreg $0xFFFFFFFF;
	(pc) =	sbr.abs _section_cstart, $3  }
0xc0: {  	[dreg:$0x1] =	wrdreg $0xFFFFFFFF  }
0xc1: {  	_ =	task.clear_ibuf [dreg:s7], $0x2FFFF;
	_ =	strace $0x9FFFFFFF  }
0xc2: {  	(tm) =	ssettm $0x7FFFFFFF  }
0xc3: {  	_ =	shalt  }
tec
execute0_lowered:
.L_overlay_start_1:
0x0: {  	(tag) =	ssettag $0x1  }
0x1: {  	s0 =	rddreg [dreg:$0x0];
	s1 =	srdreg.scid  }
0x2: {  	s2 =	stileid.u32;
	s5 =	rddreg [dreg:$0x1];
	s7 =	simm.s32 $0x9  }
0x3: {  	s8 =	simm.s32 $0x68;
	s10 =	simm.s32 $0x60;
	s9 =	simm.s32 $0xFA00  }
0x4: {  	s11 =	simm.s32 $0x518;
	s12 =	simm.s32 $0x10700;
	s13 =	simm.s32 $0x578  }
0x5: {  	s14 =	simm.s32 $0x11300;
	s15 =	simm.s32 $0x5E0;
	s16 =	simm.s32 $0x12000  }
0x6: {  	s17 =	simm.s32 $0x1;
	s18 =	simm.s32 $0x2;
	s19 =	simm.s32 $0x3  }
0x7: {  	s20 =	simm.s32 $0x4;
	s21 =	simm.s32 $0x5;
	s22 =	simm.s32 $0x6  }
0x8: {  	s23 =	simm.s32 $0x7;
	s24 =	simm.s32 $0x8;
	s25 =	simm.s32 $0x12C00  }
0x9: {  	s26 =	simm.s32 $0x0;
	s1 =	sand.u32 $0x1, s1;
	s3 =	sshll.u32 s2, $0x1  }
.Ltmp0:
0xa: {  	s2 =	simm.s32 $0x0;
	s6 =	sor.u32 s1, s3;
	(pc) =	sbr.rel .LBB2_1-.Ltmp0, $4  }
0xb: {  	[smem:$0x7FF] =	sst s2;
	s1 =	ssub.s32 $0x2, s1;
	s3 =	smul.u32 $0xC80, s6  }
0xc: {  	_ =	strace $0x80000047;
	s30 =	sshrl.u32 s1, $0x1;
	s31 =	sshll.u32 s6, $0x9  }
0xd: {  	s4 =	sadd.s32 s3, s0;
	s3 =	sadd.s32 $0x19800, s0;
	s0 =	ssub.s32 s1, s30  }
0xe: {  	s5 =	sadd.s32 s5, s31;
	s4 =	sadd.s32 $0x800, s4;
	s6 =	smax.u32 s0, $0x1  }
.LBB2_22:
0xf: {  	s26 =	sadd.s32 $0x1, s26  }
0x10: {  	p0 =	sne.s32 s26, s6  }
.Ltmp1:
0x11: {  	_ = 	snop;
	(pc) =	sbr.rel @!p0 .LBB2_23-.Ltmp1, $4  }
0x12: {  	[hbm4b:s5+s2] =	stream.linear.scatter [tilespmem:s25], [sflag:$0x9], $0x1000, $0x38;
	[tilespmem:$0x13C00] =	vst v63  }
0x13: {  	_ =	swait.ge [sflag:s7], $0x1000  }
0x14: {  	[sflag:s7] =	ssyncset.done $0x0  }
0x15: {  	[sflag:s7] =	ssyncadd.s32 $0xFFFFF000  }
.LBB2_1:
0x16: {  	[tilespmem:s2], [sflag:$0x9] =	stream.linear.gather [hbm4b:s4+s2], $0x6400, $0x38;
	[tilespmem:$0x13C00] =	vst v63  }
0x17: {  	_ =	swait.ge [sflag:s7], $0x6400  }
0x18: {  	[sflag:s7] =	ssyncset.done $0x0  }
0x19: {  	s29 =	simm.s32 $0x0;
	[sflag:s7] =	ssyncadd.s32 $0xFFFF9C00  }
0x1a: {  	v0 =	vld [tilespmem:s29+$0x30];
	_ =	sdelay $0x4  }
0x1b: {  	v1 =	vld [tilespmem:s29+$0x0];
	v2 =	vshll.u32 v0, $0x2  }
0x1c: {  	v3 =	vand.u32 $0xFFFF0000, v0;
	v0 =	vshrl.u32 v0, $0xE;
	v2 =	vand.u32 $0xFFFC, v2  }
0x1d: {  	v0 =	vand.u32 $0x3, v0;
	v2 =	vor.u32 v3, v2  }
0x1e: {  	v3 =	vld [tilespmem:s29+$0x10];
	v0 =	vor.u32 v0, v2  }
0x1f: {  	s28 =	simm.s32 $0x40;
	[tilespmem:s29+$0x30] =	vst v0  }
0x20: {  	v2 =	vshll.u32 v1, $0x2;
	v0 =	vld [tilespmem:s28+$0x30]  }
0x21: {  	v4 =	vshrl.u32 v1, $0xE;
	v1 =	vand.u32 $0xFFFF0000, v1;
	v2 =	vand.u32 $0xFFFC, v2  }
0x22: {  	v1 =	vor.u32 v1, v2;
	v2 =	vand.u32 $0x3, v4  }
0x23: {  	v1 =	vor.u32 v2, v1;
	v2 =	vld [tilespmem:s29+$0x20];
	v4 =	vshll.u32 v3, $0x2;
	v5 =	vshrl.u32 v3, $0xE  }
0x24: {  	v3 =	vand.u32 $0xFFFF0000, v3;
	[tilespmem:s29+$0x0] =	vst v1;
	v4 =	vand.u32 $0xFFFC, v4;
	v5 =	vand.u32 $0x3, v5  }
0x25: {  	v1 =	vld [tilespmem:s28+$0x0];
	v3 =	vor.u32 v3, v4;
	v6 =	vand.u32 $0xFFFF0000, v0;
	v7 =	vshll.u32 v0, $0x2  }
0x26: {  	v0 =	vshrl.u32 v0, $0xE;
	v3 =	vor.u32 v5, v3;
	v4 =	vand.u32 $0xFFFC, v7  }
0x27: {  	v5 =	vand.u32 $0x3, v0;
	[tilespmem:s29+$0x10] =	vst v3;
	v4 =	vor.u32 v6, v4  }
0x28: {  	s1 =	simm.s32 $0x200;
	v0 =	vld [tilespmem:s28+$0x10];
	v3 =	vor.u32 v5, v4;
	v4 =	vshll.u32 v2, $0x2;
	v5 =	vshrl.u32 v2, $0xE  }
.LBB2_2:
0x29: {  	s30 =	sshra.s32 s1, $0x2;
	p0 =	sne.s32 s1, $0x18F00;
	s1 =	sadd.s32 $0x100, s1;
	[tilespmem:s28+$0x30] =	vst v3;
	v2 =	vand.u32 $0xFFFF0000, v2;
	v3 =	vand.u32 $0xFFFC, v4;
	v4 =	vand.u32 $0x3, v5  }
0x2a: {  	v5 =	vld [tilespmem:s30+$0x30];
	v6 =	vshll.u32 v1, $0x2;
	v7 =	vshrl.u32 v1, $0xE;
	v2 =	vor.u32 v2, v3  }
0x2b: {  	v1 =	vand.u32 $0xFFFF0000, v1;
	v3 =	vand.u32 $0xFFFC, v6;
	v2 =	vor.u32 v4, v2  }
0x2c: {  	v1 =	vor.u32 v1, v3;
	v3 =	vand.u32 $0x3, v7;
	[tilespmem:s29+$0x20] =	vst v2;
	s29 =	smov.u32 s28;
	s28 =	smov.u32 s30  }
0x2d: {  	v1 =	vor.u32 v3, v1;
	v3 =	vshll.u32 v0, $0x2;
	v4 =	vshrl.u32 v0, $0xE;
	v2 =	vld [tilespmem:s29+$0x20]  }
.Ltmp2:
0x2e: {  	v0 =	vand.u32 $0xFFFF0000, v0;
	[tilespmem:s29+$0x0] =	vst v1;
	v3 =	vand.u32 $0xFFFC, v3;
	v4 =	vand.u32 $0x3, v4;
	(pc) =	sbr.rel @p0 .LBB2_2-.Ltmp2, $4  }
0x2f: {  	v1 =	vld [tilespmem:s28+$0x0];
	v6 =	vand.u32 $0xFFFF0000, v5;
	v7 =	vshll.u32 v5, $0x2;
	v0 =	vor.u32 v0, v3  }
0x30: {  	v5 =	vshrl.u32 v5, $0xE;
	v3 =	vand.u32 $0xFFFC, v7;
	v0 =	vor.u32 v4, v0  }
0x31: {  	v4 =	vand.u32 $0x3, v5;
	v3 =	vor.u32 v6, v3;
	[tilespmem:s29+$0x10] =	vst v0  }
0x32: {  	v0 =	vld [tilespmem:s28+$0x10];
	v3 =	vor.u32 v4, v3;
	v4 =	vshll.u32 v2, $0x2;
	v5 =	vshrl.u32 v2, $0xE  }
0x33: {  	v2 =	vand.u32 $0xFFFF0000, v2;
	v4 =	vand.u32 $0xFFFC, v4  }
0x34: {  	v5 =	vand.u32 $0x3, v5;
	v2 =	vor.u32 v2, v4  }
0x35: {  	[tilespmem:s28+$0x30] =	vst v3;
	v2 =	vor.u32 v5, v2  }
0x36: {  	[tilespmem:s29+$0x20] =	vst v2  }
0x37: {  	v53 =	vld [tilespmem:s28+$0x20]  }
0x38: {  	v52 =	vshll.u32 v1, $0x2;
	v54 =	vshrl.u32 v1, $0xE  }
0x39: {  	v55 =	vand.u32 $0xFFFF0000, v1;
	v56 =	vand.u32 $0x3, v54;
	v2 =	vand.u32 $0xFFFC, v52  }
0x3a: {  	v1 =	vor.u32 v55, v2;
	v57 =	vshll.u32 v0, $0x2;
	v58 =	vshrl.u32 v0, $0xE  }
0x3b: {  	v59 =	vand.u32 $0xFFFF0000, v0;
	v1 =	vor.u32 v56, v1;
	v2 =	vand.u32 $0xFFFC, v57  }
0x3c: {  	v4 =	vand.u32 $0x3, v58;
	v0 =	vor.u32 v59, v2;
	v60 =	vshll.u32 v53, $0x2  }
0x3d: {  	v61 =	vshrl.u32 v53, $0xE;
	v3 =	vand.u32 $0xFFFF0000, v53;
	v2 =	vand.u32 $0xFFFC, v60  }
0x3e: {  	[tilespmem:s28+$0x0] =	vst v1;
	v0 =	vor.u32 v4, v0;
	v62 =	vand.u32 $0x3, v61;
	v2 =	vor.u32 v3, v2  }
0x3f: {  	[tilespmem:s28+$0x10] =	vst v0;
	v63 =	vor.u32 v62, v2  }
0x40: {  	s0 =	simm.s32 $0x6400;
	[tilespmem:s28+$0x20] =	vst v63;
	s28 =	simm.s32 $0x0  }
0x41: {  	[tilespmem:s0], [sflag:$0x1] =	stream.indirect.gather [hbm4b:s3+s8], $0x20, s28, s8, $0xb8;
	[tilespmem:$0x13C00] =	vst v63  }
0x42: {  	s30 =	simm.s32 $0x7100  }
0x43: {  	[tilespmem:s30], [sflag:$0x1] =	stream.indirect.gather [hbm4b:s3+s10], $0x20, s8, s10, $0xb8;
	[tilespmem:$0x13C00] =	vst v63  }
0x44: {  	s31 =	simm.s32 $0xC8;
	s1 =	simm.s32 $0x7D00  }
0x45: {  	[tilespmem:s1], [sflag:$0x2] =	stream.indirect.gather [hbm4b:s3+s8], $0x20, s31, s8, $0xb8;
	[tilespmem:$0x13C00] =	vst v63  }
0x46: {  	s29 =	simm.s32 $0x8A00;
	s1 =	simm.s32 $0x130  }
0x47: {  	[tilespmem:s29], [sflag:$0x2] =	stream.indirect.gather [hbm4b:s3+s10], $0x20, s1, s10, $0xb8;
	[tilespmem:$0x13C00] =	vst v63  }
0x48: {  	s30 =	simm.s32 $0x190;
	s31 =	simm.s32 $0x9600  }
0x49: {  	[tilespmem:s31], [sflag:$0x3] =	stream.indirect.gather [hbm4b:s3+s8], $0x20, s30, s8, $0xb8;
	[tilespmem:$0x13C00] =	vst v63  }
0x4a: {  	s1 =	simm.s32 $0x1F8;
	s29 =	simm.s32 $0xA300  }
0x4b: {  	[tilespmem:s29], [sflag:$0x3] =	stream.indirect.gather [hbm4b:s3+s10], $0x20, s1, s10, $0xb8;
	[tilespmem:$0x13C00] =	vst v63  }
0x4c: {  	s30 =	simm.s32 $0x258;
	s31 =	simm.s32 $0xAF00  }
0x4d: {  	[tilespmem:s31], [sflag:$0x4] =	stream.indirect.gather [hbm4b:s3+s8], $0x20, s30, s8, $0xb8;
	[tilespmem:$0x13C00] =	vst v63  }
0x4e: {  	s1 =	simm.s32 $0x2C0;
	s29 =	simm.s32 $0xBC00  }
0x4f: {  	[tilespmem:s29], [sflag:$0x4] =	stream.indirect.gather [hbm4b:s3+s10], $0x20, s1, s10, $0xb8;
	[tilespmem:$0x13C00] =	vst v63  }
0x50: {  	s30 =	simm.s32 $0x320;
	s31 =	simm.s32 $0xC800  }
0x51: {  	[tilespmem:s31], [sflag:$0x5] =	stream.indirect.gather [hbm4b:s3+s8], $0x20, s30, s8, $0xb8;
	[tilespmem:$0x13C00] =	vst v63  }
0x52: {  	s1 =	simm.s32 $0x388;
	s29 =	simm.s32 $0xD500  }
0x53: {  	[tilespmem:s29], [sflag:$0x5] =	stream.indirect.gather [hbm4b:s3+s10], $0x20, s1, s10, $0xb8;
	[tilespmem:$0x13C00] =	vst v63  }
0x54: {  	s30 =	simm.s32 $0x3E8;
	s31 =	simm.s32 $0xE100  }
0x55: {  	[tilespmem:s31], [sflag:$0x6] =	stream.indirect.gather [hbm4b:s3+s8], $0x20, s30, s8, $0xb8;
	[tilespmem:$0x13C00] =	vst v63  }
0x56: {  	s29 =	simm.s32 $0x450;
	s30 =	simm.s32 $0xEE00  }
0x57: {  	[tilespmem:s30], [sflag:$0x6] =	stream.indirect.gather [hbm4b:s3+s10], $0x20, s29, s10, $0xb8;
	[tilespmem:$0x13C00] =	vst v63  }
0x58: {  	s31 =	simm.s32 $0x4B0  }
0x59: {  	[tilespmem:s9], [sflag:$0x7] =	stream.indirect.gather [hbm4b:s3+s8], $0x20, s31, s8, $0xb8;
	[tilespmem:$0x13C00] =	vst v63  }
0x5a: {  	_ = 	snop  }
0x5b: {  	[tilespmem:s12], [sflag:$0x7] =	stream.indirect.gather [hbm4b:s3+s10], $0x20, s11, s10, $0xb8;
	[tilespmem:$0x13C00] =	vst v63  }
0x5c: {  	_ = 	snop  }
0x5d: {  	[tilespmem:s14], [sflag:$0x8] =	stream.indirect.gather [hbm4b:s3+s8], $0x20, s13, s8, $0xb8;
	[tilespmem:$0x13C00] =	vst v63  }
0x5e: {  	_ = 	snop  }
0x5f: {  	[tilespmem:s16], [sflag:$0x8] =	stream.indirect.gather [hbm4b:s3+s10], $0x20, s15, s10, $0xb8;
	[tilespmem:$0x13C00] =	vst v63  }
.LBB2_4:
0x60: {  	_ =	swait.ge [sflag:s17], $0xD00  }
0x61: {  	[sflag:s17] =	ssyncset.done $0x0  }
0x62: {  	[sflag:s17] =	ssyncadd.s32 $0xFFFFF300  }
0x63: {  	_ =	swait.ge [sflag:s17], $0xC00  }
0x64: {  	[sflag:s17] =	ssyncset.done $0x0  }
0x65: {  	s29 =	simm.s32 $0x0;
	[sflag:s17] =	ssyncadd.s32 $0xFFFFF400  }
0x66: {  	v0 =	vld [tilespmem:s29+$0x64C0]  }
0x67: {  	v1 =	vld [tilespmem:s29+$0x64D0]  }
0x68: {  	v2 =	vld [tilespmem:s29+$0x6480]  }
0x69: {  	v3 =	vld [tilespmem:s29+$0x6490]  }
0x6a: {  	v4 =	vld [tilespmem:s29+$0x6440]  }
0x6b: {  	v5 =	vld [tilespmem:s29+$0x6450]  }
0x6c: {  	v10 =	vld [tilespmem:s29+$0x6400]  }
0x6d: {  	v6 =	vimm.f32 $0.0e+00;
	v11 =	vld [tilespmem:s29+$0x6410]  }
0x6e: {  	s30 =	simm.s32 $0x400;
	v7 =	vimm.f32 $0.0e+00;
	v9 =	vimm.f32 $0.0e+00;
	v8 =	vimm.f32 $0.0e+00;
	v12 =	vld [tilespmem:s29+$0x6420]  }
.LBB2_5:
0x6f: {  	p0 =	sne.s32 s30, $0x6000;
	v13 =	vld [tilespmem:s29+$0x6430]  }
0x70: {  	v14 =	vld [tilespmem:s29+$0x6460]  }
0x71: {  	v15 =	vld [tilespmem:s29+$0x6470]  }
0x72: {  	v16 =	vld [tilespmem:s29+$0x64A0]  }
0x73: {  	v6 =	vadd.f32 v10, v6;
	v7 =	vadd.f32 v11, v7;
	v10 =	vld [tilespmem:s29+$0x64B0]  }
0x74: {  	v9 =	vadd.f32 v12, v9;
	v8 =	vadd.f32 v13, v8;
	v11 =	vld [tilespmem:s29+$0x64E0]  }
0x75: {  	v4 =	vadd.f32 v4, v6;
	v5 =	vadd.f32 v5, v7;
	v12 =	vld [tilespmem:s29+$0x64F0];
	s29 =	sshra.s32 s30, $0x2  }
0x76: {  	v6 =	vadd.f32 v14, v9;
	v13 =	vld [tilespmem:s29+$0x64C0];
	v7 =	vadd.f32 v15, v8  }
0x77: {  	v4 =	vadd.f32 v2, v4;
	v5 =	vadd.f32 v3, v5;
	v14 =	vld [tilespmem:s29+$0x64D0]  }
0x78: {  	v8 =	vadd.f32 v16, v6;
	v2 =	vld [tilespmem:s29+$0x6480];
	v10 =	vadd.f32 v10, v7  }
0x79: {  	v6 =	vadd.f32 v0, v4;
	v7 =	vadd.f32 v1, v5;
	v3 =	vld [tilespmem:s29+$0x6490]  }
.Ltmp3:
0x7a: {  	v9 =	vadd.f32 v11, v8;
	v4 =	vld [tilespmem:s29+$0x6440];
	v8 =	vadd.f32 v12, v10;
	(pc) =	sbr.rel @p0 .LBB2_5-.Ltmp3, $4  }
0x7b: {  	v5 =	vld [tilespmem:s29+$0x6450];
	v0 =	vmov v13  }
0x7c: {  	v10 =	vld [tilespmem:s29+$0x6400];
	v1 =	vmov v14  }
0x7d: {  	v11 =	vld [tilespmem:s29+$0x6410]  }
0x7e: {  	s30 =	sadd.s32 $0x400, s30;
	v12 =	vld [tilespmem:s29+$0x6420]  }
0x7f: {  	v13 =	vld [tilespmem:s29+$0x6430]  }
0x80: {  	v14 =	vld [tilespmem:s29+$0x6460]  }
0x81: {  	v15 =	vld [tilespmem:s29+$0x6470]  }
0x82: {  	v16 =	vld [tilespmem:s29+$0x64A0]  }
0x83: {  	v6 =	vadd.f32 v10, v6;
	v10 =	vld [tilespmem:s29+$0x64B0];
	v9 =	vadd.f32 v12, v9  }
0x84: {  	v7 =	vadd.f32 v11, v7;
	v11 =	vld [tilespmem:s29+$0x64E0];
	v8 =	vadd.f32 v13, v8  }
0x85: {  	v4 =	vadd.f32 v4, v6;
	v6 =	vld [tilespmem:s29+$0x64F0];
	v9 =	vadd.f32 v14, v9  }
0x86: {  	v5 =	vadd.f32 v5, v7;
	v7 =	vadd.f32 v15, v8  }
0x87: {  	v2 =	vadd.f32 v2, v4;
	v4 =	vadd.f32 v16, v9  }
0x88: {  	v3 =	vadd.f32 v3, v5;
	v5 =	vadd.f32 v10, v7  }
0x89: {  	v0 =	vadd.f32 v0, v2;
	v2 =	vadd.f32 v11, v4  }
0x8a: {  	p0 =	seq.s32 s28, $0xF;
	v1 =	vadd.f32 v1, v3;
	v3 =	vadd.f32 v6, v5  }
0x8b: {  	s1 =	sshll.u32 s28, $0x8;
	s30 =	smul.u32 @!p0 $0x1900, s28;
	v0 =	vadd.f32 v2, v0  }
0x8c: {  	s29 =	sand.u32 $0x3FFFFF00, s1;
	v1 =	vadd.f32 v3, v1  }
0x8d: {  	s30 =	sshra.s32 @!p0 s30, $0x2;
	[tilespmem:s29+$0x12C00] =	vst v0  }
0x8e: {  	s31 =	simm.s32 @!p0 $0x68;
	s0 =	simm.s32 @!p0 $0x6400;
	s1 =	sadd.s32 @!p0 $0x640, s30;
	[tilespmem:s29+$0x12C10] =	vst v1  }
0x8f: {  	[tilespmem:s0], [sflag:$0x1] =	stream.indirect.gather @!p0 [hbm4b:s3+s31], $0x20, s1, s31, $0xb8;
	[tilespmem:$0x13C00] =	vst v63  }
0x90: {  	s0 =	sadd.s32 @!p0 $0x6A8, s30;
	s1 =	simm.s32 @!p0 $0x60;
	s31 =	simm.s32 @!p0 $0x7100  }
0x91: {  	[tilespmem:s31], [sflag:$0x1] =	stream.indirect.gather @!p0 [hbm4b:s3+s1], $0x20, s0, s1, $0xb8;
	[tilespmem:$0x13C00] =	vst v63  }
0x92: {  	_ =	swait.ge [sflag:s18], $0xD00  }
0x93: {  	[sflag:s18] =	ssyncset.done $0x0  }
0x94: {  	[sflag:s18] =	ssyncadd.s32 $0xFFFFF300  }
0x95: {  	_ =	swait.ge [sflag:s18], $0xC00  }
0x96: {  	[sflag:s18] =	ssyncset.done $0x0  }
0x97: {  	s31 =	simm.s32 $0x0;
	[sflag:s18] =	ssyncadd.s32 $0xFFFFF400  }
0x98: {  	v0 =	vld [tilespmem:s31+$0x7DC0]  }
0x99: {  	v1 =	vld [tilespmem:s31+$0x7DD0]  }
0x9a: {  	v2 =	vld [tilespmem:s31+$0x7D80]  }
0x9b: {  	v3 =	vld [tilespmem:s31+$0x7D90]  }
0x9c: {  	v4 =	vld [tilespmem:s31+$0x7D40]  }
0x9d: {  	v5 =	vld [tilespmem:s31+$0x7D50]  }
0x9e: {  	v10 =	vld [tilespmem:s31+$0x7D00]  }
0x9f: {  	v8 =	vimm.f32 $0.0e+00;
	v11 =	vld [tilespmem:s31+$0x7D10]  }
0xa0: {  	v9 =	vimm.f32 $0.0e+00;
	v7 =	vimm.f32 $0.0e+00;
	v6 =	vimm.f32 $0.0e+00;
	s1 =	simm.s32 $0x400;
	v12 =	vld [tilespmem:s31+$0x7D20]  }
.LBB2_7:
0xa1: {  	p1 =	sne.s32 s1, $0x6000;
	v13 =	vld [tilespmem:s31+$0x7D30]  }
0xa2: {  	v14 =	vld [tilespmem:s31+$0x7D60]  }
0xa3: {  	v15 =	vld [tilespmem:s31+$0x7D70]  }
0xa4: {  	v16 =	vld [tilespmem:s31+$0x7DA0]  }
0xa5: {  	v6 =	vadd.f32 v10, v6;
	v7 =	vadd.f32 v11, v7;
	v10 =	vld [tilespmem:s31+$0x7DB0]  }
0xa6: {  	v9 =	vadd.f32 v12, v9;
	v8 =	vadd.f32 v13, v8;
	v11 =	vld [tilespmem:s31+$0x7DE0]  }
0xa7: {  	v4 =	vadd.f32 v4, v6;
	v5 =	vadd.f32 v5, v7;
	v12 =	vld [tilespmem:s31+$0x7DF0];
	s31 =	sshra.s32 s1, $0x2  }
0xa8: {  	v6 =	vadd.f32 v14, v9;
	v13 =	vld [tilespmem:s31+$0x7DC0];
	v7 =	vadd.f32 v15, v8  }
0xa9: {  	v4 =	vadd.f32 v2, v4;
	v5 =	vadd.f32 v3, v5;
	v14 =	vld [tilespmem:s31+$0x7DD0]  }
0xaa: {  	v8 =	vadd.f32 v16, v6;
	v2 =	vld [tilespmem:s31+$0x7D80];
	v10 =	vadd.f32 v10, v7  }
0xab: {  	v6 =	vadd.f32 v0, v4;
	v7 =	vadd.f32 v1, v5;
	v3 =	vld [tilespmem:s31+$0x7D90]  }
.Ltmp4:
0xac: {  	v9 =	vadd.f32 v11, v8;
	v4 =	vld [tilespmem:s31+$0x7D40];
	v8 =	vadd.f32 v12, v10;
	(pc) =	sbr.rel @p1 .LBB2_7-.Ltmp4, $4  }
0xad: {  	v5 =	vld [tilespmem:s31+$0x7D50];
	v0 =	vmov v13  }
0xae: {  	v10 =	vld [tilespmem:s31+$0x7D00];
	v1 =	vmov v14  }
0xaf: {  	v11 =	vld [tilespmem:s31+$0x7D10]  }
0xb0: {  	s1 =	sadd.s32 $0x400, s1;
	v12 =	vld [tilespmem:s31+$0x7D20]  }
0xb1: {  	v13 =	vld [tilespmem:s31+$0x7D30]  }
0xb2: {  	v14 =	vld [tilespmem:s31+$0x7D60]  }
0xb3: {  	v15 =	vld [tilespmem:s31+$0x7D70]  }
0xb4: {  	v16 =	vld [tilespmem:s31+$0x7DA0]  }
0xb5: {  	v6 =	vadd.f32 v10, v6;
	v10 =	vld [tilespmem:s31+$0x7DB0];
	v9 =	vadd.f32 v12, v9  }
0xb6: {  	v7 =	vadd.f32 v11, v7;
	v11 =	vld [tilespmem:s31+$0x7DE0];
	v8 =	vadd.f32 v13, v8  }
0xb7: {  	v4 =	vadd.f32 v4, v6;
	v6 =	vld [tilespmem:s31+$0x7DF0];
	v9 =	vadd.f32 v14, v9  }
0xb8: {  	v5 =	vadd.f32 v5, v7;
	v7 =	vadd.f32 v15, v8  }
0xb9: {  	v2 =	vadd.f32 v2, v4;
	v4 =	vadd.f32 v16, v9  }
0xba: {  	v3 =	vadd.f32 v3, v5;
	v5 =	vadd.f32 v10, v7  }
0xbb: {  	v0 =	vadd.f32 v0, v2;
	v2 =	vadd.f32 v11, v4  }
0xbc: {  	v1 =	vadd.f32 v1, v3;
	v3 =	vadd.f32 v6, v5  }
0xbd: {  	v0 =	vadd.f32 v2, v0  }
0xbe: {  	v1 =	vadd.f32 v3, v1  }
0xbf: {  	[tilespmem:s29+$0x12C20] =	vst v0  }
0xc0: {  	s0 =	sadd.s32 @!p0 $0x708, s30;
	s1 =	simm.s32 @!p0 $0x68;
	s31 =	simm.s32 @!p0 $0x7D00;
	[tilespmem:s29+$0x12C30] =	vst v1  }
0xc1: {  	[tilespmem:s31], [sflag:$0x2] =	stream.indirect.gather @!p0 [hbm4b:s3+s1], $0x20, s0, s1, $0xb8;
	[tilespmem:$0x13C00] =	vst v63  }
0xc2: {  	s0 =	sadd.s32 @!p0 $0x770, s30;
	s1 =	simm.s32 @!p0 $0x60;
	s31 =	simm.s32 @!p0 $0x8A00  }
0xc3: {  	[tilespmem:s31], [sflag:$0x2] =	stream.indirect.gather @!p0 [hbm4b:s3+s1], $0x20, s0, s1, $0xb8;
	[tilespmem:$0x13C00] =	vst v63  }
0xc4: {  	_ =	swait.ge [sflag:s19], $0xD00  }
0xc5: {  	[sflag:s19] =	ssyncset.done $0x0  }
0xc6: {  	[sflag:s19] =	ssyncadd.s32 $0xFFFFF300  }
0xc7: {  	_ =	swait.ge [sflag:s19], $0xC00  }
0xc8: {  	[sflag:s19] =	ssyncset.done $0x0  }
0xc9: {  	s31 =	simm.s32 $0x0;
	[sflag:s19] =	ssyncadd.s32 $0xFFFFF400  }
0xca: {  	v0 =	vld [tilespmem:s31+$0x96C0]  }
0xcb: {  	v1 =	vld [tilespmem:s31+$0x96D0]  }
0xcc: {  	v2 =	vld [tilespmem:s31+$0x9680]  }
0xcd: {  	v3 =	vld [tilespmem:s31+$0x9690]  }
0xce: {  	v4 =	vld [tilespmem:s31+$0x9640]  }
0xcf: {  	v5 =	vld [tilespmem:s31+$0x9650]  }
0xd0: {  	v10 =	vld [tilespmem:s31+$0x9600]  }
0xd1: {  	v8 =	vimm.f32 $0.0e+00;
	v11 =	vld [tilespmem:s31+$0x9610]  }
0xd2: {  	v9 =	vimm.f32 $0.0e+00;
	v7 =	vimm.f32 $0.0e+00;
	v6 =	vimm.f32 $0.0e+00;
	s1 =	simm.s32 $0x400;
	v12 =	vld [tilespmem:s31+$0x9620]  }
.LBB2_9:
0xd3: {  	p1 =	sne.s32 s1, $0x6000;
	v13 =	vld [tilespmem:s31+$0x9630]  }
0xd4: {  	v14 =	vld [tilespmem:s31+$0x9660]  }
0xd5: {  	v15 =	vld [tilespmem:s31+$0x9670]  }
0xd6: {  	v16 =	vld [tilespmem:s31+$0x96A0]  }
0xd7: {  	v6 =	vadd.f32 v10, v6;
	v7 =	vadd.f32 v11, v7;
	v10 =	vld [tilespmem:s31+$0x96B0]  }
0xd8: {  	v9 =	vadd.f32 v12, v9;
	v8 =	vadd.f32 v13, v8;
	v11 =	vld [tilespmem:s31+$0x96E0]  }
0xd9: {  	v4 =	vadd.f32 v4, v6;
	v5 =	vadd.f32 v5, v7;
	v12 =	vld [tilespmem:s31+$0x96F0];
	s31 =	sshra.s32 s1, $0x2  }
0xda: {  	v6 =	vadd.f32 v14, v9;
	v13 =	vld [tilespmem:s31+$0x96C0];
	v7 =	vadd.f32 v15, v8  }
0xdb: {  	v4 =	vadd.f32 v2, v4;
	v5 =	vadd.f32 v3, v5;
	v14 =	vld [tilespmem:s31+$0x96D0]  }
0xdc: {  	v8 =	vadd.f32 v16, v6;
	v2 =	vld [tilespmem:s31+$0x9680];
	v10 =	vadd.f32 v10, v7  }
0xdd: {  	v6 =	vadd.f32 v0, v4;
	v7 =	vadd.f32 v1, v5;
	v3 =	vld [tilespmem:s31+$0x9690]  }
.Ltmp5:
0xde: {  	v9 =	vadd.f32 v11, v8;
	v4 =	vld [tilespmem:s31+$0x9640];
	v8 =	vadd.f32 v12, v10;
	(pc) =	sbr.rel @p1 .LBB2_9-.Ltmp5, $4  }
0xdf: {  	v5 =	vld [tilespmem:s31+$0x9650];
	v0 =	vmov v13  }
0xe0: {  	v10 =	vld [tilespmem:s31+$0x9600];
	v1 =	vmov v14  }
0xe1: {  	v11 =	vld [tilespmem:s31+$0x9610]  }
0xe2: {  	s1 =	sadd.s32 $0x400, s1;
	v12 =	vld [tilespmem:s31+$0x9620]  }
0xe3: {  	v13 =	vld [tilespmem:s31+$0x9630]  }
0xe4: {  	v14 =	vld [tilespmem:s31+$0x9660]  }
0xe5: {  	v15 =	vld [tilespmem:s31+$0x9670]  }
0xe6: {  	v16 =	vld [tilespmem:s31+$0x96A0]  }
0xe7: {  	v6 =	vadd.f32 v10, v6;
	v10 =	vld [tilespmem:s31+$0x96B0];
	v9 =	vadd.f32 v12, v9  }
0xe8: {  	v7 =	vadd.f32 v11, v7;
	v11 =	vld [tilespmem:s31+$0x96E0];
	v8 =	vadd.f32 v13, v8  }
0xe9: {  	v4 =	vadd.f32 v4, v6;
	v6 =	vld [tilespmem:s31+$0x96F0];
	v9 =	vadd.f32 v14, v9  }
0xea: {  	v5 =	vadd.f32 v5, v7;
	v7 =	vadd.f32 v15, v8  }
0xeb: {  	v2 =	vadd.f32 v2, v4;
	v4 =	vadd.f32 v16, v9  }
0xec: {  	v3 =	vadd.f32 v3, v5;
	v5 =	vadd.f32 v10, v7  }
0xed: {  	v0 =	vadd.f32 v0, v2;
	v2 =	vadd.f32 v11, v4  }
0xee: {  	v1 =	vadd.f32 v1, v3;
	v3 =	vadd.f32 v6, v5  }
0xef: {  	v0 =	vadd.f32 v2, v0  }
0xf0: {  	v1 =	vadd.f32 v3, v1  }
0xf1: {  	[tilespmem:s29+$0x12C40] =	vst v0  }
0xf2: {  	s0 =	sadd.s32 @!p0 $0x7D0, s30;
	s1 =	simm.s32 @!p0 $0x68;
	s31 =	simm.s32 @!p0 $0x9600;
	[tilespmem:s29+$0x12C50] =	vst v1  }
0xf3: {  	[tilespmem:s31], [sflag:$0x3] =	stream.indirect.gather @!p0 [hbm4b:s3+s1], $0x20, s0, s1, $0xb8;
	[tilespmem:$0x13C00] =	vst v63  }
0xf4: {  	s0 =	sadd.s32 @!p0 $0x838, s30;
	s1 =	simm.s32 @!p0 $0x60;
	s31 =	simm.s32 @!p0 $0xA300  }
0xf5: {  	[tilespmem:s31], [sflag:$0x3] =	stream.indirect.gather @!p0 [hbm4b:s3+s1], $0x20, s0, s1, $0xb8;
	[tilespmem:$0x13C00] =	vst v63  }
0xf6: {  	_ =	swait.ge [sflag:s20], $0xD00  }
0xf7: {  	[sflag:s20] =	ssyncset.done $0x0  }
0xf8: {  	[sflag:s20] =	ssyncadd.s32 $0xFFFFF300  }
0xf9: {  	_ =	swait.ge [sflag:s20], $0xC00  }
0xfa: {  	[sflag:s20] =	ssyncset.done $0x0  }
0xfb: {  	s31 =	simm.s32 $0x0;
	[sflag:s20] =	ssyncadd.s32 $0xFFFFF400  }
0xfc: {  	v0 =	vld [tilespmem:s31+$0xAFC0]  }
0xfd: {  	v1 =	vld [tilespmem:s31+$0xAFD0]  }
0xfe: {  	v2 =	vld [tilespmem:s31+$0xAF80]  }
0xff: {  	v3 =	vld [tilespmem:s31+$0xAF90]  }
0x100: {  	v4 =	vld [tilespmem:s31+$0xAF40]  }
0x101: {  	v5 =	vld [tilespmem:s31+$0xAF50]  }
0x102: {  	v10 =	vld [tilespmem:s31+$0xAF00]  }
0x103: {  	v8 =	vimm.f32 $0.0e+00;
	v11 =	vld [tilespmem:s31+$0xAF10]  }
0x104: {  	v9 =	vimm.f32 $0.0e+00;
	v7 =	vimm.f32 $0.0e+00;
	v6 =	vimm.f32 $0.0e+00;
	s1 =	simm.s32 $0x400;
	v12 =	vld [tilespmem:s31+$0xAF20]  }
.LBB2_11:
0x105: {  	p1 =	sne.s32 s1, $0x6000;
	v13 =	vld [tilespmem:s31+$0xAF30]  }
0x106: {  	v14 =	vld [tilespmem:s31+$0xAF60]  }
0x107: {  	v15 =	vld [tilespmem:s31+$0xAF70]  }
0x108: {  	v16 =	vld [tilespmem:s31+$0xAFA0]  }
0x109: {  	v6 =	vadd.f32 v10, v6;
	v7 =	vadd.f32 v11, v7;
	v10 =	vld [tilespmem:s31+$0xAFB0]  }
0x10a: {  	v9 =	vadd.f32 v12, v9;
	v8 =	vadd.f32 v13, v8;
	v11 =	vld [tilespmem:s31+$0xAFE0]  }
0x10b: {  	v4 =	vadd.f32 v4, v6;
	v5 =	vadd.f32 v5, v7;
	v12 =	vld [tilespmem:s31+$0xAFF0];
	s31 =	sshra.s32 s1, $0x2  }
0x10c: {  	v6 =	vadd.f32 v14, v9;
	v13 =	vld [tilespmem:s31+$0xAFC0];
	v7 =	vadd.f32 v15, v8  }
0x10d: {  	v4 =	vadd.f32 v2, v4;
	v5 =	vadd.f32 v3, v5;
	v14 =	vld [tilespmem:s31+$0xAFD0]  }
0x10e: {  	v8 =	vadd.f32 v16, v6;
	v2 =	vld [tilespmem:s31+$0xAF80];
	v10 =	vadd.f32 v10, v7  }
0x10f: {  	v6 =	vadd.f32 v0, v4;
	v7 =	vadd.f32 v1, v5;
	v3 =	vld [tilespmem:s31+$0xAF90]  }
.Ltmp6:
0x110: {  	v9 =	vadd.f32 v11, v8;
	v4 =	vld [tilespmem:s31+$0xAF40];
	v8 =	vadd.f32 v12, v10;
	(pc) =	sbr.rel @p1 .LBB2_11-.Ltmp6, $4  }
0x111: {  	v5 =	vld [tilespmem:s31+$0xAF50];
	v0 =	vmov v13  }
0x112: {  	v10 =	vld [tilespmem:s31+$0xAF00];
	v1 =	vmov v14  }
0x113: {  	v11 =	vld [tilespmem:s31+$0xAF10]  }
0x114: {  	s1 =	sadd.s32 $0x400, s1;
	v12 =	vld [tilespmem:s31+$0xAF20]  }
0x115: {  	v13 =	vld [tilespmem:s31+$0xAF30]  }
0x116: {  	v14 =	vld [tilespmem:s31+$0xAF60]  }
0x117: {  	v15 =	vld [tilespmem:s31+$0xAF70]  }
0x118: {  	v16 =	vld [tilespmem:s31+$0xAFA0]  }
0x119: {  	v6 =	vadd.f32 v10, v6;
	v10 =	vld [tilespmem:s31+$0xAFB0];
	v9 =	vadd.f32 v12, v9  }
0x11a: {  	v7 =	vadd.f32 v11, v7;
	v11 =	vld [tilespmem:s31+$0xAFE0];
	v8 =	vadd.f32 v13, v8  }
0x11b: {  	v4 =	vadd.f32 v4, v6;
	v6 =	vld [tilespmem:s31+$0xAFF0];
	v9 =	vadd.f32 v14, v9  }
0x11c: {  	v5 =	vadd.f32 v5, v7;
	v7 =	vadd.f32 v15, v8  }
0x11d: {  	v2 =	vadd.f32 v2, v4;
	v4 =	vadd.f32 v16, v9  }
0x11e: {  	v3 =	vadd.f32 v3, v5;
	v5 =	vadd.f32 v10, v7  }
0x11f: {  	v0 =	vadd.f32 v0, v2;
	v2 =	vadd.f32 v11, v4  }
0x120: {  	v1 =	vadd.f32 v1, v3;
	v3 =	vadd.f32 v6, v5  }
0x121: {  	v0 =	vadd.f32 v2, v0  }
0x122: {  	v1 =	vadd.f32 v3, v1  }
0x123: {  	[tilespmem:s29+$0x12C60] =	vst v0  }
0x124: {  	s0 =	sadd.s32 @!p0 $0x898, s30;
	s1 =	simm.s32 @!p0 $0x68;
	s31 =	simm.s32 @!p0 $0xAF00;
	[tilespmem:s29+$0x12C70] =	vst v1  }
0x125: {  	[tilespmem:s31], [sflag:$0x4] =	stream.indirect.gather @!p0 [hbm4b:s3+s1], $0x20, s0, s1, $0xb8;
	[tilespmem:$0x13C00] =	vst v63  }
0x126: {  	s0 =	sadd.s32 @!p0 $0x900, s30;
	s1 =	simm.s32 @!p0 $0x60;
	s31 =	simm.s32 @!p0 $0xBC00  }
0x127: {  	[tilespmem:s31], [sflag:$0x4] =	stream.indirect.gather @!p0 [hbm4b:s3+s1], $0x20, s0, s1, $0xb8;
	[tilespmem:$0x13C00] =	vst v63  }
0x128: {  	_ =	swait.ge [sflag:s21], $0xD00  }
0x129: {  	[sflag:s21] =	ssyncset.done $0x0  }
0x12a: {  	[sflag:s21] =	ssyncadd.s32 $0xFFFFF300  }
0x12b: {  	_ =	swait.ge [sflag:s21], $0xC00  }
0x12c: {  	[sflag:s21] =	ssyncset.done $0x0  }
0x12d: {  	s31 =	simm.s32 $0x0;
	[sflag:s21] =	ssyncadd.s32 $0xFFFFF400  }
0x12e: {  	v0 =	vld [tilespmem:s31+$0xC8C0]  }
0x12f: {  	v1 =	vld [tilespmem:s31+$0xC8D0]  }
0x130: {  	v2 =	vld [tilespmem:s31+$0xC880]  }
0x131: {  	v3 =	vld [tilespmem:s31+$0xC890]  }
0x132: {  	v4 =	vld [tilespmem:s31+$0xC840]  }
0x133: {  	v5 =	vld [tilespmem:s31+$0xC850]  }
0x134: {  	v10 =	vld [tilespmem:s31+$0xC800]  }
0x135: {  	v8 =	vimm.f32 $0.0e+00;
	v11 =	vld [tilespmem:s31+$0xC810]  }
0x136: {  	v9 =	vimm.f32 $0.0e+00;
	v7 =	vimm.f32 $0.0e+00;
	v6 =	vimm.f32 $0.0e+00;
	s1 =	simm.s32 $0x400;
	v12 =	vld [tilespmem:s31+$0xC820]  }
.LBB2_13:
0x137: {  	p1 =	sne.s32 s1, $0x6000;
	v13 =	vld [tilespmem:s31+$0xC830]  }
0x138: {  	v14 =	vld [tilespmem:s31+$0xC860]  }
0x139: {  	v15 =	vld [tilespmem:s31+$0xC870]  }
0x13a: {  	v16 =	vld [tilespmem:s31+$0xC8A0]  }
0x13b: {  	v6 =	vadd.f32 v10, v6;
	v7 =	vadd.f32 v11, v7;
	v10 =	vld [tilespmem:s31+$0xC8B0]  }
0x13c: {  	v9 =	vadd.f32 v12, v9;
	v8 =	vadd.f32 v13, v8;
	v11 =	vld [tilespmem:s31+$0xC8E0]  }
0x13d: {  	v4 =	vadd.f32 v4, v6;
	v5 =	vadd.f32 v5, v7;
	v12 =	vld [tilespmem:s31+$0xC8F0];
	s31 =	sshra.s32 s1, $0x2  }
0x13e: {  	v6 =	vadd.f32 v14, v9;
	v13 =	vld [tilespmem:s31+$0xC8C0];
	v7 =	vadd.f32 v15, v8  }
0x13f: {  	v4 =	vadd.f32 v2, v4;
	v5 =	vadd.f32 v3, v5;
	v14 =	vld [tilespmem:s31+$0xC8D0]  }
0x140: {  	v8 =	vadd.f32 v16, v6;
	v2 =	vld [tilespmem:s31+$0xC880];
	v10 =	vadd.f32 v10, v7  }
0x141: {  	v6 =	vadd.f32 v0, v4;
	v7 =	vadd.f32 v1, v5;
	v3 =	vld [tilespmem:s31+$0xC890]  }
.Ltmp7:
0x142: {  	v9 =	vadd.f32 v11, v8;
	v4 =	vld [tilespmem:s31+$0xC840];
	v8 =	vadd.f32 v12, v10;
	(pc) =	sbr.rel @p1 .LBB2_13-.Ltmp7, $4  }
0x143: {  	v5 =	vld [tilespmem:s31+$0xC850];
	v0 =	vmov v13  }
0x144: {  	v10 =	vld [tilespmem:s31+$0xC800];
	v1 =	vmov v14  }
0x145: {  	v11 =	vld [tilespmem:s31+$0xC810]  }
0x146: {  	s1 =	sadd.s32 $0x400, s1;
	v12 =	vld [tilespmem:s31+$0xC820]  }
0x147: {  	v13 =	vld [tilespmem:s31+$0xC830]  }
0x148: {  	v14 =	vld [tilespmem:s31+$0xC860]  }
0x149: {  	v15 =	vld [tilespmem:s31+$0xC870]  }
0x14a: {  	v16 =	vld [tilespmem:s31+$0xC8A0]  }
0x14b: {  	v6 =	vadd.f32 v10, v6;
	v10 =	vld [tilespmem:s31+$0xC8B0];
	v9 =	vadd.f32 v12, v9  }
0x14c: {  	v7 =	vadd.f32 v11, v7;
	v11 =	vld [tilespmem:s31+$0xC8E0];
	v8 =	vadd.f32 v13, v8  }
0x14d: {  	v4 =	vadd.f32 v4, v6;
	v6 =	vld [tilespmem:s31+$0xC8F0];
	v9 =	vadd.f32 v14, v9  }
0x14e: {  	v5 =	vadd.f32 v5, v7;
	v7 =	vadd.f32 v15, v8  }
0x14f: {  	v2 =	vadd.f32 v2, v4;
	v4 =	vadd.f32 v16, v9  }
0x150: {  	v3 =	vadd.f32 v3, v5;
	v5 =	vadd.f32 v10, v7  }
0x151: {  	v0 =	vadd.f32 v0, v2;
	v2 =	vadd.f32 v11, v4  }
0x152: {  	v1 =	vadd.f32 v1, v3;
	v3 =	vadd.f32 v6, v5  }
0x153: {  	v0 =	vadd.f32 v2, v0  }
0x154: {  	v1 =	vadd.f32 v3, v1  }
0x155: {  	[tilespmem:s29+$0x12C80] =	vst v0  }
0x156: {  	s0 =	sadd.s32 @!p0 $0x960, s30;
	s1 =	simm.s32 @!p0 $0x68;
	s31 =	simm.s32 @!p0 $0xC800;
	[tilespmem:s29+$0x12C90] =	vst v1  }
0x157: {  	[tilespmem:s31], [sflag:$0x5] =	stream.indirect.gather @!p0 [hbm4b:s3+s1], $0x20, s0, s1, $0xb8;
	[tilespmem:$0x13C00] =	vst v63  }
0x158: {  	s0 =	sadd.s32 @!p0 $0x9C8, s30;
	s1 =	simm.s32 @!p0 $0x60;
	s31 =	simm.s32 @!p0 $0xD500  }
0x159: {  	[tilespmem:s31], [sflag:$0x5] =	stream.indirect.gather @!p0 [hbm4b:s3+s1], $0x20, s0, s1, $0xb8;
	[tilespmem:$0x13C00] =	vst v63  }
0x15a: {  	_ =	swait.ge [sflag:s22], $0xD00  }
0x15b: {  	[sflag:s22] =	ssyncset.done $0x0  }
0x15c: {  	[sflag:s22] =	ssyncadd.s32 $0xFFFFF300  }
0x15d: {  	_ =	swait.ge [sflag:s22], $0xC00  }
0x15e: {  	[sflag:s22] =	ssyncset.done $0x0  }
0x15f: {  	s31 =	simm.s32 $0x0;
	[sflag:s22] =	ssyncadd.s32 $0xFFFFF400  }
0x160: {  	v0 =	vld [tilespmem:s31+$0xE1C0]  }
0x161: {  	v1 =	vld [tilespmem:s31+$0xE1D0]  }
0x162: {  	v2 =	vld [tilespmem:s31+$0xE180]  }
0x163: {  	v3 =	vld [tilespmem:s31+$0xE190]  }
0x164: {  	v4 =	vld [tilespmem:s31+$0xE140]  }
0x165: {  	v5 =	vld [tilespmem:s31+$0xE150]  }
0x166: {  	v10 =	vld [tilespmem:s31+$0xE100]  }
0x167: {  	v8 =	vimm.f32 $0.0e+00;
	v11 =	vld [tilespmem:s31+$0xE110]  }
0x168: {  	v9 =	vimm.f32 $0.0e+00;
	v7 =	vimm.f32 $0.0e+00;
	v6 =	vimm.f32 $0.0e+00;
	s1 =	simm.s32 $0x400;
	v12 =	vld [tilespmem:s31+$0xE120]  }
.LBB2_15:
0x169: {  	p1 =	sne.s32 s1, $0x6000;
	v13 =	vld [tilespmem:s31+$0xE130]  }
0x16a: {  	v14 =	vld [tilespmem:s31+$0xE160]  }
0x16b: {  	v15 =	vld [tilespmem:s31+$0xE170]  }
0x16c: {  	v16 =	vld [tilespmem:s31+$0xE1A0]  }
0x16d: {  	v6 =	vadd.f32 v10, v6;
	v7 =	vadd.f32 v11, v7;
	v10 =	vld [tilespmem:s31+$0xE1B0]  }
0x16e: {  	v9 =	vadd.f32 v12, v9;
	v8 =	vadd.f32 v13, v8;
	v11 =	vld [tilespmem:s31+$0xE1E0]  }
0x16f: {  	v4 =	vadd.f32 v4, v6;
	v5 =	vadd.f32 v5, v7;
	v12 =	vld [tilespmem:s31+$0xE1F0];
	s31 =	sshra.s32 s1, $0x2  }
0x170: {  	v6 =	vadd.f32 v14, v9;
	v13 =	vld [tilespmem:s31+$0xE1C0];
	v7 =	vadd.f32 v15, v8  }
0x171: {  	v4 =	vadd.f32 v2, v4;
	v5 =	vadd.f32 v3, v5;
	v14 =	vld [tilespmem:s31+$0xE1D0]  }
0x172: {  	v8 =	vadd.f32 v16, v6;
	v2 =	vld [tilespmem:s31+$0xE180];
	v10 =	vadd.f32 v10, v7  }
0x173: {  	v6 =	vadd.f32 v0, v4;
	v7 =	vadd.f32 v1, v5;
	v3 =	vld [tilespmem:s31+$0xE190]  }
.Ltmp8:
0x174: {  	v9 =	vadd.f32 v11, v8;
	v4 =	vld [tilespmem:s31+$0xE140];
	v8 =	vadd.f32 v12, v10;
	(pc) =	sbr.rel @p1 .LBB2_15-.Ltmp8, $4  }
0x175: {  	v5 =	vld [tilespmem:s31+$0xE150];
	v0 =	vmov v13  }
0x176: {  	v10 =	vld [tilespmem:s31+$0xE100];
	v1 =	vmov v14  }
0x177: {  	v11 =	vld [tilespmem:s31+$0xE110]  }
0x178: {  	s1 =	sadd.s32 $0x400, s1;
	v12 =	vld [tilespmem:s31+$0xE120]  }
0x179: {  	v13 =	vld [tilespmem:s31+$0xE130]  }
0x17a: {  	v14 =	vld [tilespmem:s31+$0xE160]  }
0x17b: {  	v15 =	vld [tilespmem:s31+$0xE170]  }
0x17c: {  	v16 =	vld [tilespmem:s31+$0xE1A0]  }
0x17d: {  	v6 =	vadd.f32 v10, v6;
	v10 =	vld [tilespmem:s31+$0xE1B0];
	v9 =	vadd.f32 v12, v9  }
0x17e: {  	v7 =	vadd.f32 v11, v7;
	v11 =	vld [tilespmem:s31+$0xE1E0];
	v8 =	vadd.f32 v13, v8  }
0x17f: {  	v4 =	vadd.f32 v4, v6;
	v6 =	vld [tilespmem:s31+$0xE1F0];
	v9 =	vadd.f32 v14, v9  }
0x180: {  	v5 =	vadd.f32 v5, v7;
	v7 =	vadd.f32 v15, v8  }
0x181: {  	v2 =	vadd.f32 v2, v4;
	v4 =	vadd.f32 v16, v9  }
0x182: {  	v3 =	vadd.f32 v3, v5;
	v5 =	vadd.f32 v10, v7  }
0x183: {  	v0 =	vadd.f32 v0, v2;
	v2 =	vadd.f32 v11, v4  }
0x184: {  	v1 =	vadd.f32 v1, v3;
	v3 =	vadd.f32 v6, v5  }
0x185: {  	v0 =	vadd.f32 v2, v0  }
0x186: {  	v1 =	vadd.f32 v3, v1  }
0x187: {  	[tilespmem:s29+$0x12CA0] =	vst v0  }
0x188: {  	s0 =	sadd.s32 @!p0 $0xA28, s30;
	s1 =	simm.s32 @!p0 $0x68;
	s31 =	simm.s32 @!p0 $0xE100;
	[tilespmem:s29+$0x12CB0] =	vst v1  }
0x189: {  	[tilespmem:s31], [sflag:$0x6] =	stream.indirect.gather @!p0 [hbm4b:s3+s1], $0x20, s0, s1, $0xb8;
	[tilespmem:$0x13C00] =	vst v63  }
0x18a: {  	s0 =	sadd.s32 @!p0 $0xA90, s30;
	s1 =	simm.s32 @!p0 $0x60;
	s31 =	simm.s32 @!p0 $0xEE00  }
0x18b: {  	[tilespmem:s31], [sflag:$0x6] =	stream.indirect.gather @!p0 [hbm4b:s3+s1], $0x20, s0, s1, $0xb8;
	[tilespmem:$0x13C00] =	vst v63  }
0x18c: {  	_ =	swait.ge [sflag:s23], $0xD00  }
0x18d: {  	[sflag:s23] =	ssyncset.done $0x0  }
0x18e: {  	[sflag:s23] =	ssyncadd.s32 $0xFFFFF300  }
0x18f: {  	_ =	swait.ge [sflag:s23], $0xC00  }
0x190: {  	[sflag:s23] =	ssyncset.done $0x0  }
0x191: {  	s31 =	simm.s32 $0x0;
	[sflag:s23] =	ssyncadd.s32 $0xFFFFF400  }
0x192: {  	v0 =	vld [tilespmem:s31+$0xFAC0]  }
0x193: {  	v1 =	vld [tilespmem:s31+$0xFAD0]  }
0x194: {  	v2 =	vld [tilespmem:s31+$0xFA80]  }
0x195: {  	v3 =	vld [tilespmem:s31+$0xFA90]  }
0x196: {  	v4 =	vld [tilespmem:s31+$0xFA40]  }
0x197: {  	v5 =	vld [tilespmem:s31+$0xFA50]  }
0x198: {  	v10 =	vld [tilespmem:s31+$0xFA00]  }
0x199: {  	v8 =	vimm.f32 $0.0e+00;
	v11 =	vld [tilespmem:s31+$0xFA10]  }
0x19a: {  	v9 =	vimm.f32 $0.0e+00;
	v7 =	vimm.f32 $0.0e+00;
	v6 =	vimm.f32 $0.0e+00;
	s1 =	simm.s32 $0x400;
	v12 =	vld [tilespmem:s31+$0xFA20]  }
.LBB2_17:
0x19b: {  	p1 =	sne.s32 s1, $0x6000;
	v13 =	vld [tilespmem:s31+$0xFA30]  }
0x19c: {  	v14 =	vld [tilespmem:s31+$0xFA60]  }
0x19d: {  	v15 =	vld [tilespmem:s31+$0xFA70]  }
0x19e: {  	v16 =	vld [tilespmem:s31+$0xFAA0]  }
0x19f: {  	v6 =	vadd.f32 v10, v6;
	v7 =	vadd.f32 v11, v7;
	v10 =	vld [tilespmem:s31+$0xFAB0]  }
0x1a0: {  	v9 =	vadd.f32 v12, v9;
	v8 =	vadd.f32 v13, v8;
	v11 =	vld [tilespmem:s31+$0xFAE0]  }
0x1a1: {  	v4 =	vadd.f32 v4, v6;
	v5 =	vadd.f32 v5, v7;
	v12 =	vld [tilespmem:s31+$0xFAF0];
	s31 =	sshra.s32 s1, $0x2  }
0x1a2: {  	v6 =	vadd.f32 v14, v9;
	v13 =	vld [tilespmem:s31+$0xFAC0];
	v7 =	vadd.f32 v15, v8  }
0x1a3: {  	v4 =	vadd.f32 v2, v4;
	v5 =	vadd.f32 v3, v5;
	v14 =	vld [tilespmem:s31+$0xFAD0]  }
0x1a4: {  	v8 =	vadd.f32 v16, v6;
	v2 =	vld [tilespmem:s31+$0xFA80];
	v10 =	vadd.f32 v10, v7  }
0x1a5: {  	v6 =	vadd.f32 v0, v4;
	v7 =	vadd.f32 v1, v5;
	v3 =	vld [tilespmem:s31+$0xFA90]  }
.Ltmp9:
0x1a6: {  	v9 =	vadd.f32 v11, v8;
	v4 =	vld [tilespmem:s31+$0xFA40];
	v8 =	vadd.f32 v12, v10;
	(pc) =	sbr.rel @p1 .LBB2_17-.Ltmp9, $4  }
0x1a7: {  	v5 =	vld [tilespmem:s31+$0xFA50];
	v0 =	vmov v13  }
0x1a8: {  	v10 =	vld [tilespmem:s31+$0xFA00];
	v1 =	vmov v14  }
0x1a9: {  	v11 =	vld [tilespmem:s31+$0xFA10]  }
0x1aa: {  	s1 =	sadd.s32 $0x400, s1;
	v12 =	vld [tilespmem:s31+$0xFA20]  }
0x1ab: {  	v13 =	vld [tilespmem:s31+$0xFA30]  }
0x1ac: {  	v14 =	vld [tilespmem:s31+$0xFA60]  }
0x1ad: {  	v15 =	vld [tilespmem:s31+$0xFA70]  }
0x1ae: {  	v16 =	vld [tilespmem:s31+$0xFAA0]  }
0x1af: {  	v6 =	vadd.f32 v10, v6;
	v10 =	vld [tilespmem:s31+$0xFAB0];
	v9 =	vadd.f32 v12, v9  }
0x1b0: {  	v7 =	vadd.f32 v11, v7;
	v11 =	vld [tilespmem:s31+$0xFAE0];
	v8 =	vadd.f32 v13, v8  }
0x1b1: {  	v4 =	vadd.f32 v4, v6;
	v6 =	vld [tilespmem:s31+$0xFAF0];
	v9 =	vadd.f32 v14, v9  }
0x1b2: {  	v5 =	vadd.f32 v5, v7;
	v7 =	vadd.f32 v15, v8  }
0x1b3: {  	v2 =	vadd.f32 v2, v4;
	v4 =	vadd.f32 v16, v9  }
0x1b4: {  	v3 =	vadd.f32 v3, v5;
	v5 =	vadd.f32 v10, v7  }
0x1b5: {  	v0 =	vadd.f32 v0, v2;
	v2 =	vadd.f32 v11, v4  }
0x1b6: {  	v1 =	vadd.f32 v1, v3;
	v3 =	vadd.f32 v6, v5  }
0x1b7: {  	v0 =	vadd.f32 v2, v0  }
0x1b8: {  	v1 =	vadd.f32 v3, v1  }
0x1b9: {  	[tilespmem:s29+$0x12CC0] =	vst v0  }
0x1ba: {  	s0 =	sadd.s32 @!p0 $0xAF0, s30;
	s1 =	simm.s32 @!p0 $0x68;
	s31 =	simm.s32 @!p0 $0xFA00;
	[tilespmem:s29+$0x12CD0] =	vst v1  }
0x1bb: {  	[tilespmem:s31], [sflag:$0x7] =	stream.indirect.gather @!p0 [hbm4b:s3+s1], $0x20, s0, s1, $0xb8;
	[tilespmem:$0x13C00] =	vst v63  }
0x1bc: {  	s0 =	sadd.s32 @!p0 $0xB58, s30;
	s1 =	simm.s32 @!p0 $0x60;
	s30 =	simm.s32 @!p0 $0x10700  }
0x1bd: {  	[tilespmem:s30], [sflag:$0x7] =	stream.indirect.gather @!p0 [hbm4b:s3+s1], $0x20, s0, s1, $0xb8;
	[tilespmem:$0x13C00] =	vst v63  }
0x1be: {  	_ =	swait.ge [sflag:s24], $0xD00  }
0x1bf: {  	[sflag:s24] =	ssyncset.done $0x0  }
0x1c0: {  	[sflag:s24] =	ssyncadd.s32 $0xFFFFF300  }
0x1c1: {  	_ =	swait.ge [sflag:s24], $0xC00  }
0x1c2: {  	[sflag:s24] =	ssyncset.done $0x0  }
0x1c3: {  	s30 =	simm.s32 $0x0;
	[sflag:s24] =	ssyncadd.s32 $0xFFFFF400  }
0x1c4: {  	v0 =	vld [tilespmem:s30+$0x113C0]  }
0x1c5: {  	v1 =	vld [tilespmem:s30+$0x113D0]  }
0x1c6: {  	v2 =	vld [tilespmem:s30+$0x11380]  }
0x1c7: {  	v3 =	vld [tilespmem:s30+$0x11390]  }
0x1c8: {  	v4 =	vld [tilespmem:s30+$0x11340]  }
0x1c9: {  	v5 =	vld [tilespmem:s30+$0x11350]  }
0x1ca: {  	v10 =	vld [tilespmem:s30+$0x11300]  }
0x1cb: {  	v8 =	vimm.f32 $0.0e+00;
	v11 =	vld [tilespmem:s30+$0x11310]  }
0x1cc: {  	v9 =	vimm.f32 $0.0e+00;
	v7 =	vimm.f32 $0.0e+00;
	v6 =	vimm.f32 $0.0e+00;
	s1 =	simm.s32 $0x400;
	v12 =	vld [tilespmem:s30+$0x11320]  }
.LBB2_19:
0x1cd: {  	p1 =	sne.s32 s1, $0x6000;
	v13 =	vld [tilespmem:s30+$0x11330]  }
0x1ce: {  	v14 =	vld [tilespmem:s30+$0x11360]  }
0x1cf: {  	v15 =	vld [tilespmem:s30+$0x11370]  }
0x1d0: {  	v16 =	vld [tilespmem:s30+$0x113A0]  }
0x1d1: {  	v6 =	vadd.f32 v10, v6;
	v7 =	vadd.f32 v11, v7;
	v10 =	vld [tilespmem:s30+$0x113B0]  }
0x1d2: {  	v9 =	vadd.f32 v12, v9;
	v8 =	vadd.f32 v13, v8;
	v11 =	vld [tilespmem:s30+$0x113E0]  }
0x1d3: {  	v4 =	vadd.f32 v4, v6;
	v5 =	vadd.f32 v5, v7;
	v12 =	vld [tilespmem:s30+$0x113F0];
	s30 =	sshra.s32 s1, $0x2  }
0x1d4: {  	v6 =	vadd.f32 v14, v9;
	v13 =	vld [tilespmem:s30+$0x113C0];
	v7 =	vadd.f32 v15, v8  }
0x1d5: {  	v4 =	vadd.f32 v2, v4;
	v5 =	vadd.f32 v3, v5;
	v14 =	vld [tilespmem:s30+$0x113D0]  }
0x1d6: {  	v8 =	vadd.f32 v16, v6;
	v2 =	vld [tilespmem:s30+$0x11380];
	v10 =	vadd.f32 v10, v7  }
0x1d7: {  	v6 =	vadd.f32 v0, v4;
	v7 =	vadd.f32 v1, v5;
	v3 =	vld [tilespmem:s30+$0x11390]  }
.Ltmp10:
0x1d8: {  	v9 =	vadd.f32 v11, v8;
	v4 =	vld [tilespmem:s30+$0x11340];
	v8 =	vadd.f32 v12, v10;
	(pc) =	sbr.rel @p1 .LBB2_19-.Ltmp10, $4  }
0x1d9: {  	v5 =	vld [tilespmem:s30+$0x11350];
	v0 =	vmov v13  }
0x1da: {  	v10 =	vld [tilespmem:s30+$0x11300];
	v1 =	vmov v14  }
0x1db: {  	v11 =	vld [tilespmem:s30+$0x11310]  }
0x1dc: {  	s1 =	sadd.s32 $0x400, s1;
	v12 =	vld [tilespmem:s30+$0x11320]  }
0x1dd: {  	v13 =	vld [tilespmem:s30+$0x11330]  }
0x1de: {  	v14 =	vld [tilespmem:s30+$0x11360]  }
0x1df: {  	v15 =	vld [tilespmem:s30+$0x11370]  }
0x1e0: {  	v16 =	vld [tilespmem:s30+$0x113A0]  }
0x1e1: {  	v56 =	vld [tilespmem:s30+$0x113B0];
	v6 =	vadd.f32 v10, v6;
	v9 =	vadd.f32 v12, v9  }
0x1e2: {  	v57 =	vld [tilespmem:s30+$0x113E0];
	v7 =	vadd.f32 v11, v7;
	v8 =	vadd.f32 v13, v8  }
0x1e3: {  	v58 =	vld [tilespmem:s30+$0x113F0];
	v4 =	vadd.f32 v4, v6;
	v9 =	vadd.f32 v14, v9  }
0x1e4: {  	v5 =	vadd.f32 v5, v7;
	v59 =	vadd.f32 v15, v8  }
0x1e5: {  	v2 =	vadd.f32 v2, v4;
	v60 =	vadd.f32 v16, v9  }
0x1e6: {  	v3 =	vadd.f32 v3, v5;
	v61 =	vadd.f32 v56, v59  }
0x1e7: {  	v0 =	vadd.f32 v0, v2;
	v62 =	vadd.f32 v57, v60  }
.Ltmp11:
0x1e8: {  	v1 =	vadd.f32 v1, v3;
	v63 =	vadd.f32 v58, v61;
	(pc) =	sbr.rel @p0 .LBB2_22-.Ltmp11, $4  }
0x1e9: {  	v0 =	vadd.f32 v62, v0  }
0x1ea: {  	v1 =	vadd.f32 v63, v1  }
0x1eb: {  	[tilespmem:s29+$0x12CE0] =	vst v0  }
0x1ec: {  	[tilespmem:s29+$0x12CF0] =	vst v1  }
0x1ed: {  	s0 =	smul.u32 $0x1900, s28;
	_ =	sdelay $0x1  }
.Ltmp12:
0x1ee: {  	s0 =	sshra.s32 s0, $0x2;
	(pc) =	sbr.rel .LBB2_4-.Ltmp12, $4  }
0x1ef: {  	s1 =	sadd.s32 $0xBB8, s0  }
0x1f0: {  	[tilespmem:s14], [sflag:$0x8] =	stream.indirect.gather [hbm4b:s3+s8], $0x20, s1, s8, $0xb8;
	[tilespmem:$0x13C00] =	vst v63  }
0x1f1: {  	s28 =	sadd.s32 $0x1, s28;
	s0 =	sadd.s32 $0xC20, s0  }
0x1f2: {  	[tilespmem:s16], [sflag:$0x8] =	stream.indirect.gather [hbm4b:s3+s10], $0x20, s0, s10, $0xb8;
	[tilespmem:$0x13C00] =	vst v63  }
.LBB2_23:
0x1f3: {  	_ =	sfence.sel $0x180000  }
0x1f4: {  	[bflag:$0x0] =	sbarrier.arrive $0xFFFF  }
0x1f5: {  	_ =	strace $0x90000047  }
0x1f6: {  	s0 =	stileid.u32;
	[bflag:$0x2] =	sbarrier.arrive $0xFFFF  }
0x1f7: {  	p0 =	sne.s32 s0, $0x0;
	s0 =	rddreg [dreg:$0x2]  }
0x1f8: {  	s0 =	sadd.s32 @!p0 $0x100000, s0  }
0x1f9: {  	[sflag:s0] =	ssyncadd.tile.s32 @!p0 $0x1;
	_ =	shalt  }
.Lfunc_end2:
_tile_overlayer_lowered:
.L_overlay_start_2:
0x1fa: {  	(tag) =	ssettag $0x2  }
0x1fb: {  	s0 =	rddreg [dreg:$0x0];
	s2 =	stileid.u32  }
0x1fc: {  	s1 =	rddreg [dreg:$0x1];
	p0 =	sne.s32 s2, $0x0  }
0x1fd: {  	s3 =	rddreg [dreg:$0x2];
	[bflag:$0x3] =	sbarrier.arrive $0xFFFF;
	s2 =	simm.s32 @!p0 $0x1C09  }
0x1fe: {  	[timem:s3], [sflag:s2] =	dma.local @!p0 [hbm:s0], s1  }
0x1ff: {  	s0 =	simm.s32 @!p0 $0x9  }
0x200: {  	_ =	swait.ge @!p0 [sflag:s0], s1  }
0x201: {  	s1 =	ssub.s32 @!p0 $0x0, s1;
	[sflag:s0] =	ssyncset.done @!p0 $0x0  }
0x202: {  	[sflag:s0] =	ssyncadd.s32 @!p0 s1  }
0x203: {  	[bflag:$0x3] =	sbarrier.arrive $0xFFFF  }
0x204: {  	_ =	shalt  }

</sc_bundles>
